<compile_context>
chip_gen: v7x
topology: tpu7x:2x2x1
jax: 0.10.2.dev20260603
libtpu: 0.0.44.dev20260713+nightly
codegen_flags: <defaults>
</compile_context>

<pallas_src>
import functools

import jax
import jax.numpy as jnp
from jax import lax
from jax.experimental import pallas as pl
from jax.experimental.pallas import tpu as pltpu
from jax.experimental.pallas import tpu_sc as plsc

B = 4
S = 4096
D_MODEL = 4096
H = 32
D_HEAD = D_MODEL // H
SB = 512
HB = 32

NC = 2
NS = 16
NW = NC * NS
ROWS_TOTAL = B * S * H
PER_W = ROWS_TOTAL // NW
CH = 128
NCH = PER_W // CH


def _proj_kernel(x_ref, w_ref, keys_ref):
    xb = x_ref[0]
    w = w_ref[...]
    proj = lax.dot_general(w, xb, (((1,), (1,)), ((), ())),
                           preferred_element_type=jnp.float32)
    keys_ref[0] = proj[:H, :] / proj[H:, :]


def _projection(x, W):
    return pl.pallas_call(
        _proj_kernel,
        grid=(B, S // SB),
        in_specs=[
            pl.BlockSpec((1, SB, D_MODEL), lambda b, s: (b, s, 0)),
            pl.BlockSpec((2 * H, D_MODEL), lambda b, s: (0, 0)),
        ],
        out_specs=pl.BlockSpec((1, H, SB), lambda b, s: (b, 0, s)),
        out_shape=jax.ShapeDtypeStruct((B, H, S), jnp.float32),
    )(x, W)


def _sort_kernel(keys_ref, flat_ref):
    kf = keys_ref[0]
    ib = lax.bitcast_convert_type(kf, jnp.int32)
    key = ib ^ lax.shift_right_logical(
        lax.shift_right_arithmetic(ib, 31), 1)
    lane = lax.broadcasted_iota(jnp.int32, (HB, S), 1)
    v = (key & jnp.int32(~0xFFF)) | lane
    kk = 2
    while kk <= S:
        j = kk // 2
        while j >= 1:
            is_lo = (lane & j) == 0
            up = (lane & kk) == 0
            pk = jnp.where(is_lo, pltpu.roll(v, S - j, 1), pltpu.roll(v, j, 1))
            lo = jnp.where(is_lo, v, pk)
            hi = jnp.where(is_lo, pk, v)
            doswap = (up & (lo > hi)) | (~up & (lo < hi))
            v = jnp.where(doswap, pk, v)
            j //= 2
        kk *= 2
    p = v & 0xFFF
    b = pl.program_id(0)
    h = (lax.broadcasted_iota(jnp.int32, (HB, S), 0)
         + pl.program_id(1) * HB)
    flat_ref[0] = (b * (S * H) + lax.shift_right_logical(p, 3) * (H * 8)
                   + h * 8 + (p & 7))


def _argsort_flat(keys):
    return pl.pallas_call(
        _sort_kernel,
        grid=(B, H // HB),
        in_specs=[pl.BlockSpec((1, HB, S), lambda b, hb: (b, hb, 0))],
        out_specs=pl.BlockSpec((1, HB, S), lambda b, hb: (b, hb, 0)),
        out_shape=jax.ShapeDtypeStruct((B, H, S), jnp.int32),
    )(keys)


K = 2


@functools.partial(
    pl.kernel,
    out_type=jax.ShapeDtypeStruct((ROWS_TOTAL, D_HEAD), jnp.float32),
    mesh=plsc.VectorSubcoreMesh(core_axis_name="c", subcore_axis_name="s"),
    scratch_types=[
        pltpu.VMEM((NCH, CH), jnp.int32),
        pltpu.VMEM((CH, D_HEAD), jnp.float32),
        pltpu.VMEM((CH, D_HEAD), jnp.float32),
        pltpu.VMEM((CH, D_HEAD), jnp.float32),
        pltpu.VMEM((CH, D_HEAD), jnp.float32),
        pltpu.SemaphoreType.DMA,
        pltpu.SemaphoreType.DMA,
        pltpu.SemaphoreType.DMA,
        pltpu.SemaphoreType.DMA,
    ],
)
def _sc_permute_copy(x_hbm, idx_hbm, out_hbm,
                     idx_all, r0, r1, r2, r3,
                     sem_ga, sem_gb, sem_sa, sem_sb):
    wid = lax.axis_index("s") * NC + lax.axis_index("c")
    sets = (((r0, r1), sem_ga, sem_sa),
            ((r2, r3), sem_gb, sem_sb))

    pltpu.sync_copy(idx_hbm.at[wid], idx_all)

    NSETS = len(sets)

    def run_group(j0, bufs, sem_g, sem_s, drain_prev):
        @pl.when(drain_prev)
        def _():
            for t in range(K):
                pltpu.make_async_copy(bufs[t],
                                      out_hbm.at[idx_all.at[j0 - NSETS * K
                                                            + t]],
                                      sem_s).wait()
        for t in range(K):
            pltpu.async_copy(x_hbm.at[idx_all.at[j0 + t]], bufs[t], sem_g)
        for t in range(K):
            pltpu.make_async_copy(x_hbm.at[idx_all.at[j0 + t]], bufs[t],
                                  sem_g).wait()
        for t in range(K):
            pltpu.async_copy(bufs[t], out_hbm.at[idx_all.at[j0 + t]], sem_s)

    def body(g, _):
        j0 = NSETS * K * g
        for si, (bufs, sem_g, sem_s) in enumerate(sets):
            run_group(j0 + si * K, bufs, sem_g, sem_s, g >= 1)
        return 0

    lax.fori_loop(0, NCH // (NSETS * K), body, 0)
    for si, (bufs, _, sem_s) in enumerate(sets):
        for t in range(K):
            pltpu.make_async_copy(bufs[t],
                                  out_hbm.at[idx_all.at[si * K + t]],
                                  sem_s).wait()


def kernel(x, W):
    keys = _projection(x, W)
    flat = _argsort_flat(keys)
    idx2 = flat.reshape(NW, NCH, CH)
    xp = (x.reshape(B, S // 8, 8, H, D_HEAD)
           .transpose(0, 1, 3, 2, 4)
           .reshape(ROWS_TOTAL, D_HEAD))
    outp = _sc_permute_copy(xp, idx2)
    return (outp.reshape(B, S // 8, H, 8, D_HEAD)
                .transpose(0, 1, 3, 2, 4)
                .reshape(B, S, D_MODEL))

# --- scband reference (transcript-rebuilt; emitter-appended) ---
"""Pipeline reference for scband-with-lshsort-1090921693333 (READ-ONLY COPY).

The authoritative reference and input builder live on the scoring server;
editing this copy changes nothing except your own understanding.
"""

import jax, jax.numpy as jnp
import numpy as np

B = 4
S = 4096
D_MODEL = 4096
H = 32
D_HEAD = D_MODEL // H


def setup_inputs(seed: int = 0) -> dict:
    key = jax.random.key(seed)
    k1, k2 = jax.random.split(key)
    x = jax.random.normal(k1, (B, S, D_MODEL), dtype=jnp.float32)
    # torch nn.Linear(d_model, 2*n_heads, bias=False) weight: [2*H, D_MODEL]
    W = jax.random.normal(k2, (2 * H, D_MODEL), dtype=jnp.float32) * (1.0 / np.sqrt(D_MODEL))
    return {"x": x, "W": W}


def reference(x, W):
    # hash projection: [B, S, 2H]
    projected = jnp.einsum('bsd,hd->bsh', x, W)
    h_x = projected[:, :, :H]
    h_y = projected[:, :, H:]
    angles = jnp.arctan(h_x / h_y)
    # argsort along sequence dim per (batch, head): [B, S, H]
    indexes = jnp.argsort(angles, axis=1)
    idx = jnp.broadcast_to(indexes[:, :, :, None], (B, S, H, D_HEAD))
    xh = x.reshape(B, S, H, D_HEAD)
    b_idx = jnp.arange(B)[:, None, None, None]
    h_idx = jnp.arange(H)[None, None, :, None]
    d_idx = jnp.arange(D_HEAD)[None, None, None, :]
    # gather along seq dim (torch.gather(x, 1, indexes))
    xg = xh[b_idx, idx, h_idx, d_idx]
    xg = xg.reshape(B, S, D_MODEL)
    # submodule = nn.Identity()
    xm = xg
    xm = xm.reshape(B, S, H, D_HEAD)
    # scatter-overwrite along seq dim (torch.scatter(zeros, 1, indexes, x))
    out = jnp.zeros_like(xm).at[b_idx, idx, h_idx, d_idx].set(xm)
    return out.reshape(B, S, D_MODEL)

if __name__ == "__main__":
    import jax
    _d = setup_inputs()
    print(jax.jit(kernel)(*tuple(_d.values())))

</pallas_src>

<mosaic_0001>
#map = affine_map<(d0, d1) -> (0, 0)>
#map1 = affine_map<(d0, d1) -> (0, 0, 0)>
module attributes {stable_mosaic.version = 14 : i64} {
  func.func @_sc_permute_copy(%arg0: i32, %arg1: i32, %arg2: memref<524288x128xf32, #tpu.memory_space<hbm>>, %arg3: memref<32x128x128xi32, #tpu.memory_space<hbm>>, %arg4: memref<524288x128xf32, #tpu.memory_space<hbm>>, %arg5: memref<128x128xi32, #tpu.memory_space<vmem>>, %arg6: memref<128x128xf32, #tpu.memory_space<vmem>>, %arg7: memref<128x128xf32, #tpu.memory_space<vmem>>, %arg8: memref<128x128xf32, #tpu.memory_space<vmem>>, %arg9: memref<128x128xf32, #tpu.memory_space<vmem>>, %arg10: memref<!tpu.dma_semaphore, #tpu.memory_space<semaphore_mem>>, %arg11: memref<!tpu.dma_semaphore, #tpu.memory_space<semaphore_mem>>, %arg12: memref<!tpu.dma_semaphore, #tpu.memory_space<semaphore_mem>>, %arg13: memref<!tpu.dma_semaphore, #tpu.memory_space<semaphore_mem>>) attributes {dimension_semantics = [#tpu.dimension_semantics<core_parallel>, #tpu.dimension_semantics<subcore_parallel>], iteration_bounds = array<i64: 2, 16>, scalar_prefetch = 0 : i64, scratch_operands = 9 : i64, tpu.core_type = #tpu.core_type<sc_vector_subcore>, window_params = [{transform_indices = #map}, {transform_indices = #map1}, {transform_indices = #map}]} {
    %mul3A = arith.constant 2 : i32
    %mul3A_0 = arith.muli %arg1, %mul3A : i32
    %add3A = arith.addi %mul3A_0, %arg0 : i32
    "tpu.region"() ({
      %run_scoped3A = tpu.sem_alloc : memref<!tpu.dma_semaphore, #tpu.memory_space<semaphore_mem>>
      %dma_start3A = arith.constant 0 : i32
      %dma_start3A_34 = arith.constant 0 : i32
      %dma_start3A_35 = tpu.memref_slice %arg3[%add3A, %dma_start3A, %dma_start3A_34] : memref<32x128x128xi32, #tpu.memory_space<hbm>> -> memref<1x128x128xi32, #tpu.memory_space<hbm>>
      %dma_start3A_36 = tpu.memref_squeeze %dma_start3A_35 : memref<1x128x128xi32, #tpu.memory_space<hbm>> -> memref<128x128xi32, #tpu.memory_space<hbm>>
      %dma_start3A_37 = arith.constant 0 : i32
      %dma_start3A_38 = arith.constant 0 : i32
      %dma_start3A_39 = tpu.memref_slice %arg3[%add3A, %dma_start3A_37, %dma_start3A_38] : memref<32x128x128xi32, #tpu.memory_space<hbm>> -> memref<1x128x128xi32, #tpu.memory_space<hbm>>
      %dma_start3A_40 = tpu.memref_squeeze %dma_start3A_39 : memref<1x128x128xi32, #tpu.memory_space<hbm>> -> memref<128x128xi32, #tpu.memory_space<hbm>>
      tpu.enqueue_dma source(%dma_start3A_40 : memref<128x128xi32, #tpu.memory_space<hbm>>) target(%arg5 : memref<128x128xi32, #tpu.memory_space<vmem>>) target_semaphore(%run_scoped3A : memref<!tpu.dma_semaphore, #tpu.memory_space<semaphore_mem>>)
      %dma_wait3A_41 = arith.constant 0 : i32
      %dma_wait3A_42 = arith.constant 0 : i32
      %dma_wait3A_43 = tpu.memref_slice %arg3[%add3A, %dma_wait3A_41, %dma_wait3A_42] : memref<32x128x128xi32, #tpu.memory_space<hbm>> -> memref<1x128x128xi32, #tpu.memory_space<hbm>>
      %dma_wait3A_44 = tpu.memref_squeeze %dma_wait3A_43 : memref<1x128x128xi32, #tpu.memory_space<hbm>> -> memref<128x128xi32, #tpu.memory_space<hbm>>
      %dma_wait3A_45 = arith.constant 0 : i32
      %dma_wait3A_46 = arith.constant 0 : i32
      %dma_wait3A_47 = tpu.memref_slice %arg3[%add3A, %dma_wait3A_45, %dma_wait3A_46] : memref<32x128x128xi32, #tpu.memory_space<hbm>> -> memref<1x128x128xi32, #tpu.memory_space<hbm>>
      %dma_wait3A_48 = tpu.memref_squeeze %dma_wait3A_47 : memref<1x128x128xi32, #tpu.memory_space<hbm>> -> memref<128x128xi32, #tpu.memory_space<hbm>>
      tpu.wait_dma2 semaphore(%run_scoped3A : memref<!tpu.dma_semaphore, #tpu.memory_space<semaphore_mem>>) src(%dma_wait3A_48 : memref<128x128xi32, #tpu.memory_space<hbm>>) dst(%arg5 : memref<128x128xi32, #tpu.memory_space<vmem>>)
      tpu.yield
    }) : () -> ()
    %scan3A = arith.constant 0 : i32
    %scan3A_1 = arith.constant 0 : i32
    %scan3A_2 = arith.constant 32 : i32
    %scan3A_3 = arith.addi %scan3A_1, %scan3A_2 : i32
    %scan3A_4 = arith.constant 1 : i32
    %scan3A_5 = scf.for %scan3A_34 = %scan3A_1 to %scan3A_3 step %scan3A_4 iter_args(%scan3A_35 = %scan3A) -> (i32)  : i32 {
      %mul3A_36 = arith.constant 4 : i32
      %mul3A_37 = arith.muli %mul3A_36, %scan3A_34 : i32
      %add3A_38 = arith.constant 0 : i32
      %add3A_39 = arith.addi %mul3A_37, %add3A_38 : i32
      %ge3A = arith.constant 1 : i32
      %ge3A_40 = arith.cmpi sge, %scan3A_34, %ge3A : i32
      %convert_element_type3A = arith.extui %ge3A_40 : i1 to i32
      %cond3A = arith.constant 0 : i32
      %cond3A_41 = arith.cmpi ne, %convert_element_type3A, %cond3A : i32
      scf.if %cond3A_41 {
        %sub3A = arith.constant 4 : i32
        %sub3A_145 = arith.subi %add3A_39, %sub3A : i32
        %add3A_146 = arith.constant 0 : i32
        %add3A_147 = arith.addi %sub3A_145, %add3A_146 : i32
        %dma_wait3A_148 = arith.constant 0 : i32
        %dma_wait3A_149 = tpu.memref_slice %arg5[%add3A_147, %dma_wait3A_148] : memref<128x128xi32, #tpu.memory_space<vmem>> -> memref<1x128xi32, #tpu.memory_space<vmem>>
        %dma_wait3A_150 = tpu.memref_squeeze %dma_wait3A_149 : memref<1x128xi32, #tpu.memory_space<vmem>> -> memref<128xi32, #tpu.memory_space<vmem>>
        %dma_wait3A_151 = arith.constant 0 : i32
        %dma_wait3A_152 = arith.constant 0 : i32
        %dma_wait3A_153 = tpu.memref_slice %arg4[%dma_wait3A_151, %dma_wait3A_152] : memref<524288x128xf32, #tpu.memory_space<hbm>> -> memref<524288x128xf32, #tpu.memory_space<hbm>>
        tpu.wait_indirect_dma semaphore(%arg12 : memref<!tpu.dma_semaphore, #tpu.memory_space<semaphore_mem>>) src(%arg6 : memref<128x128xf32, #tpu.memory_space<vmem>>) dst(%dma_wait3A_153 : memref<524288x128xf32, #tpu.memory_space<hbm>>)
        %sub3A_154 = arith.constant 4 : i32
        %sub3A_155 = arith.subi %add3A_39, %sub3A_154 : i32
        %add3A_156 = arith.constant 1 : i32
        %add3A_157 = arith.addi %sub3A_155, %add3A_156 : i32
        %dma_wait3A_158 = arith.constant 0 : i32
        %dma_wait3A_159 = tpu.memref_slice %arg5[%add3A_157, %dma_wait3A_158] : memref<128x128xi32, #tpu.memory_space<vmem>> -> memref<1x128xi32, #tpu.memory_space<vmem>>
        %dma_wait3A_160 = tpu.memref_squeeze %dma_wait3A_159 : memref<1x128xi32, #tpu.memory_space<vmem>> -> memref<128xi32, #tpu.memory_space<vmem>>
        %dma_wait3A_161 = arith.constant 0 : i32
        %dma_wait3A_162 = arith.constant 0 : i32
        %dma_wait3A_163 = tpu.memref_slice %arg4[%dma_wait3A_161, %dma_wait3A_162] : memref<524288x128xf32, #tpu.memory_space<hbm>> -> memref<524288x128xf32, #tpu.memory_space<hbm>>
        tpu.wait_indirect_dma semaphore(%arg12 : memref<!tpu.dma_semaphore, #tpu.memory_space<semaphore_mem>>) src(%arg7 : memref<128x128xf32, #tpu.memory_space<vmem>>) dst(%dma_wait3A_163 : memref<524288x128xf32, #tpu.memory_space<hbm>>)
      } else {
      }
      %add3A_42 = arith.constant 0 : i32
      %add3A_43 = arith.addi %add3A_39, %add3A_42 : i32
      %dma_start3A = arith.constant 0 : i32
      %dma_start3A_44 = tpu.memref_slice %arg5[%add3A_43, %dma_start3A] : memref<128x128xi32, #tpu.memory_space<vmem>> -> memref<1x128xi32, #tpu.memory_space<vmem>>
      %dma_start3A_45 = tpu.memref_squeeze %dma_start3A_44 : memref<1x128xi32, #tpu.memory_space<vmem>> -> memref<128xi32, #tpu.memory_space<vmem>>
      %dma_start3A_46 = arith.constant 0 : i32
      %dma_start3A_47 = arith.constant 0 : i32
      %dma_start3A_48 = tpu.memref_slice %arg2[%dma_start3A_46, %dma_start3A_47] : memref<524288x128xf32, #tpu.memory_space<hbm>> -> memref<524288x128xf32, #tpu.memory_space<hbm>>
      tpu.enqueue_indirect_dma source(%dma_start3A_48 : memref<524288x128xf32, #tpu.memory_space<hbm>>) target(%arg6 : memref<128x128xf32, #tpu.memory_space<vmem>>) offsets(%dma_start3A_45 : memref<128xi32, #tpu.memory_space<vmem>>) semaphore(%arg10 : memref<!tpu.dma_semaphore, #tpu.memory_space<semaphore_mem>>)
      %add3A_49 = arith.constant 1 : i32
      %add3A_50 = arith.addi %add3A_39, %add3A_49 : i32
      %dma_start3A_51 = arith.constant 0 : i32
      %dma_start3A_52 = tpu.memref_slice %arg5[%add3A_50, %dma_start3A_51] : memref<128x128xi32, #tpu.memory_space<vmem>> -> memref<1x128xi32, #tpu.memory_space<vmem>>
      %dma_start3A_53 = tpu.memref_squeeze %dma_start3A_52 : memref<1x128xi32, #tpu.memory_space<vmem>> -> memref<128xi32, #tpu.memory_space<vmem>>
      %dma_start3A_54 = arith.constant 0 : i32
      %dma_start3A_55 = arith.constant 0 : i32
      %dma_start3A_56 = tpu.memref_slice %arg2[%dma_start3A_54, %dma_start3A_55] : memref<524288x128xf32, #tpu.memory_space<hbm>> -> memref<524288x128xf32, #tpu.memory_space<hbm>>
      tpu.enqueue_indirect_dma source(%dma_start3A_56 : memref<524288x128xf32, #tpu.memory_space<hbm>>) target(%arg7 : memref<128x128xf32, #tpu.memory_space<vmem>>) offsets(%dma_start3A_53 : memref<128xi32, #tpu.memory_space<vmem>>) semaphore(%arg10 : memref<!tpu.dma_semaphore, #tpu.memory_space<semaphore_mem>>)
      %add3A_57 = arith.constant 0 : i32
      %add3A_58 = arith.addi %add3A_39, %add3A_57 : i32
      %dma_wait3A_59 = arith.constant 0 : i32
      %dma_wait3A_60 = tpu.memref_slice %arg5[%add3A_58, %dma_wait3A_59] : memref<128x128xi32, #tpu.memory_space<vmem>> -> memref<1x128xi32, #tpu.memory_space<vmem>>
      %dma_wait3A_61 = tpu.memref_squeeze %dma_wait3A_60 : memref<1x128xi32, #tpu.memory_space<vmem>> -> memref<128xi32, #tpu.memory_space<vmem>>
      %dma_wait3A_62 = arith.constant 0 : i32
      %dma_wait3A_63 = arith.constant 0 : i32
      %dma_wait3A_64 = tpu.memref_slice %arg2[%dma_wait3A_62, %dma_wait3A_63] : memref<524288x128xf32, #tpu.memory_space<hbm>> -> memref<524288x128xf32, #tpu.memory_space<hbm>>
      tpu.wait_indirect_dma semaphore(%arg10 : memref<!tpu.dma_semaphore, #tpu.memory_space<semaphore_mem>>) src(%dma_wait3A_64 : memref<524288x128xf32, #tpu.memory_space<hbm>>) dst(%arg6 : memref<128x128xf32, #tpu.memory_space<vmem>>)
      %add3A_65 = arith.constant 1 : i32
      %add3A_66 = arith.addi %add3A_39, %add3A_65 : i32
      %dma_wait3A_67 = arith.constant 0 : i32
      %dma_wait3A_68 = tpu.memref_slice %arg5[%add3A_66, %dma_wait3A_67] : memref<128x128xi32, #tpu.memory_space<vmem>> -> memref<1x128xi32, #tpu.memory_space<vmem>>
      %dma_wait3A_69 = tpu.memref_squeeze %dma_wait3A_68 : memref<1x128xi32, #tpu.memory_space<vmem>> -> memref<128xi32, #tpu.memory_space<vmem>>
      %dma_wait3A_70 = arith.constant 0 : i32
      %dma_wait3A_71 = arith.constant 0 : i32
      %dma_wait3A_72 = tpu.memref_slice %arg2[%dma_wait3A_70, %dma_wait3A_71] : memref<524288x128xf32, #tpu.memory_space<hbm>> -> memref<524288x128xf32, #tpu.memory_space<hbm>>
      tpu.wait_indirect_dma semaphore(%arg10 : memref<!tpu.dma_semaphore, #tpu.memory_space<semaphore_mem>>) src(%dma_wait3A_72 : memref<524288x128xf32, #tpu.memory_space<hbm>>) dst(%arg7 : memref<128x128xf32, #tpu.memory_space<vmem>>)
      %add3A_73 = arith.constant 0 : i32
      %add3A_74 = arith.addi %add3A_39, %add3A_73 : i32
      %dma_start3A_75 = arith.constant 0 : i32
      %dma_start3A_76 = tpu.memref_slice %arg5[%add3A_74, %dma_start3A_75] : memref<128x128xi32, #tpu.memory_space<vmem>> -> memref<1x128xi32, #tpu.memory_space<vmem>>
      %dma_start3A_77 = tpu.memref_squeeze %dma_start3A_76 : memref<1x128xi32, #tpu.memory_space<vmem>> -> memref<128xi32, #tpu.memory_space<vmem>>
      %dma_start3A_78 = arith.constant 0 : i32
      %dma_start3A_79 = arith.constant 0 : i32
      %dma_start3A_80 = tpu.memref_slice %arg4[%dma_start3A_78, %dma_start3A_79] : memref<524288x128xf32, #tpu.memory_space<hbm>> -> memref<524288x128xf32, #tpu.memory_space<hbm>>
      tpu.enqueue_indirect_dma source(%arg6 : memref<128x128xf32, #tpu.memory_space<vmem>>) target(%dma_start3A_80 : memref<524288x128xf32, #tpu.memory_space<hbm>>) offsets(%dma_start3A_77 : memref<128xi32, #tpu.memory_space<vmem>>) semaphore(%arg12 : memref<!tpu.dma_semaphore, #tpu.memory_space<semaphore_mem>>)
      %add3A_81 = arith.constant 1 : i32
      %add3A_82 = arith.addi %add3A_39, %add3A_81 : i32
      %dma_start3A_83 = arith.constant 0 : i32
      %dma_start3A_84 = tpu.memref_slice %arg5[%add3A_82, %dma_start3A_83] : memref<128x128xi32, #tpu.memory_space<vmem>> -> memref<1x128xi32, #tpu.memory_space<vmem>>
      %dma_start3A_85 = tpu.memref_squeeze %dma_start3A_84 : memref<1x128xi32, #tpu.memory_space<vmem>> -> memref<128xi32, #tpu.memory_space<vmem>>
      %dma_start3A_86 = arith.constant 0 : i32
      %dma_start3A_87 = arith.constant 0 : i32
      %dma_start3A_88 = tpu.memref_slice %arg4[%dma_start3A_86, %dma_start3A_87] : memref<524288x128xf32, #tpu.memory_space<hbm>> -> memref<524288x128xf32, #tpu.memory_space<hbm>>
      tpu.enqueue_indirect_dma source(%arg7 : memref<128x128xf32, #tpu.memory_space<vmem>>) target(%dma_start3A_88 : memref<524288x128xf32, #tpu.memory_space<hbm>>) offsets(%dma_start3A_85 : memref<128xi32, #tpu.memory_space<vmem>>) semaphore(%arg12 : memref<!tpu.dma_semaphore, #tpu.memory_space<semaphore_mem>>)
      %add3A_89 = arith.constant 2 : i32
      %add3A_90 = arith.addi %mul3A_37, %add3A_89 : i32
      %ge3A_91 = arith.constant 1 : i32
      %ge3A_92 = arith.cmpi sge, %scan3A_34, %ge3A_91 : i32
      %convert_element_type3A_93 = arith.extui %ge3A_92 : i1 to i32
      %cond3A_94 = arith.constant 0 : i32
      %cond3A_95 = arith.cmpi ne, %convert_element_type3A_93, %cond3A_94 : i32
      scf.if %cond3A_95 {
        %sub3A = arith.constant 4 : i32
        %sub3A_145 = arith.subi %add3A_90, %sub3A : i32
        %add3A_146 = arith.constant 0 : i32
        %add3A_147 = arith.addi %sub3A_145, %add3A_146 : i32
        %dma_wait3A_148 = arith.constant 0 : i32
        %dma_wait3A_149 = tpu.memref_slice %arg5[%add3A_147, %dma_wait3A_148] : memref<128x128xi32, #tpu.memory_space<vmem>> -> memref<1x128xi32, #tpu.memory_space<vmem>>
        %dma_wait3A_150 = tpu.memref_squeeze %dma_wait3A_149 : memref<1x128xi32, #tpu.memory_space<vmem>> -> memref<128xi32, #tpu.memory_space<vmem>>
        %dma_wait3A_151 = arith.constant 0 : i32
        %dma_wait3A_152 = arith.constant 0 : i32
        %dma_wait3A_153 = tpu.memref_slice %arg4[%dma_wait3A_151, %dma_wait3A_152] : memref<524288x128xf32, #tpu.memory_space<hbm>> -> memref<524288x128xf32, #tpu.memory_space<hbm>>
        tpu.wait_indirect_dma semaphore(%arg13 : memref<!tpu.dma_semaphore, #tpu.memory_space<semaphore_mem>>) src(%arg8 : memref<128x128xf32, #tpu.memory_space<vmem>>) dst(%dma_wait3A_153 : memref<524288x128xf32, #tpu.memory_space<hbm>>)
        %sub3A_154 = arith.constant 4 : i32
        %sub3A_155 = arith.subi %add3A_90, %sub3A_154 : i32
        %add3A_156 = arith.constant 1 : i32
        %add3A_157 = arith.addi %sub3A_155, %add3A_156 : i32
        %dma_wait3A_158 = arith.constant 0 : i32
        %dma_wait3A_159 = tpu.memref_slice %arg5[%add3A_157, %dma_wait3A_158] : memref<128x128xi32, #tpu.memory_space<vmem>> -> memref<1x128xi32, #tpu.memory_space<vmem>>
        %dma_wait3A_160 = tpu.memref_squeeze %dma_wait3A_159 : memref<1x128xi32, #tpu.memory_space<vmem>> -> memref<128xi32, #tpu.memory_space<vmem>>
        %dma_wait3A_161 = arith.constant 0 : i32
        %dma_wait3A_162 = arith.constant 0 : i32
        %dma_wait3A_163 = tpu.memref_slice %arg4[%dma_wait3A_161, %dma_wait3A_162] : memref<524288x128xf32, #tpu.memory_space<hbm>> -> memref<524288x128xf32, #tpu.memory_space<hbm>>
        tpu.wait_indirect_dma semaphore(%arg13 : memref<!tpu.dma_semaphore, #tpu.memory_space<semaphore_mem>>) src(%arg9 : memref<128x128xf32, #tpu.memory_space<vmem>>) dst(%dma_wait3A_163 : memref<524288x128xf32, #tpu.memory_space<hbm>>)
      } else {
      }
      %add3A_96 = arith.constant 0 : i32
      %add3A_97 = arith.addi %add3A_90, %add3A_96 : i32
      %dma_start3A_98 = arith.constant 0 : i32
      %dma_start3A_99 = tpu.memref_slice %arg5[%add3A_97, %dma_start3A_98] : memref<128x128xi32, #tpu.memory_space<vmem>> -> memref<1x128xi32, #tpu.memory_space<vmem>>
      %dma_start3A_100 = tpu.memref_squeeze %dma_start3A_99 : memref<1x128xi32, #tpu.memory_space<vmem>> -> memref<128xi32, #tpu.memory_space<vmem>>
      %dma_start3A_101 = arith.constant 0 : i32
      %dma_start3A_102 = arith.constant 0 : i32
      %dma_start3A_103 = tpu.memref_slice %arg2[%dma_start3A_101, %dma_start3A_102] : memref<524288x128xf32, #tpu.memory_space<hbm>> -> memref<524288x128xf32, #tpu.memory_space<hbm>>
      tpu.enqueue_indirect_dma source(%dma_start3A_103 : memref<524288x128xf32, #tpu.memory_space<hbm>>) target(%arg8 : memref<128x128xf32, #tpu.memory_space<vmem>>) offsets(%dma_start3A_100 : memref<128xi32, #tpu.memory_space<vmem>>) semaphore(%arg11 : memref<!tpu.dma_semaphore, #tpu.memory_space<semaphore_mem>>)
      %add3A_104 = arith.constant 1 : i32
      %add3A_105 = arith.addi %add3A_90, %add3A_104 : i32
      %dma_start3A_106 = arith.constant 0 : i32
      %dma_start3A_107 = tpu.memref_slice %arg5[%add3A_105, %dma_start3A_106] : memref<128x128xi32, #tpu.memory_space<vmem>> -> memref<1x128xi32, #tpu.memory_space<vmem>>
      %dma_start3A_108 = tpu.memref_squeeze %dma_start3A_107 : memref<1x128xi32, #tpu.memory_space<vmem>> -> memref<128xi32, #tpu.memory_space<vmem>>
      %dma_start3A_109 = arith.constant 0 : i32
      %dma_start3A_110 = arith.constant 0 : i32
      %dma_start3A_111 = tpu.memref_slice %arg2[%dma_start3A_109, %dma_start3A_110] : memref<524288x128xf32, #tpu.memory_space<hbm>> -> memref<524288x128xf32, #tpu.memory_space<hbm>>
      tpu.enqueue_indirect_dma source(%dma_start3A_111 : memref<524288x128xf32, #tpu.memory_space<hbm>>) target(%arg9 : memref<128x128xf32, #tpu.memory_space<vmem>>) offsets(%dma_start3A_108 : memref<128xi32, #tpu.memory_space<vmem>>) semaphore(%arg11 : memref<!tpu.dma_semaphore, #tpu.memory_space<semaphore_mem>>)
      %add3A_112 = arith.constant 0 : i32
      %add3A_113 = arith.addi %add3A_90, %add3A_112 : i32
      %dma_wait3A_114 = arith.constant 0 : i32
      %dma_wait3A_115 = tpu.memref_slice %arg5[%add3A_113, %dma_wait3A_114] : memref<128x128xi32, #tpu.memory_space<vmem>> -> memref<1x128xi32, #tpu.memory_space<vmem>>
      %dma_wait3A_116 = tpu.memref_squeeze %dma_wait3A_115 : memref<1x128xi32, #tpu.memory_space<vmem>> -> memref<128xi32, #tpu.memory_space<vmem>>
      %dma_wait3A_117 = arith.constant 0 : i32
      %dma_wait3A_118 = arith.constant 0 : i32
      %dma_wait3A_119 = tpu.memref_slice %arg2[%dma_wait3A_117, %dma_wait3A_118] : memref<524288x128xf32, #tpu.memory_space<hbm>> -> memref<524288x128xf32, #tpu.memory_space<hbm>>
      tpu.wait_indirect_dma semaphore(%arg11 : memref<!tpu.dma_semaphore, #tpu.memory_space<semaphore_mem>>) src(%dma_wait3A_119 : memref<524288x128xf32, #tpu.memory_space<hbm>>) dst(%arg8 : memref<128x128xf32, #tpu.memory_space<vmem>>)
      %add3A_120 = arith.constant 1 : i32
      %add3A_121 = arith.addi %add3A_90, %add3A_120 : i32
      %dma_wait3A_122 = arith.constant 0 : i32
      %dma_wait3A_123 = tpu.memref_slice %arg5[%add3A_121, %dma_wait3A_122] : memref<128x128xi32, #tpu.memory_space<vmem>> -> memref<1x128xi32, #tpu.memory_space<vmem>>
      %dma_wait3A_124 = tpu.memref_squeeze %dma_wait3A_123 : memref<1x128xi32, #tpu.memory_space<vmem>> -> memref<128xi32, #tpu.memory_space<vmem>>
      %dma_wait3A_125 = arith.constant 0 : i32
      %dma_wait3A_126 = arith.constant 0 : i32
      %dma_wait3A_127 = tpu.memref_slice %arg2[%dma_wait3A_125, %dma_wait3A_126] : memref<524288x128xf32, #tpu.memory_space<hbm>> -> memref<524288x128xf32, #tpu.memory_space<hbm>>
      tpu.wait_indirect_dma semaphore(%arg11 : memref<!tpu.dma_semaphore, #tpu.memory_space<semaphore_mem>>) src(%dma_wait3A_127 : memref<524288x128xf32, #tpu.memory_space<hbm>>) dst(%arg9 : memref<128x128xf32, #tpu.memory_space<vmem>>)
      %add3A_128 = arith.constant 0 : i32
      %add3A_129 = arith.addi %add3A_90, %add3A_128 : i32
      %dma_start3A_130 = arith.constant 0 : i32
      %dma_start3A_131 = tpu.memref_slice %arg5[%add3A_129, %dma_start3A_130] : memref<128x128xi32, #tpu.memory_space<vmem>> -> memref<1x128xi32, #tpu.memory_space<vmem>>
      %dma_start3A_132 = tpu.memref_squeeze %dma_start3A_131 : memref<1x128xi32, #tpu.memory_space<vmem>> -> memref<128xi32, #tpu.memory_space<vmem>>
      %dma_start3A_133 = arith.constant 0 : i32
      %dma_start3A_134 = arith.constant 0 : i32
      %dma_start3A_135 = tpu.memref_slice %arg4[%dma_start3A_133, %dma_start3A_134] : memref<524288x128xf32, #tpu.memory_space<hbm>> -> memref<524288x128xf32, #tpu.memory_space<hbm>>
      tpu.enqueue_indirect_dma source(%arg8 : memref<128x128xf32, #tpu.memory_space<vmem>>) target(%dma_start3A_135 : memref<524288x128xf32, #tpu.memory_space<hbm>>) offsets(%dma_start3A_132 : memref<128xi32, #tpu.memory_space<vmem>>) semaphore(%arg13 : memref<!tpu.dma_semaphore, #tpu.memory_space<semaphore_mem>>)
      %add3A_136 = arith.constant 1 : i32
      %add3A_137 = arith.addi %add3A_90, %add3A_136 : i32
      %dma_start3A_138 = arith.constant 0 : i32
      %dma_start3A_139 = tpu.memref_slice %arg5[%add3A_137, %dma_start3A_138] : memref<128x128xi32, #tpu.memory_space<vmem>> -> memref<1x128xi32, #tpu.memory_space<vmem>>
      %dma_start3A_140 = tpu.memref_squeeze %dma_start3A_139 : memref<1x128xi32, #tpu.memory_space<vmem>> -> memref<128xi32, #tpu.memory_space<vmem>>
      %dma_start3A_141 = arith.constant 0 : i32
      %dma_start3A_142 = arith.constant 0 : i32
      %dma_start3A_143 = tpu.memref_slice %arg4[%dma_start3A_141, %dma_start3A_142] : memref<524288x128xf32, #tpu.memory_space<hbm>> -> memref<524288x128xf32, #tpu.memory_space<hbm>>
      tpu.enqueue_indirect_dma source(%arg9 : memref<128x128xf32, #tpu.memory_space<vmem>>) target(%dma_start3A_143 : memref<524288x128xf32, #tpu.memory_space<hbm>>) offsets(%dma_start3A_140 : memref<128xi32, #tpu.memory_space<vmem>>) semaphore(%arg13 : memref<!tpu.dma_semaphore, #tpu.memory_space<semaphore_mem>>)
      %scan3A_144 = arith.constant 0 : i32
      scf.yield %scan3A_144 : i32
    }
    %scan3A_6 = arith.constant 32 : i32
    %dma_wait3A = arith.constant 0 : i32
    %dma_wait3A_7 = arith.constant 0 : i32
    %dma_wait3A_8 = tpu.memref_slice %arg5[%dma_wait3A, %dma_wait3A_7] : memref<128x128xi32, #tpu.memory_space<vmem>> -> memref<1x128xi32, #tpu.memory_space<vmem>>
    %dma_wait3A_9 = tpu.memref_squeeze %dma_wait3A_8 : memref<1x128xi32, #tpu.memory_space<vmem>> -> memref<128xi32, #tpu.memory_space<vmem>>
    %dma_wait3A_10 = arith.constant 0 : i32
    %dma_wait3A_11 = arith.constant 0 : i32
    %dma_wait3A_12 = tpu.memref_slice %arg4[%dma_wait3A_10, %dma_wait3A_11] : memref<524288x128xf32, #tpu.memory_space<hbm>> -> memref<524288x128xf32, #tpu.memory_space<hbm>>
    tpu.wait_indirect_dma semaphore(%arg12 : memref<!tpu.dma_semaphore, #tpu.memory_space<semaphore_mem>>) src(%arg6 : memref<128x128xf32, #tpu.memory_space<vmem>>) dst(%dma_wait3A_12 : memref<524288x128xf32, #tpu.memory_space<hbm>>)
    %dma_wait3A_13 = arith.constant 1 : i32
    %dma_wait3A_14 = arith.constant 0 : i32
    %dma_wait3A_15 = tpu.memref_slice %arg5[%dma_wait3A_13, %dma_wait3A_14] : memref<128x128xi32, #tpu.memory_space<vmem>> -> memref<1x128xi32, #tpu.memory_space<vmem>>
    %dma_wait3A_16 = tpu.memref_squeeze %dma_wait3A_15 : memref<1x128xi32, #tpu.memory_space<vmem>> -> memref<128xi32, #tpu.memory_space<vmem>>
    %dma_wait3A_17 = arith.constant 0 : i32
    %dma_wait3A_18 = arith.constant 0 : i32
    %dma_wait3A_19 = tpu.memref_slice %arg4[%dma_wait3A_17, %dma_wait3A_18] : memref<524288x128xf32, #tpu.memory_space<hbm>> -> memref<524288x128xf32, #tpu.memory_space<hbm>>
    tpu.wait_indirect_dma semaphore(%arg12 : memref<!tpu.dma_semaphore, #tpu.memory_space<semaphore_mem>>) src(%arg7 : memref<128x128xf32, #tpu.memory_space<vmem>>) dst(%dma_wait3A_19 : memref<524288x128xf32, #tpu.memory_space<hbm>>)
    %dma_wait3A_20 = arith.constant 2 : i32
    %dma_wait3A_21 = arith.constant 0 : i32
    %dma_wait3A_22 = tpu.memref_slice %arg5[%dma_wait3A_20, %dma_wait3A_21] : memref<128x128xi32, #tpu.memory_space<vmem>> -> memref<1x128xi32, #tpu.memory_space<vmem>>
    %dma_wait3A_23 = tpu.memref_squeeze %dma_wait3A_22 : memref<1x128xi32, #tpu.memory_space<vmem>> -> memref<128xi32, #tpu.memory_space<vmem>>
    %dma_wait3A_24 = arith.constant 0 : i32
    %dma_wait3A_25 = arith.constant 0 : i32
    %dma_wait3A_26 = tpu.memref_slice %arg4[%dma_wait3A_24, %dma_wait3A_25] : memref<524288x128xf32, #tpu.memory_space<hbm>> -> memref<524288x128xf32, #tpu.memory_space<hbm>>
    tpu.wait_indirect_dma semaphore(%arg13 : memref<!tpu.dma_semaphore, #tpu.memory_space<semaphore_mem>>) src(%arg8 : memref<128x128xf32, #tpu.memory_space<vmem>>) dst(%dma_wait3A_26 : memref<524288x128xf32, #tpu.memory_space<hbm>>)
    %dma_wait3A_27 = arith.constant 3 : i32
    %dma_wait3A_28 = arith.constant 0 : i32
    %dma_wait3A_29 = tpu.memref_slice %arg5[%dma_wait3A_27, %dma_wait3A_28] : memref<128x128xi32, #tpu.memory_space<vmem>> -> memref<1x128xi32, #tpu.memory_space<vmem>>
    %dma_wait3A_30 = tpu.memref_squeeze %dma_wait3A_29 : memref<1x128xi32, #tpu.memory_space<vmem>> -> memref<128xi32, #tpu.memory_space<vmem>>
    %dma_wait3A_31 = arith.constant 0 : i32
    %dma_wait3A_32 = arith.constant 0 : i32
    %dma_wait3A_33 = tpu.memref_slice %arg4[%dma_wait3A_31, %dma_wait3A_32] : memref<524288x128xf32, #tpu.memory_space<hbm>> -> memref<524288x128xf32, #tpu.memory_space<hbm>>
    tpu.wait_indirect_dma semaphore(%arg13 : memref<!tpu.dma_semaphore, #tpu.memory_space<semaphore_mem>>) src(%arg9 : memref<128x128xf32, #tpu.memory_space<vmem>>) dst(%dma_wait3A_33 : memref<524288x128xf32, #tpu.memory_space<hbm>>)
    return
  }
}

module attributes {stable_mosaic.version = 14 : i64} {
  func.func @_proj_kernel(%arg0: i32, %arg1: i32, %arg2: memref<1x512x4096xf32, #tpu.memory_space<vmem>>, %arg3: memref<64x4096xf32, #tpu.memory_space<vmem>>, %arg4: memref<1x32x512xf32, #tpu.memory_space<vmem>>) attributes {dimension_semantics = [#tpu.dimension_semantics<arbitrary>, #tpu.dimension_semantics<arbitrary>], iteration_bounds = array<i64: 4, 8>, scalar_prefetch = 0 : i64, scratch_operands = 0 : i64, tpu.core_type = #tpu.core_type<tc>, window_params = [{transform_indices = @transform_0, window_bounds = array<i64: 1, 512, 4096>}, {pipeline_mode = #tpu.pipeline_mode<synchronous>, transform_indices = @transform_1, window_bounds = array<i64: 64, 4096>}, {transform_indices = @transform_2, window_bounds = array<i64: 1, 32, 512>}]} {
    %get3A = arith.constant 0 : index
    %get3A_0 = arith.constant 0 : index
    %get3A_1 = arith.constant 0 : index
    %get3A_2 = vector.load %arg2[%get3A, %get3A_0, %get3A_1] : memref<1x512x4096xf32, #tpu.memory_space<vmem>>, vector<1x512x4096xf32>
    %get3A_3 = vector.shape_cast %get3A_2 : vector<1x512x4096xf32> to vector<512x4096xf32>
    %get3A_4 = arith.constant 0 : index
    %get3A_5 = arith.constant 0 : index
    %get3A_6 = vector.load %arg3[%get3A_4, %get3A_5] : memref<64x4096xf32, #tpu.memory_space<vmem>>, vector<64x4096xf32>
    %dot_general3A = arith.constant dense<0.000000e+00> : vector<64x512xf32>
    %dot_general3A_7 = tpu.matmul %get3A_6, %get3A_3, %dot_general3A {dimension_numbers = #tpu.dot_dimension_numbers<[1], [1], [0], [0], [0, 0, 1, 0], [], []>, transpose_lhs_hint = false} : vector<64x4096xf32>, vector<512x4096xf32>, vector<64x512xf32> -> vector<64x512xf32>
    %slice3A = vector.extract_strided_slice %dot_general3A_7 {offsets = [0, 0], sizes = [32, 512], strides = [1, 1]} : vector<64x512xf32> to vector<32x512xf32>
    %slice3A_8 = vector.extract_strided_slice %dot_general3A_7 {offsets = [32, 0], sizes = [32, 512], strides = [1, 1]} : vector<64x512xf32> to vector<32x512xf32>
    %div3A = arith.divf %slice3A, %slice3A_8 : vector<32x512xf32>
    %swap3A = arith.constant 0 : index
    %swap3A_9 = arith.constant 0 : index
    %swap3A_10 = arith.constant 0 : index
    %swap3A_11 = vector.load %arg4[%swap3A, %swap3A_9, %swap3A_10] : memref<1x32x512xf32, #tpu.memory_space<vmem>>, vector<1x32x512xf32>
    %swap3A_12 = vector.shape_cast %swap3A_11 : vector<1x32x512xf32> to vector<32x512xf32>
    %swap3A_13 = vector.shape_cast %div3A : vector<32x512xf32> to vector<1x32x512xf32>
    tpu.vector_store %arg4[%swap3A, %swap3A_9, %swap3A_10], %swap3A_13 {strides = array<i32>} : memref<1x32x512xf32, #tpu.memory_space<vmem>>, vector<1x32x512xf32>,
    return
  }
  func.func @transform_0(%arg0: i32, %arg1: i32) -> (i32, i32, i32) {
    %c0_i32 = arith.constant 0 : i32
    %c0_i32_0 = arith.constant 0 : i32
    return %arg0, %arg1, %c0_i32 : i32, i32, i32
  }
  func.func @transform_1(%arg0: i32, %arg1: i32) -> (i32, i32) {
    %c0_i32 = arith.constant 0 : i32
    %c0_i32_0 = arith.constant 0 : i32
    %c0_i32_1 = arith.constant 0 : i32
    return %c0_i32, %c0_i32_0 : i32, i32
  }
  func.func @transform_2(%arg0: i32, %arg1: i32) -> (i32, i32, i32) {
    %c0_i32 = arith.constant 0 : i32
    %c0_i32_0 = arith.constant 0 : i32
    return %arg0, %c0_i32, %arg1 : i32, i32, i32
  }
}

module attributes {stable_mosaic.version = 14 : i64} {
  func.func @_sort_kernel(%arg0: i32, %arg1: i32, %arg2: memref<1x32x4096xf32, #tpu.memory_space<vmem>>, %arg3: memref<1x32x4096xi32, #tpu.memory_space<vmem>>) attributes {dimension_semantics = [#tpu.dimension_semantics<arbitrary>, #tpu.dimension_semantics<arbitrary>], iteration_bounds = array<i64: 4, 1>, scalar_prefetch = 0 : i64, scratch_operands = 0 : i64, tpu.core_type = #tpu.core_type<tc>, window_params = [{transform_indices = @transform_0, window_bounds = array<i64: 1, 32, 4096>}, {transform_indices = @transform_1, window_bounds = array<i64: 1, 32, 4096>}]} {
    %get3A = arith.constant 0 : index
    %get3A_0 = arith.constant 0 : index
    %get3A_1 = arith.constant 0 : index
    %get3A_2 = vector.load %arg2[%get3A, %get3A_0, %get3A_1] : memref<1x32x4096xf32, #tpu.memory_space<vmem>>, vector<1x32x4096xf32>
    %get3A_3 = vector.shape_cast %get3A_2 : vector<1x32x4096xf32> to vector<32x4096xf32>
    %bitcast_convert_type3A = tpu.bitcast %get3A_3 : vector<32x4096xf32> -> vector<32x4096xi32>
    %shift_right_arithmetic3A = arith.constant 31 : i32
    %shift_right_arithmetic3A_4 = vector.broadcast %shift_right_arithmetic3A : i32 to vector<32x4096xi32>
    %shift_right_arithmetic3A_5 = arith.shrsi %bitcast_convert_type3A, %shift_right_arithmetic3A_4 : vector<32x4096xi32>
    %shift_right_logical3A = arith.constant 1 : i32
    %shift_right_logical3A_6 = vector.broadcast %shift_right_logical3A : i32 to vector<32x4096xi32>
    %shift_right_logical3A_7 = arith.shrui %shift_right_arithmetic3A_5, %shift_right_logical3A_6 : vector<32x4096xi32>
    %xor3A = arith.xori %bitcast_convert_type3A, %shift_right_logical3A_7 : vector<32x4096xi32>
    %iota3A = tpu.iota {dimensions = array<i32: 1>} : vector<32x4096xi32>
    %and3A = arith.constant -4096 : i32
    %and3A_8 = vector.broadcast %and3A : i32 to vector<32x4096xi32>
    %and3A_9 = arith.andi %xor3A, %and3A_8 : vector<32x4096xi32>
    %or3A = arith.ori %and3A_9, %iota3A : vector<32x4096xi32>
    %and3A_10 = arith.constant 1 : i32
    %and3A_11 = vector.broadcast %and3A_10 : i32 to vector<32x4096xi32>
    %and3A_12 = arith.andi %iota3A, %and3A_11 : vector<32x4096xi32>
    %eq3A = arith.constant 0 : i32
    %eq3A_13 = vector.broadcast %eq3A : i32 to vector<32x4096xi32>
    %eq3A_14 = arith.cmpi eq, %and3A_12, %eq3A_13 : vector<32x4096xi32>
    %and3A_15 = arith.constant 2 : i32
    %and3A_16 = vector.broadcast %and3A_15 : i32 to vector<32x4096xi32>
    %and3A_17 = arith.andi %iota3A, %and3A_16 : vector<32x4096xi32>
    %eq3A_18 = arith.constant 0 : i32
    %eq3A_19 = vector.broadcast %eq3A_18 : i32 to vector<32x4096xi32>
    %eq3A_20 = arith.cmpi eq, %and3A_17, %eq3A_19 : vector<32x4096xi32>
    %roll3A = arith.constant 4095 : i32
    %roll3A_21 = tpu.dynamic_rotate %or3A by %roll3A dim 1 : vector<32x4096xi32>, i32 -> vector<32x4096xi32>
    %roll3A_22 = arith.constant 1 : i32
    %roll3A_23 = tpu.dynamic_rotate %or3A by %roll3A_22 dim 1 : vector<32x4096xi32>, i32 -> vector<32x4096xi32>
    %select_n3A = arith.select %eq3A_14, %roll3A_21, %roll3A_23 : vector<32x4096xi1>, vector<32x4096xi32>
    %select_n3A_24 = arith.select %eq3A_14, %or3A, %select_n3A : vector<32x4096xi1>, vector<32x4096xi32>
    %select_n3A_25 = arith.select %eq3A_14, %select_n3A, %or3A : vector<32x4096xi1>, vector<32x4096xi32>
    %gt3A = arith.cmpi sgt, %select_n3A_24, %select_n3A_25 : vector<32x4096xi32>
    %and3A_26 = arith.andi %eq3A_20, %gt3A : vector<32x4096xi1>
    %not3A = arith.constant dense<true> : vector<32x4096xi1>
    %not3A_27 = arith.xori %eq3A_20, %not3A : vector<32x4096xi1>
    %lt3A = arith.cmpi slt, %select_n3A_24, %select_n3A_25 : vector<32x4096xi32>
    %and3A_28 = arith.andi %not3A_27, %lt3A : vector<32x4096xi1>
    %or3A_29 = arith.ori %and3A_26, %and3A_28 : vector<32x4096xi1>
    %select_n3A_30 = arith.select %or3A_29, %select_n3A, %or3A : vector<32x4096xi1>, vector<32x4096xi32>
    %and3A_31 = arith.constant 2 : i32
    %and3A_32 = vector.broadcast %and3A_31 : i32 to vector<32x4096xi32>
    %and3A_33 = arith.andi %iota3A, %and3A_32 : vector<32x4096xi32>
    %eq3A_34 = arith.constant 0 : i32
    %eq3A_35 = vector.broadcast %eq3A_34 : i32 to vector<32x4096xi32>
    %eq3A_36 = arith.cmpi eq, %and3A_33, %eq3A_35 : vector<32x4096xi32>
    %and3A_37 = arith.constant 4 : i32
    %and3A_38 = vector.broadcast %and3A_37 : i32 to vector<32x4096xi32>
    %and3A_39 = arith.andi %iota3A, %and3A_38 : vector<32x4096xi32>
    %eq3A_40 = arith.constant 0 : i32
    %eq3A_41 = vector.broadcast %eq3A_40 : i32 to vector<32x4096xi32>
    %eq3A_42 = arith.cmpi eq, %and3A_39, %eq3A_41 : vector<32x4096xi32>
    %roll3A_43 = arith.constant 4094 : i32
    %roll3A_44 = tpu.dynamic_rotate %select_n3A_30 by %roll3A_43 dim 1 : vector<32x4096xi32>, i32 -> vector<32x4096xi32>
    %roll3A_45 = arith.constant 2 : i32
    %roll3A_46 = tpu.dynamic_rotate %select_n3A_30 by %roll3A_45 dim 1 : vector<32x4096xi32>, i32 -> vector<32x4096xi32>
    %select_n3A_47 = arith.select %eq3A_36, %roll3A_44, %roll3A_46 : vector<32x4096xi1>, vector<32x4096xi32>
    %select_n3A_48 = arith.select %eq3A_36, %select_n3A_30, %select_n3A_47 : vector<32x4096xi1>, vector<32x4096xi32>
    %select_n3A_49 = arith.select %eq3A_36, %select_n3A_47, %select_n3A_30 : vector<32x4096xi1>, vector<32x4096xi32>
    %gt3A_50 = arith.cmpi sgt, %select_n3A_48, %select_n3A_49 : vector<32x4096xi32>
    %and3A_51 = arith.andi %eq3A_42, %gt3A_50 : vector<32x4096xi1>
    %not3A_52 = arith.constant dense<true> : vector<32x4096xi1>
    %not3A_53 = arith.xori %eq3A_42, %not3A_52 : vector<32x4096xi1>
    %lt3A_54 = arith.cmpi slt, %select_n3A_48, %select_n3A_49 : vector<32x4096xi32>
    %and3A_55 = arith.andi %not3A_53, %lt3A_54 : vector<32x4096xi1>
    %or3A_56 = arith.ori %and3A_51, %and3A_55 : vector<32x4096xi1>
    %select_n3A_57 = arith.select %or3A_56, %select_n3A_47, %select_n3A_30 : vector<32x4096xi1>, vector<32x4096xi32>
    %and3A_58 = arith.constant 1 : i32
    %and3A_59 = vector.broadcast %and3A_58 : i32 to vector<32x4096xi32>
    %and3A_60 = arith.andi %iota3A, %and3A_59 : vector<32x4096xi32>
    %eq3A_61 = arith.constant 0 : i32
    %eq3A_62 = vector.broadcast %eq3A_61 : i32 to vector<32x4096xi32>
    %eq3A_63 = arith.cmpi eq, %and3A_60, %eq3A_62 : vector<32x4096xi32>
    %and3A_64 = arith.constant 4 : i32
    %and3A_65 = vector.broadcast %and3A_64 : i32 to vector<32x4096xi32>
    %and3A_66 = arith.andi %iota3A, %and3A_65 : vector<32x4096xi32>
    %eq3A_67 = arith.constant 0 : i32
    %eq3A_68 = vector.broadcast %eq3A_67 : i32 to vector<32x4096xi32>
    %eq3A_69 = arith.cmpi eq, %and3A_66, %eq3A_68 : vector<32x4096xi32>
    %roll3A_70 = arith.constant 4095 : i32
    %roll3A_71 = tpu.dynamic_rotate %select_n3A_57 by %roll3A_70 dim 1 : vector<32x4096xi32>, i32 -> vector<32x4096xi32>
    %roll3A_72 = arith.constant 1 : i32
    %roll3A_73 = tpu.dynamic_rotate %select_n3A_57 by %roll3A_72 dim 1 : vector<32x4096xi32>, i32 -> vector<32x4096xi32>
    %select_n3A_74 = arith.select %eq3A_63, %roll3A_71, %roll3A_73 : vector<32x4096xi1>, vector<32x4096xi32>
    %select_n3A_75 = arith.select %eq3A_63, %select_n3A_57, %select_n3A_74 : vector<32x4096xi1>, vector<32x4096xi32>
    %select_n3A_76 = arith.select %eq3A_63, %select_n3A_74, %select_n3A_57 : vector<32x4096xi1>, vector<32x4096xi32>
    %gt3A_77 = arith.cmpi sgt, %select_n3A_75, %select_n3A_76 : vector<32x4096xi32>
    %and3A_78 = arith.andi %eq3A_69, %gt3A_77 : vector<32x4096xi1>
    %not3A_79 = arith.constant dense<true> : vector<32x4096xi1>
    %not3A_80 = arith.xori %eq3A_69, %not3A_79 : vector<32x4096xi1>
    %lt3A_81 = arith.cmpi slt, %select_n3A_75, %select_n3A_76 : vector<32x4096xi32>
    %and3A_82 = arith.andi %not3A_80, %lt3A_81 : vector<32x4096xi1>
    %or3A_83 = arith.ori %and3A_78, %and3A_82 : vector<32x4096xi1>
    %select_n3A_84 = arith.select %or3A_83, %select_n3A_74, %select_n3A_57 : vector<32x4096xi1>, vector<32x4096xi32>
    %and3A_85 = arith.constant 4 : i32
    %and3A_86 = vector.broadcast %and3A_85 : i32 to vector<32x4096xi32>
    %and3A_87 = arith.andi %iota3A, %and3A_86 : vector<32x4096xi32>
    %eq3A_88 = arith.constant 0 : i32
    %eq3A_89 = vector.broadcast %eq3A_88 : i32 to vector<32x4096xi32>
    %eq3A_90 = arith.cmpi eq, %and3A_87, %eq3A_89 : vector<32x4096xi32>
    %and3A_91 = arith.constant 8 : i32
    %and3A_92 = vector.broadcast %and3A_91 : i32 to vector<32x4096xi32>
    %and3A_93 = arith.andi %iota3A, %and3A_92 : vector<32x4096xi32>
    %eq3A_94 = arith.constant 0 : i32
    %eq3A_95 = vector.broadcast %eq3A_94 : i32 to vector<32x4096xi32>
    %eq3A_96 = arith.cmpi eq, %and3A_93, %eq3A_95 : vector<32x4096xi32>
    %roll3A_97 = arith.constant 4092 : i32
    %roll3A_98 = tpu.dynamic_rotate %select_n3A_84 by %roll3A_97 dim 1 : vector<32x4096xi32>, i32 -> vector<32x4096xi32>
    %roll3A_99 = arith.constant 4 : i32
    %roll3A_100 = tpu.dynamic_rotate %select_n3A_84 by %roll3A_99 dim 1 : vector<32x4096xi32>, i32 -> vector<32x4096xi32>
    %select_n3A_101 = arith.select %eq3A_90, %roll3A_98, %roll3A_100 : vector<32x4096xi1>, vector<32x4096xi32>
    %select_n3A_102 = arith.select %eq3A_90, %select_n3A_84, %select_n3A_101 : vector<32x4096xi1>, vector<32x4096xi32>
    %select_n3A_103 = arith.select %eq3A_90, %select_n3A_101, %select_n3A_84 : vector<32x4096xi1>, vector<32x4096xi32>
    %gt3A_104 = arith.cmpi sgt, %select_n3A_102, %select_n3A_103 : vector<32x4096xi32>
    %and3A_105 = arith.andi %eq3A_96, %gt3A_104 : vector<32x4096xi1>
    %not3A_106 = arith.constant dense<true> : vector<32x4096xi1>
    %not3A_107 = arith.xori %eq3A_96, %not3A_106 : vector<32x4096xi1>
    %lt3A_108 = arith.cmpi slt, %select_n3A_102, %select_n3A_103 : vector<32x4096xi32>
    %and3A_109 = arith.andi %not3A_107, %lt3A_108 : vector<32x4096xi1>
    %or3A_110 = arith.ori %and3A_105, %and3A_109 : vector<32x4096xi1>
    %select_n3A_111 = arith.select %or3A_110, %select_n3A_101, %select_n3A_84 : vector<32x4096xi1>, vector<32x4096xi32>
    %and3A_112 = arith.constant 2 : i32
    %and3A_113 = vector.broadcast %and3A_112 : i32 to vector<32x4096xi32>
    %and3A_114 = arith.andi %iota3A, %and3A_113 : vector<32x4096xi32>
    %eq3A_115 = arith.constant 0 : i32
    %eq3A_116 = vector.broadcast %eq3A_115 : i32 to vector<32x4096xi32>
    %eq3A_117 = arith.cmpi eq, %and3A_114, %eq3A_116 : vector<32x4096xi32>
    %and3A_118 = arith.constant 8 : i32
    %and3A_119 = vector.broadcast %and3A_118 : i32 to vector<32x4096xi32>
    %and3A_120 = arith.andi %iota3A, %and3A_119 : vector<32x4096xi32>
    %eq3A_121 = arith.constant 0 : i32
    %eq3A_122 = vector.broadcast %eq3A_121 : i32 to vector<32x4096xi32>
    %eq3A_123 = arith.cmpi eq, %and3A_120, %eq3A_122 : vector<32x4096xi32>
    %roll3A_124 = arith.constant 4094 : i32
    %roll3A_125 = tpu.dynamic_rotate %select_n3A_111 by %roll3A_124 dim 1 : vector<32x4096xi32>, i32 -> vector<32x4096xi32>
    %roll3A_126 = arith.constant 2 : i32
    %roll3A_127 = tpu.dynamic_rotate %select_n3A_111 by %roll3A_126 dim 1 : vector<32x4096xi32>, i32 -> vector<32x4096xi32>
    %select_n3A_128 = arith.select %eq3A_117, %roll3A_125, %roll3A_127 : vector<32x4096xi1>, vector<32x4096xi32>
    %select_n3A_129 = arith.select %eq3A_117, %select_n3A_111, %select_n3A_128 : vector<32x4096xi1>, vector<32x4096xi32>
    %select_n3A_130 = arith.select %eq3A_117, %select_n3A_128, %select_n3A_111 : vector<32x4096xi1>, vector<32x4096xi32>
    %gt3A_131 = arith.cmpi sgt, %select_n3A_129, %select_n3A_130 : vector<32x4096xi32>
    %and3A_132 = arith.andi %eq3A_123, %gt3A_131 : vector<32x4096xi1>
    %not3A_133 = arith.constant dense<true> : vector<32x4096xi1>
    %not3A_134 = arith.xori %eq3A_123, %not3A_133 : vector<32x4096xi1>
    %lt3A_135 = arith.cmpi slt, %select_n3A_129, %select_n3A_130 : vector<32x4096xi32>
    %and3A_136 = arith.andi %not3A_134, %lt3A_135 : vector<32x4096xi1>
    %or3A_137 = arith.ori %and3A_132, %and3A_136 : vector<32x4096xi1>
    %select_n3A_138 = arith.select %or3A_137, %select_n3A_128, %select_n3A_111 : vector<32x4096xi1>, vector<32x4096xi32>
    %and3A_139 = arith.constant 1 : i32
    %and3A_140 = vector.broadcast %and3A_139 : i32 to vector<32x4096xi32>
    %and3A_141 = arith.andi %iota3A, %and3A_140 : vector<32x4096xi32>
    %eq3A_142 = arith.constant 0 : i32
    %eq3A_143 = vector.broadcast %eq3A_142 : i32 to vector<32x4096xi32>
    %eq3A_144 = arith.cmpi eq, %and3A_141, %eq3A_143 : vector<32x4096xi32>
    %and3A_145 = arith.constant 8 : i32
    %and3A_146 = vector.broadcast %and3A_145 : i32 to vector<32x4096xi32>
    %and3A_147 = arith.andi %iota3A, %and3A_146 : vector<32x4096xi32>
    %eq3A_148 = arith.constant 0 : i32
    %eq3A_149 = vector.broadcast %eq3A_148 : i32 to vector<32x4096xi32>
    %eq3A_150 = arith.cmpi eq, %and3A_147, %eq3A_149 : vector<32x4096xi32>
    %roll3A_151 = arith.constant 4095 : i32
    %roll3A_152 = tpu.dynamic_rotate %select_n3A_138 by %roll3A_151 dim 1 : vector<32x4096xi32>, i32 -> vector<32x4096xi32>
    %roll3A_153 = arith.constant 1 : i32
    %roll3A_154 = tpu.dynamic_rotate %select_n3A_138 by %roll3A_153 dim 1 : vector<32x4096xi32>, i32 -> vector<32x4096xi32>
    %select_n3A_155 = arith.select %eq3A_144, %roll3A_152, %roll3A_154 : vector<32x4096xi1>, vector<32x4096xi32>
    %select_n3A_156 = arith.select %eq3A_144, %select_n3A_138, %select_n3A_155 : vector<32x4096xi1>, vector<32x4096xi32>
    %select_n3A_157 = arith.select %eq3A_144, %select_n3A_155, %select_n3A_138 : vector<32x4096xi1>, vector<32x4096xi32>
    %gt3A_158 = arith.cmpi sgt, %select_n3A_156, %select_n3A_157 : vector<32x4096xi32>
    %and3A_159 = arith.andi %eq3A_150, %gt3A_158 : vector<32x4096xi1>
    %not3A_160 = arith.constant dense<true> : vector<32x4096xi1>
    %not3A_161 = arith.xori %eq3A_150, %not3A_160 : vector<32x4096xi1>
    %lt3A_162 = arith.cmpi slt, %select_n3A_156, %select_n3A_157 : vector<32x4096xi32>
    %and3A_163 = arith.andi %not3A_161, %lt3A_162 : vector<32x4096xi1>
    %or3A_164 = arith.ori %and3A_159, %and3A_163 : vector<32x4096xi1>
    %select_n3A_165 = arith.select %or3A_164, %select_n3A_155, %select_n3A_138 : vector<32x4096xi1>, vector<32x4096xi32>
    %and3A_166 = arith.constant 8 : i32
    %and3A_167 = vector.broadcast %and3A_166 : i32 to vector<32x4096xi32>
    %and3A_168 = arith.andi %iota3A, %and3A_167 : vector<32x4096xi32>
    %eq3A_169 = arith.constant 0 : i32
    %eq3A_170 = vector.broadcast %eq3A_169 : i32 to vector<32x4096xi32>
    %eq3A_171 = arith.cmpi eq, %and3A_168, %eq3A_170 : vector<32x4096xi32>
    %and3A_172 = arith.constant 16 : i32
    %and3A_173 = vector.broadcast %and3A_172 : i32 to vector<32x4096xi32>
    %and3A_174 = arith.andi %iota3A, %and3A_173 : vector<32x4096xi32>
    %eq3A_175 = arith.constant 0 : i32
    %eq3A_176 = vector.broadcast %eq3A_175 : i32 to vector<32x4096xi32>
    %eq3A_177 = arith.cmpi eq, %and3A_174, %eq3A_176 : vector<32x4096xi32>
    %roll3A_178 = arith.constant 4088 : i32
    %roll3A_179 = tpu.dynamic_rotate %select_n3A_165 by %roll3A_178 dim 1 : vector<32x4096xi32>, i32 -> vector<32x4096xi32>
    %roll3A_180 = arith.constant 8 : i32
    %roll3A_181 = tpu.dynamic_rotate %select_n3A_165 by %roll3A_180 dim 1 : vector<32x4096xi32>, i32 -> vector<32x4096xi32>
    %select_n3A_182 = arith.select %eq3A_171, %roll3A_179, %roll3A_181 : vector<32x4096xi1>, vector<32x4096xi32>
    %select_n3A_183 = arith.select %eq3A_171, %select_n3A_165, %select_n3A_182 : vector<32x4096xi1>, vector<32x4096xi32>
    %select_n3A_184 = arith.select %eq3A_171, %select_n3A_182, %select_n3A_165 : vector<32x4096xi1>, vector<32x4096xi32>
    %gt3A_185 = arith.cmpi sgt, %select_n3A_183, %select_n3A_184 : vector<32x4096xi32>
    %and3A_186 = arith.andi %eq3A_177, %gt3A_185 : vector<32x4096xi1>
    %not3A_187 = arith.constant dense<true> : vector<32x4096xi1>
    %not3A_188 = arith.xori %eq3A_177, %not3A_187 : vector<32x4096xi1>
    %lt3A_189 = arith.cmpi slt, %select_n3A_183, %select_n3A_184 : vector<32x4096xi32>
    %and3A_190 = arith.andi %not3A_188, %lt3A_189 : vector<32x4096xi1>
    %or3A_191 = arith.ori %and3A_186, %and3A_190 : vector<32x4096xi1>
    %select_n3A_192 = arith.select %or3A_191, %select_n3A_182, %select_n3A_165 : vector<32x4096xi1>, vector<32x4096xi32>
    %and3A_193 = arith.constant 4 : i32
    %and3A_194 = vector.broadcast %and3A_193 : i32 to vector<32x4096xi32>
    %and3A_195 = arith.andi %iota3A, %and3A_194 : vector<32x4096xi32>
    %eq3A_196 = arith.constant 0 : i32
    %eq3A_197 = vector.broadcast %eq3A_196 : i32 to vector<32x4096xi32>
    %eq3A_198 = arith.cmpi eq, %and3A_195, %eq3A_197 : vector<32x4096xi32>
    %and3A_199 = arith.constant 16 : i32
    %and3A_200 = vector.broadcast %and3A_199 : i32 to vector<32x4096xi32>
    %and3A_201 = arith.andi %iota3A, %and3A_200 : vector<32x4096xi32>
    %eq3A_202 = arith.constant 0 : i32
    %eq3A_203 = vector.broadcast %eq3A_202 : i32 to vector<32x4096xi32>
    %eq3A_204 = arith.cmpi eq, %and3A_201, %eq3A_203 : vector<32x4096xi32>
    %roll3A_205 = arith.constant 4092 : i32
    %roll3A_206 = tpu.dynamic_rotate %select_n3A_192 by %roll3A_205 dim 1 : vector<32x4096xi32>, i32 -> vector<32x4096xi32>
    %roll3A_207 = arith.constant 4 : i32
    %roll3A_208 = tpu.dynamic_rotate %select_n3A_192 by %roll3A_207 dim 1 : vector<32x4096xi32>, i32 -> vector<32x4096xi32>
    %select_n3A_209 = arith.select %eq3A_198, %roll3A_206, %roll3A_208 : vector<32x4096xi1>, vector<32x4096xi32>
    %select_n3A_210 = arith.select %eq3A_198, %select_n3A_192, %select_n3A_209 : vector<32x4096xi1>, vector<32x4096xi32>
    %select_n3A_211 = arith.select %eq3A_198, %select_n3A_209, %select_n3A_192 : vector<32x4096xi1>, vector<32x4096xi32>
    %gt3A_212 = arith.cmpi sgt, %select_n3A_210, %select_n3A_211 : vector<32x4096xi32>
    %and3A_213 = arith.andi %eq3A_204, %gt3A_212 : vector<32x4096xi1>
    %not3A_214 = arith.constant dense<true> : vector<32x4096xi1>
    %not3A_215 = arith.xori %eq3A_204, %not3A_214 : vector<32x4096xi1>
    %lt3A_216 = arith.cmpi slt, %select_n3A_210, %select_n3A_211 : vector<32x4096xi32>
    %and3A_217 = arith.andi %not3A_215, %lt3A_216 : vector<32x4096xi1>
    %or3A_218 = arith.ori %and3A_213, %and3A_217 : vector<32x4096xi1>
    %select_n3A_219 = arith.select %or3A_218, %select_n3A_209, %select_n3A_192 : vector<32x4096xi1>, vector<32x4096xi32>
    %and3A_220 = arith.constant 2 : i32
    %and3A_221 = vector.broadcast %and3A_220 : i32 to vector<32x4096xi32>
    %and3A_222 = arith.andi %iota3A, %and3A_221 : vector<32x4096xi32>
    %eq3A_223 = arith.constant 0 : i32
    %eq3A_224 = vector.broadcast %eq3A_223 : i32 to vector<32x4096xi32>
    %eq3A_225 = arith.cmpi eq, %and3A_222, %eq3A_224 : vector<32x4096xi32>
    %and3A_226 = arith.constant 16 : i32
    %and3A_227 = vector.broadcast %and3A_226 : i32 to vector<32x4096xi32>
    %and3A_228 = arith.andi %iota3A, %and3A_227 : vector<32x4096xi32>
    %eq3A_229 = arith.constant 0 : i32
    %eq3A_230 = vector.broadcast %eq3A_229 : i32 to vector<32x4096xi32>
    %eq3A_231 = arith.cmpi eq, %and3A_228, %eq3A_230 : vector<32x4096xi32>
    %roll3A_232 = arith.constant 4094 : i32
    %roll3A_233 = tpu.dynamic_rotate %select_n3A_219 by %roll3A_232 dim 1 : vector<32x4096xi32>, i32 -> vector<32x4096xi32>
    %roll3A_234 = arith.constant 2 : i32
    %roll3A_235 = tpu.dynamic_rotate %select_n3A_219 by %roll3A_234 dim 1 : vector<32x4096xi32>, i32 -> vector<32x4096xi32>
    %select_n3A_236 = arith.select %eq3A_225, %roll3A_233, %roll3A_235 : vector<32x4096xi1>, vector<32x4096xi32>
    %select_n3A_237 = arith.select %eq3A_225, %select_n3A_219, %select_n3A_236 : vector<32x4096xi1>, vector<32x4096xi32>
    %select_n3A_238 = arith.select %eq3A_225, %select_n3A_236, %select_n3A_219 : vector<32x4096xi1>, vector<32x4096xi32>
    %gt3A_239 = arith.cmpi sgt, %select_n3A_237, %select_n3A_238 : vector<32x4096xi32>
    %and3A_240 = arith.andi %eq3A_231, %gt3A_239 : vector<32x4096xi1>
    %not3A_241 = arith.constant dense<true> : vector<32x4096xi1>
    %not3A_242 = arith.xori %eq3A_231, %not3A_241 : vector<32x4096xi1>
    %lt3A_243 = arith.cmpi slt, %select_n3A_237, %select_n3A_238 : vector<32x4096xi32>
    %and3A_244 = arith.andi %not3A_242, %lt3A_243 : vector<32x4096xi1>
    %or3A_245 = arith.ori %and3A_240, %and3A_244 : vector<32x4096xi1>
    %select_n3A_246 = arith.select %or3A_245, %select_n3A_236, %select_n3A_219 : vector<32x4096xi1>, vector<32x4096xi32>
    %and3A_247 = arith.constant 1 : i32
    %and3A_248 = vector.broadcast %and3A_247 : i32 to vector<32x4096xi32>
    %and3A_249 = arith.andi %iota3A, %and3A_248 : vector<32x4096xi32>
    %eq3A_250 = arith.constant 0 : i32
    %eq3A_251 = vector.broadcast %eq3A_250 : i32 to vector<32x4096xi32>
    %eq3A_252 = arith.cmpi eq, %and3A_249, %eq3A_251 : vector<32x4096xi32>
    %and3A_253 = arith.constant 16 : i32
    %and3A_254 = vector.broadcast %and3A_253 : i32 to vector<32x4096xi32>
    %and3A_255 = arith.andi %iota3A, %and3A_254 : vector<32x4096xi32>
    %eq3A_256 = arith.constant 0 : i32
    %eq3A_257 = vector.broadcast %eq3A_256 : i32 to vector<32x4096xi32>
    %eq3A_258 = arith.cmpi eq, %and3A_255, %eq3A_257 : vector<32x4096xi32>
    %roll3A_259 = arith.constant 4095 : i32
    %roll3A_260 = tpu.dynamic_rotate %select_n3A_246 by %roll3A_259 dim 1 : vector<32x4096xi32>, i32 -> vector<32x4096xi32>
    %roll3A_261 = arith.constant 1 : i32
    %roll3A_262 = tpu.dynamic_rotate %select_n3A_246 by %roll3A_261 dim 1 : vector<32x4096xi32>, i32 -> vector<32x4096xi32>
    %select_n3A_263 = arith.select %eq3A_252, %roll3A_260, %roll3A_262 : vector<32x4096xi1>, vector<32x4096xi32>
    %select_n3A_264 = arith.select %eq3A_252, %select_n3A_246, %select_n3A_263 : vector<32x4096xi1>, vector<32x4096xi32>
    %select_n3A_265 = arith.select %eq3A_252, %select_n3A_263, %select_n3A_246 : vector<32x4096xi1>, vector<32x4096xi32>
    %gt3A_266 = arith.cmpi sgt, %select_n3A_264, %select_n3A_265 : vector<32x4096xi32>
    %and3A_267 = arith.andi %eq3A_258, %gt3A_266 : vector<32x4096xi1>
    %not3A_268 = arith.constant dense<true> : vector<32x4096xi1>
    %not3A_269 = arith.xori %eq3A_258, %not3A_268 : vector<32x4096xi1>
    %lt3A_270 = arith.cmpi slt, %select_n3A_264, %select_n3A_265 : vector<32x4096xi32>
    %and3A_271 = arith.andi %not3A_269, %lt3A_270 : vector<32x4096xi1>
    %or3A_272 = arith.ori %and3A_267, %and3A_271 : vector<32x4096xi1>
    %select_n3A_273 = arith.select %or3A_272, %select_n3A_263, %select_n3A_246 : vector<32x4096xi1>, vector<32x4096xi32>
    %and3A_274 = arith.constant 16 : i32
    %and3A_275 = vector.broadcast %and3A_274 : i32 to vector<32x4096xi32>
    %and3A_276 = arith.andi %iota3A, %and3A_275 : vector<32x4096xi32>
    %eq3A_277 = arith.constant 0 : i32
    %eq3A_278 = vector.broadcast %eq3A_277 : i32 to vector<32x4096xi32>
    %eq3A_279 = arith.cmpi eq, %and3A_276, %eq3A_278 : vector<32x4096xi32>
    %and3A_280 = arith.constant 32 : i32
    %and3A_281 = vector.broadcast %and3A_280 : i32 to vector<32x4096xi32>
    %and3A_282 = arith.andi %iota3A, %and3A_281 : vector<32x4096xi32>
    %eq3A_283 = arith.constant 0 : i32
    %eq3A_284 = vector.broadcast %eq3A_283 : i32 to vector<32x4096xi32>
    %eq3A_285 = arith.cmpi eq, %and3A_282, %eq3A_284 : vector<32x4096xi32>
    %roll3A_286 = arith.constant 4080 : i32
    %roll3A_287 = tpu.dynamic_rotate %select_n3A_273 by %roll3A_286 dim 1 : vector<32x4096xi32>, i32 -> vector<32x4096xi32>
    %roll3A_288 = arith.constant 16 : i32
    %roll3A_289 = tpu.dynamic_rotate %select_n3A_273 by %roll3A_288 dim 1 : vector<32x4096xi32>, i32 -> vector<32x4096xi32>
    %select_n3A_290 = arith.select %eq3A_279, %roll3A_287, %roll3A_289 : vector<32x4096xi1>, vector<32x4096xi32>
    %select_n3A_291 = arith.select %eq3A_279, %select_n3A_273, %select_n3A_290 : vector<32x4096xi1>, vector<32x4096xi32>
    %select_n3A_292 = arith.select %eq3A_279, %select_n3A_290, %select_n3A_273 : vector<32x4096xi1>, vector<32x4096xi32>
    %gt3A_293 = arith.cmpi sgt, %select_n3A_291, %select_n3A_292 : vector<32x4096xi32>
    %and3A_294 = arith.andi %eq3A_285, %gt3A_293 : vector<32x4096xi1>
    %not3A_295 = arith.constant dense<true> : vector<32x4096xi1>
    %not3A_296 = arith.xori %eq3A_285, %not3A_295 : vector<32x4096xi1>
    %lt3A_297 = arith.cmpi slt, %select_n3A_291, %select_n3A_292 : vector<32x4096xi32>
    %and3A_298 = arith.andi %not3A_296, %lt3A_297 : vector<32x4096xi1>
    %or3A_299 = arith.ori %and3A_294, %and3A_298 : vector<32x4096xi1>
    %select_n3A_300 = arith.select %or3A_299, %select_n3A_290, %select_n3A_273 : vector<32x4096xi1>, vector<32x4096xi32>
    %and3A_301 = arith.constant 8 : i32
    %and3A_302 = vector.broadcast %and3A_301 : i32 to vector<32x4096xi32>
    %and3A_303 = arith.andi %iota3A, %and3A_302 : vector<32x4096xi32>
    %eq3A_304 = arith.constant 0 : i32
    %eq3A_305 = vector.broadcast %eq3A_304 : i32 to vector<32x4096xi32>
    %eq3A_306 = arith.cmpi eq, %and3A_303, %eq3A_305 : vector<32x4096xi32>
    %and3A_307 = arith.constant 32 : i32
    %and3A_308 = vector.broadcast %and3A_307 : i32 to vector<32x4096xi32>
    %and3A_309 = arith.andi %iota3A, %and3A_308 : vector<32x4096xi32>
    %eq3A_310 = arith.constant 0 : i32
    %eq3A_311 = vector.broadcast %eq3A_310 : i32 to vector<32x4096xi32>
    %eq3A_312 = arith.cmpi eq, %and3A_309, %eq3A_311 : vector<32x4096xi32>
    %roll3A_313 = arith.constant 4088 : i32
    %roll3A_314 = tpu.dynamic_rotate %select_n3A_300 by %roll3A_313 dim 1 : vector<32x4096xi32>, i32 -> vector<32x4096xi32>
    %roll3A_315 = arith.constant 8 : i32
    %roll3A_316 = tpu.dynamic_rotate %select_n3A_300 by %roll3A_315 dim 1 : vector<32x4096xi32>, i32 -> vector<32x4096xi32>
    %select_n3A_317 = arith.select %eq3A_306, %roll3A_314, %roll3A_316 : vector<32x4096xi1>, vector<32x4096xi32>
    %select_n3A_318 = arith.select %eq3A_306, %select_n3A_300, %select_n3A_317 : vector<32x4096xi1>, vector<32x4096xi32>
    %select_n3A_319 = arith.select %eq3A_306, %select_n3A_317, %select_n3A_300 : vector<32x4096xi1>, vector<32x4096xi32>
    %gt3A_320 = arith.cmpi sgt, %select_n3A_318, %select_n3A_319 : vector<32x4096xi32>
    %and3A_321 = arith.andi %eq3A_312, %gt3A_320 : vector<32x4096xi1>
    %not3A_322 = arith.constant dense<true> : vector<32x4096xi1>
    %not3A_323 = arith.xori %eq3A_312, %not3A_322 : vector<32x4096xi1>
    %lt3A_324 = arith.cmpi slt, %select_n3A_318, %select_n3A_319 : vector<32x4096xi32>
    %and3A_325 = arith.andi %not3A_323, %lt3A_324 : vector<32x4096xi1>
    %or3A_326 = arith.ori %and3A_321, %and3A_325 : vector<32x4096xi1>
    %select_n3A_327 = arith.select %or3A_326, %select_n3A_317, %select_n3A_300 : vector<32x4096xi1>, vector<32x4096xi32>
    %and3A_328 = arith.constant 4 : i32
    %and3A_329 = vector.broadcast %and3A_328 : i32 to vector<32x4096xi32>
    %and3A_330 = arith.andi %iota3A, %and3A_329 : vector<32x4096xi32>
    %eq3A_331 = arith.constant 0 : i32
    %eq3A_332 = vector.broadcast %eq3A_331 : i32 to vector<32x4096xi32>
    %eq3A_333 = arith.cmpi eq, %and3A_330, %eq3A_332 : vector<32x4096xi32>
    %and3A_334 = arith.constant 32 : i32
    %and3A_335 = vector.broadcast %and3A_334 : i32 to vector<32x4096xi32>
    %and3A_336 = arith.andi %iota3A, %and3A_335 : vector<32x4096xi32>
    %eq3A_337 = arith.constant 0 : i32
    %eq3A_338 = vector.broadcast %eq3A_337 : i32 to vector<32x4096xi32>
    %eq3A_339 = arith.cmpi eq, %and3A_336, %eq3A_338 : vector<32x4096xi32>
    %roll3A_340 = arith.constant 4092 : i32
    %roll3A_341 = tpu.dynamic_rotate %select_n3A_327 by %roll3A_340 dim 1 : vector<32x4096xi32>, i32 -> vector<32x4096xi32>
    %roll3A_342 = arith.constant 4 : i32
    %roll3A_343 = tpu.dynamic_rotate %select_n3A_327 by %roll3A_342 dim 1 : vector<32x4096xi32>, i32 -> vector<32x4096xi32>
    %select_n3A_344 = arith.select %eq3A_333, %roll3A_341, %roll3A_343 : vector<32x4096xi1>, vector<32x4096xi32>
    %select_n3A_345 = arith.select %eq3A_333, %select_n3A_327, %select_n3A_344 : vector<32x4096xi1>, vector<32x4096xi32>
    %select_n3A_346 = arith.select %eq3A_333, %select_n3A_344, %select_n3A_327 : vector<32x4096xi1>, vector<32x4096xi32>
    %gt3A_347 = arith.cmpi sgt, %select_n3A_345, %select_n3A_346 : vector<32x4096xi32>
    %and3A_348 = arith.andi %eq3A_339, %gt3A_347 : vector<32x4096xi1>
    %not3A_349 = arith.constant dense<true> : vector<32x4096xi1>
    %not3A_350 = arith.xori %eq3A_339, %not3A_349 : vector<32x4096xi1>
    %lt3A_351 = arith.cmpi slt, %select_n3A_345, %select_n3A_346 : vector<32x4096xi32>
    %and3A_352 = arith.andi %not3A_350, %lt3A_351 : vector<32x4096xi1>
    %or3A_353 = arith.ori %and3A_348, %and3A_352 : vector<32x4096xi1>
    %select_n3A_354 = arith.select %or3A_353, %select_n3A_344, %select_n3A_327 : vector<32x4096xi1>, vector<32x4096xi32>
    %and3A_355 = arith.constant 2 : i32
    %and3A_356 = vector.broadcast %and3A_355 : i32 to vector<32x4096xi32>
    %and3A_357 = arith.andi %iota3A, %and3A_356 : vector<32x4096xi32>
    %eq3A_358 = arith.constant 0 : i32
    %eq3A_359 = vector.broadcast %eq3A_358 : i32 to vector<32x4096xi32>
    %eq3A_360 = arith.cmpi eq, %and3A_357, %eq3A_359 : vector<32x4096xi32>
    %and3A_361 = arith.constant 32 : i32
    %and3A_362 = vector.broadcast %and3A_361 : i32 to vector<32x4096xi32>
    %and3A_363 = arith.andi %iota3A, %and3A_362 : vector<32x4096xi32>
    %eq3A_364 = arith.constant 0 : i32
    %eq3A_365 = vector.broadcast %eq3A_364 : i32 to vector<32x4096xi32>
    %eq3A_366 = arith.cmpi eq, %and3A_363, %eq3A_365 : vector<32x4096xi32>
    %roll3A_367 = arith.constant 4094 : i32
    %roll3A_368 = tpu.dynamic_rotate %select_n3A_354 by %roll3A_367 dim 1 : vector<32x4096xi32>, i32 -> vector<32x4096xi32>
    %roll3A_369 = arith.constant 2 : i32
    %roll3A_370 = tpu.dynamic_rotate %select_n3A_354 by %roll3A_369 dim 1 : vector<32x4096xi32>, i32 -> vector<32x4096xi32>
    %select_n3A_371 = arith.select %eq3A_360, %roll3A_368, %roll3A_370 : vector<32x4096xi1>, vector<32x4096xi32>
    %select_n3A_372 = arith.select %eq3A_360, %select_n3A_354, %select_n3A_371 : vector<32x4096xi1>, vector<32x4096xi32>
    %select_n3A_373 = arith.select %eq3A_360, %select_n3A_371, %select_n3A_354 : vector<32x4096xi1>, vector<32x4096xi32>
    %gt3A_374 = arith.cmpi sgt, %select_n3A_372, %select_n3A_373 : vector<32x4096xi32>
    %and3A_375 = arith.andi %eq3A_366, %gt3A_374 : vector<32x4096xi1>
    %not3A_376 = arith.constant dense<true> : vector<32x4096xi1>
    %not3A_377 = arith.xori %eq3A_366, %not3A_376 : vector<32x4096xi1>
    %lt3A_378 = arith.cmpi slt, %select_n3A_372, %select_n3A_373 : vector<32x4096xi32>
    %and3A_379 = arith.andi %not3A_377, %lt3A_378 : vector<32x4096xi1>
    %or3A_380 = arith.ori %and3A_375, %and3A_379 : vector<32x4096xi1>
    %select_n3A_381 = arith.select %or3A_380, %select_n3A_371, %select_n3A_354 : vector<32x4096xi1>, vector<32x4096xi32>
    %and3A_382 = arith.constant 1 : i32
    %and3A_383 = vector.broadcast %and3A_382 : i32 to vector<32x4096xi32>
    %and3A_384 = arith.andi %iota3A, %and3A_383 : vector<32x4096xi32>
    %eq3A_385 = arith.constant 0 : i32
    %eq3A_386 = vector.broadcast %eq3A_385 : i32 to vector<32x4096xi32>
    %eq3A_387 = arith.cmpi eq, %and3A_384, %eq3A_386 : vector<32x4096xi32>
    %and3A_388 = arith.constant 32 : i32
    %and3A_389 = vector.broadcast %and3A_388 : i32 to vector<32x4096xi32>
    %and3A_390 = arith.andi %iota3A, %and3A_389 : vector<32x4096xi32>
    %eq3A_391 = arith.constant 0 : i32
    %eq3A_392 = vector.broadcast %eq3A_391 : i32 to vector<32x4096xi32>
    %eq3A_393 = arith.cmpi eq, %and3A_390, %eq3A_392 : vector<32x4096xi32>
    %roll3A_394 = arith.constant 4095 : i32
    %roll3A_395 = tpu.dynamic_rotate %select_n3A_381 by %roll3A_394 dim 1 : vector<32x4096xi32>, i32 -> vector<32x4096xi32>
    %roll3A_396 = arith.constant 1 : i32
    %roll3A_397 = tpu.dynamic_rotate %select_n3A_381 by %roll3A_396 dim 1 : vector<32x4096xi32>, i32 -> vector<32x4096xi32>
    %select_n3A_398 = arith.select %eq3A_387, %roll3A_395, %roll3A_397 : vector<32x4096xi1>, vector<32x4096xi32>
    %select_n3A_399 = arith.select %eq3A_387, %select_n3A_381, %select_n3A_398 : vector<32x4096xi1>, vector<32x4096xi32>
    %select_n3A_400 = arith.select %eq3A_387, %select_n3A_398, %select_n3A_381 : vector<32x4096xi1>, vector<32x4096xi32>
    %gt3A_401 = arith.cmpi sgt, %select_n3A_399, %select_n3A_400 : vector<32x4096xi32>
    %and3A_402 = arith.andi %eq3A_393, %gt3A_401 : vector<32x4096xi1>
    %not3A_403 = arith.constant dense<true> : vector<32x4096xi1>
    %not3A_404 = arith.xori %eq3A_393, %not3A_403 : vector<32x4096xi1>
    %lt3A_405 = arith.cmpi slt, %select_n3A_399, %select_n3A_400 : vector<32x4096xi32>
    %and3A_406 = arith.andi %not3A_404, %lt3A_405 : vector<32x4096xi1>
    %or3A_407 = arith.ori %and3A_402, %and3A_406 : vector<32x4096xi1>
    %select_n3A_408 = arith.select %or3A_407, %select_n3A_398, %select_n3A_381 : vector<32x4096xi1>, vector<32x4096xi32>
    %and3A_409 = arith.constant 32 : i32
    %and3A_410 = vector.broadcast %and3A_409 : i32 to vector<32x4096xi32>
    %and3A_411 = arith.andi %iota3A, %and3A_410 : vector<32x4096xi32>
    %eq3A_412 = arith.constant 0 : i32
    %eq3A_413 = vector.broadcast %eq3A_412 : i32 to vector<32x4096xi32>
    %eq3A_414 = arith.cmpi eq, %and3A_411, %eq3A_413 : vector<32x4096xi32>
    %and3A_415 = arith.constant 64 : i32
    %and3A_416 = vector.broadcast %and3A_415 : i32 to vector<32x4096xi32>
    %and3A_417 = arith.andi %iota3A, %and3A_416 : vector<32x4096xi32>
    %eq3A_418 = arith.constant 0 : i32
    %eq3A_419 = vector.broadcast %eq3A_418 : i32 to vector<32x4096xi32>
    %eq3A_420 = arith.cmpi eq, %and3A_417, %eq3A_419 : vector<32x4096xi32>
    %roll3A_421 = arith.constant 4064 : i32
    %roll3A_422 = tpu.dynamic_rotate %select_n3A_408 by %roll3A_421 dim 1 : vector<32x4096xi32>, i32 -> vector<32x4096xi32>
    %roll3A_423 = arith.constant 32 : i32
    %roll3A_424 = tpu.dynamic_rotate %select_n3A_408 by %roll3A_423 dim 1 : vector<32x4096xi32>, i32 -> vector<32x4096xi32>
    %select_n3A_425 = arith.select %eq3A_414, %roll3A_422, %roll3A_424 : vector<32x4096xi1>, vector<32x4096xi32>
    %select_n3A_426 = arith.select %eq3A_414, %select_n3A_408, %select_n3A_425 : vector<32x4096xi1>, vector<32x4096xi32>
    %select_n3A_427 = arith.select %eq3A_414, %select_n3A_425, %select_n3A_408 : vector<32x4096xi1>, vector<32x4096xi32>
    %gt3A_428 = arith.cmpi sgt, %select_n3A_426, %select_n3A_427 : vector<32x4096xi32>
    %and3A_429 = arith.andi %eq3A_420, %gt3A_428 : vector<32x4096xi1>
    %not3A_430 = arith.constant dense<true> : vector<32x4096xi1>
    %not3A_431 = arith.xori %eq3A_420, %not3A_430 : vector<32x4096xi1>
    %lt3A_432 = arith.cmpi slt, %select_n3A_426, %select_n3A_427 : vector<32x4096xi32>
    %and3A_433 = arith.andi %not3A_431, %lt3A_432 : vector<32x4096xi1>
    %or3A_434 = arith.ori %and3A_429, %and3A_433 : vector<32x4096xi1>
    %select_n3A_435 = arith.select %or3A_434, %select_n3A_425, %select_n3A_408 : vector<32x4096xi1>, vector<32x4096xi32>
    %and3A_436 = arith.constant 16 : i32
    %and3A_437 = vector.broadcast %and3A_436 : i32 to vector<32x4096xi32>
    %and3A_438 = arith.andi %iota3A, %and3A_437 : vector<32x4096xi32>
    %eq3A_439 = arith.constant 0 : i32
    %eq3A_440 = vector.broadcast %eq3A_439 : i32 to vector<32x4096xi32>
    %eq3A_441 = arith.cmpi eq, %and3A_438, %eq3A_440 : vector<32x4096xi32>
    %and3A_442 = arith.constant 64 : i32
    %and3A_443 = vector.broadcast %and3A_442 : i32 to vector<32x4096xi32>
    %and3A_444 = arith.andi %iota3A, %and3A_443 : vector<32x4096xi32>
    %eq3A_445 = arith.constant 0 : i32
    %eq3A_446 = vector.broadcast %eq3A_445 : i32 to vector<32x4096xi32>
    %eq3A_447 = arith.cmpi eq, %and3A_444, %eq3A_446 : vector<32x4096xi32>
    %roll3A_448 = arith.constant 4080 : i32
    %roll3A_449 = tpu.dynamic_rotate %select_n3A_435 by %roll3A_448 dim 1 : vector<32x4096xi32>, i32 -> vector<32x4096xi32>
    %roll3A_450 = arith.constant 16 : i32
    %roll3A_451 = tpu.dynamic_rotate %select_n3A_435 by %roll3A_450 dim 1 : vector<32x4096xi32>, i32 -> vector<32x4096xi32>
    %select_n3A_452 = arith.select %eq3A_441, %roll3A_449, %roll3A_451 : vector<32x4096xi1>, vector<32x4096xi32>
    %select_n3A_453 = arith.select %eq3A_441, %select_n3A_435, %select_n3A_452 : vector<32x4096xi1>, vector<32x4096xi32>
    %select_n3A_454 = arith.select %eq3A_441, %select_n3A_452, %select_n3A_435 : vector<32x4096xi1>, vector<32x4096xi32>
    %gt3A_455 = arith.cmpi sgt, %select_n3A_453, %select_n3A_454 : vector<32x4096xi32>
    %and3A_456 = arith.andi %eq3A_447, %gt3A_455 : vector<32x4096xi1>
    %not3A_457 = arith.constant dense<true> : vector<32x4096xi1>
    %not3A_458 = arith.xori %eq3A_447, %not3A_457 : vector<32x4096xi1>
    %lt3A_459 = arith.cmpi slt, %select_n3A_453, %select_n3A_454 : vector<32x4096xi32>
    %and3A_460 = arith.andi %not3A_458, %lt3A_459 : vector<32x4096xi1>
    %or3A_461 = arith.ori %and3A_456, %and3A_460 : vector<32x4096xi1>
    %select_n3A_462 = arith.select %or3A_461, %select_n3A_452, %select_n3A_435 : vector<32x4096xi1>, vector<32x4096xi32>
    %and3A_463 = arith.constant 8 : i32
    %and3A_464 = vector.broadcast %and3A_463 : i32 to vector<32x4096xi32>
    %and3A_465 = arith.andi %iota3A, %and3A_464 : vector<32x4096xi32>
    %eq3A_466 = arith.constant 0 : i32
    %eq3A_467 = vector.broadcast %eq3A_466 : i32 to vector<32x4096xi32>
    %eq3A_468 = arith.cmpi eq, %and3A_465, %eq3A_467 : vector<32x4096xi32>
    %and3A_469 = arith.constant 64 : i32
    %and3A_470 = vector.broadcast %and3A_469 : i32 to vector<32x4096xi32>
    %and3A_471 = arith.andi %iota3A, %and3A_470 : vector<32x4096xi32>
    %eq3A_472 = arith.constant 0 : i32
    %eq3A_473 = vector.broadcast %eq3A_472 : i32 to vector<32x4096xi32>
    %eq3A_474 = arith.cmpi eq, %and3A_471, %eq3A_473 : vector<32x4096xi32>
    %roll3A_475 = arith.constant 4088 : i32
    %roll3A_476 = tpu.dynamic_rotate %select_n3A_462 by %roll3A_475 dim 1 : vector<32x4096xi32>, i32 -> vector<32x4096xi32>
    %roll3A_477 = arith.constant 8 : i32
    %roll3A_478 = tpu.dynamic_rotate %select_n3A_462 by %roll3A_477 dim 1 : vector<32x4096xi32>, i32 -> vector<32x4096xi32>
    %select_n3A_479 = arith.select %eq3A_468, %roll3A_476, %roll3A_478 : vector<32x4096xi1>, vector<32x4096xi32>
    %select_n3A_480 = arith.select %eq3A_468, %select_n3A_462, %select_n3A_479 : vector<32x4096xi1>, vector<32x4096xi32>
    %select_n3A_481 = arith.select %eq3A_468, %select_n3A_479, %select_n3A_462 : vector<32x4096xi1>, vector<32x4096xi32>
    %gt3A_482 = arith.cmpi sgt, %select_n3A_480, %select_n3A_481 : vector<32x4096xi32>
    %and3A_483 = arith.andi %eq3A_474, %gt3A_482 : vector<32x4096xi1>
    %not3A_484 = arith.constant dense<true> : vector<32x4096xi1>
    %not3A_485 = arith.xori %eq3A_474, %not3A_484 : vector<32x4096xi1>
    %lt3A_486 = arith.cmpi slt, %select_n3A_480, %select_n3A_481 : vector<32x4096xi32>
    %and3A_487 = arith.andi %not3A_485, %lt3A_486 : vector<32x4096xi1>
    %or3A_488 = arith.ori %and3A_483, %and3A_487 : vector<32x4096xi1>
    %select_n3A_489 = arith.select %or3A_488, %select_n3A_479, %select_n3A_462 : vector<32x4096xi1>, vector<32x4096xi32>
    %and3A_490 = arith.constant 4 : i32
    %and3A_491 = vector.broadcast %and3A_490 : i32 to vector<32x4096xi32>
    %and3A_492 = arith.andi %iota3A, %and3A_491 : vector<32x4096xi32>
    %eq3A_493 = arith.constant 0 : i32
    %eq3A_494 = vector.broadcast %eq3A_493 : i32 to vector<32x4096xi32>
    %eq3A_495 = arith.cmpi eq, %and3A_492, %eq3A_494 : vector<32x4096xi32>
    %and3A_496 = arith.constant 64 : i32
    %and3A_497 = vector.broadcast %and3A_496 : i32 to vector<32x4096xi32>
    %and3A_498 = arith.andi %iota3A, %and3A_497 : vector<32x4096xi32>
    %eq3A_499 = arith.constant 0 : i32
    %eq3A_500 = vector.broadcast %eq3A_499 : i32 to vector<32x4096xi32>
    %eq3A_501 = arith.cmpi eq, %and3A_498, %eq3A_500 : vector<32x4096xi32>
    %roll3A_502 = arith.constant 4092 : i32
    %roll3A_503 = tpu.dynamic_rotate %select_n3A_489 by %roll3A_502 dim 1 : vector<32x4096xi32>, i32 -> vector<32x4096xi32>
    %roll3A_504 = arith.constant 4 : i32
    %roll3A_505 = tpu.dynamic_rotate %select_n3A_489 by %roll3A_504 dim 1 : vector<32x4096xi32>, i32 -> vector<32x4096xi32>
    %select_n3A_506 = arith.select %eq3A_495, %roll3A_503, %roll3A_505 : vector<32x4096xi1>, vector<32x4096xi32>
    %select_n3A_507 = arith.select %eq3A_495, %select_n3A_489, %select_n3A_506 : vector<32x4096xi1>, vector<32x4096xi32>
    %select_n3A_508 = arith.select %eq3A_495, %select_n3A_506, %select_n3A_489 : vector<32x4096xi1>, vector<32x4096xi32>
    %gt3A_509 = arith.cmpi sgt, %select_n3A_507, %select_n3A_508 : vector<32x4096xi32>
    %and3A_510 = arith.andi %eq3A_501, %gt3A_509 : vector<32x4096xi1>
    %not3A_511 = arith.constant dense<true> : vector<32x4096xi1>
    %not3A_512 = arith.xori %eq3A_501, %not3A_511 : vector<32x4096xi1>
    %lt3A_513 = arith.cmpi slt, %select_n3A_507, %select_n3A_508 : vector<32x4096xi32>
    %and3A_514 = arith.andi %not3A_512, %lt3A_513 : vector<32x4096xi1>
    %or3A_515 = arith.ori %and3A_510, %and3A_514 : vector<32x4096xi1>
    %select_n3A_516 = arith.select %or3A_515, %select_n3A_506, %select_n3A_489 : vector<32x4096xi1>, vector<32x4096xi32>
    %and3A_517 = arith.constant 2 : i32
    %and3A_518 = vector.broadcast %and3A_517 : i32 to vector<32x4096xi32>
    %and3A_519 = arith.andi %iota3A, %and3A_518 : vector<32x4096xi32>
    %eq3A_520 = arith.constant 0 : i32
    %eq3A_521 = vector.broadcast %eq3A_520 : i32 to vector<32x4096xi32>
    %eq3A_522 = arith.cmpi eq, %and3A_519, %eq3A_521 : vector<32x4096xi32>
    %and3A_523 = arith.constant 64 : i32
    %and3A_524 = vector.broadcast %and3A_523 : i32 to vector<32x4096xi32>
    %and3A_525 = arith.andi %iota3A, %and3A_524 : vector<32x4096xi32>
    %eq3A_526 = arith.constant 0 : i32
    %eq3A_527 = vector.broadcast %eq3A_526 : i32 to vector<32x4096xi32>
    %eq3A_528 = arith.cmpi eq, %and3A_525, %eq3A_527 : vector<32x4096xi32>
    %roll3A_529 = arith.constant 4094 : i32
    %roll3A_530 = tpu.dynamic_rotate %select_n3A_516 by %roll3A_529 dim 1 : vector<32x4096xi32>, i32 -> vector<32x4096xi32>
    %roll3A_531 = arith.constant 2 : i32
    %roll3A_532 = tpu.dynamic_rotate %select_n3A_516 by %roll3A_531 dim 1 : vector<32x4096xi32>, i32 -> vector<32x4096xi32>
    %select_n3A_533 = arith.select %eq3A_522, %roll3A_530, %roll3A_532 : vector<32x4096xi1>, vector<32x4096xi32>
    %select_n3A_534 = arith.select %eq3A_522, %select_n3A_516, %select_n3A_533 : vector<32x4096xi1>, vector<32x4096xi32>
    %select_n3A_535 = arith.select %eq3A_522, %select_n3A_533, %select_n3A_516 : vector<32x4096xi1>, vector<32x4096xi32>
    %gt3A_536 = arith.cmpi sgt, %select_n3A_534, %select_n3A_535 : vector<32x4096xi32>
    %and3A_537 = arith.andi %eq3A_528, %gt3A_536 : vector<32x4096xi1>
    %not3A_538 = arith.constant dense<true> : vector<32x4096xi1>
    %not3A_539 = arith.xori %eq3A_528, %not3A_538 : vector<32x4096xi1>
    %lt3A_540 = arith.cmpi slt, %select_n3A_534, %select_n3A_535 : vector<32x4096xi32>
    %and3A_541 = arith.andi %not3A_539, %lt3A_540 : vector<32x4096xi1>
    %or3A_542 = arith.ori %and3A_537, %and3A_541 : vector<32x4096xi1>
    %select_n3A_543 = arith.select %or3A_542, %select_n3A_533, %select_n3A_516 : vector<32x4096xi1>, vector<32x4096xi32>
    %and3A_544 = arith.constant 1 : i32
    %and3A_545 = vector.broadcast %and3A_544 : i32 to vector<32x4096xi32>
    %and3A_546 = arith.andi %iota3A, %and3A_545 : vector<32x4096xi32>
    %eq3A_547 = arith.constant 0 : i32
    %eq3A_548 = vector.broadcast %eq3A_547 : i32 to vector<32x4096xi32>
    %eq3A_549 = arith.cmpi eq, %and3A_546, %eq3A_548 : vector<32x4096xi32>
    %and3A_550 = arith.constant 64 : i32
    %and3A_551 = vector.broadcast %and3A_550 : i32 to vector<32x4096xi32>
    %and3A_552 = arith.andi %iota3A, %and3A_551 : vector<32x4096xi32>
    %eq3A_553 = arith.constant 0 : i32
    %eq3A_554 = vector.broadcast %eq3A_553 : i32 to vector<32x4096xi32>
    %eq3A_555 = arith.cmpi eq, %and3A_552, %eq3A_554 : vector<32x4096xi32>
    %roll3A_556 = arith.constant 4095 : i32
    %roll3A_557 = tpu.dynamic_rotate %select_n3A_543 by %roll3A_556 dim 1 : vector<32x4096xi32>, i32 -> vector<32x4096xi32>
    %roll3A_558 = arith.constant 1 : i32
    %roll3A_559 = tpu.dynamic_rotate %select_n3A_543 by %roll3A_558 dim 1 : vector<32x4096xi32>, i32 -> vector<32x4096xi32>
    %select_n3A_560 = arith.select %eq3A_549, %roll3A_557, %roll3A_559 : vector<32x4096xi1>, vector<32x4096xi32>
    %select_n3A_561 = arith.select %eq3A_549, %select_n3A_543, %select_n3A_560 : vector<32x4096xi1>, vector<32x4096xi32>
    %select_n3A_562 = arith.select %eq3A_549, %select_n3A_560, %select_n3A_543 : vector<32x4096xi1>, vector<32x4096xi32>
    %gt3A_563 = arith.cmpi sgt, %select_n3A_561, %select_n3A_562 : vector<32x4096xi32>
    %and3A_564 = arith.andi %eq3A_555, %gt3A_563 : vector<32x4096xi1>
    %not3A_565 = arith.constant dense<true> : vector<32x4096xi1>
    %not3A_566 = arith.xori %eq3A_555, %not3A_565 : vector<32x4096xi1>
    %lt3A_567 = arith.cmpi slt, %select_n3A_561, %select_n3A_562 : vector<32x4096xi32>
    %and3A_568 = arith.andi %not3A_566, %lt3A_567 : vector<32x4096xi1>
    %or3A_569 = arith.ori %and3A_564, %and3A_568 : vector<32x4096xi1>
    %select_n3A_570 = arith.select %or3A_569, %select_n3A_560, %select_n3A_543 : vector<32x4096xi1>, vector<32x4096xi32>
    %and3A_571 = arith.constant 64 : i32
    %and3A_572 = vector.broadcast %and3A_571 : i32 to vector<32x4096xi32>
    %and3A_573 = arith.andi %iota3A, %and3A_572 : vector<32x4096xi32>
    %eq3A_574 = arith.constant 0 : i32
    %eq3A_575 = vector.broadcast %eq3A_574 : i32 to vector<32x4096xi32>
    %eq3A_576 = arith.cmpi eq, %and3A_573, %eq3A_575 : vector<32x4096xi32>
    %and3A_577 = arith.constant 128 : i32
    %and3A_578 = vector.broadcast %and3A_577 : i32 to vector<32x4096xi32>
    %and3A_579 = arith.andi %iota3A, %and3A_578 : vector<32x4096xi32>
    %eq3A_580 = arith.constant 0 : i32
    %eq3A_581 = vector.broadcast %eq3A_580 : i32 to vector<32x4096xi32>
    %eq3A_582 = arith.cmpi eq, %and3A_579, %eq3A_581 : vector<32x4096xi32>
    %roll3A_583 = arith.constant 4032 : i32
    %roll3A_584 = tpu.dynamic_rotate %select_n3A_570 by %roll3A_583 dim 1 : vector<32x4096xi32>, i32 -> vector<32x4096xi32>
    %roll3A_585 = arith.constant 64 : i32
    %roll3A_586 = tpu.dynamic_rotate %select_n3A_570 by %roll3A_585 dim 1 : vector<32x4096xi32>, i32 -> vector<32x4096xi32>
    %select_n3A_587 = arith.select %eq3A_576, %roll3A_584, %roll3A_586 : vector<32x4096xi1>, vector<32x4096xi32>
    %select_n3A_588 = arith.select %eq3A_576, %select_n3A_570, %select_n3A_587 : vector<32x4096xi1>, vector<32x4096xi32>
    %select_n3A_589 = arith.select %eq3A_576, %select_n3A_587, %select_n3A_570 : vector<32x4096xi1>, vector<32x4096xi32>
    %gt3A_590 = arith.cmpi sgt, %select_n3A_588, %select_n3A_589 : vector<32x4096xi32>
    %and3A_591 = arith.andi %eq3A_582, %gt3A_590 : vector<32x4096xi1>
    %not3A_592 = arith.constant dense<true> : vector<32x4096xi1>
    %not3A_593 = arith.xori %eq3A_582, %not3A_592 : vector<32x4096xi1>
    %lt3A_594 = arith.cmpi slt, %select_n3A_588, %select_n3A_589 : vector<32x4096xi32>
    %and3A_595 = arith.andi %not3A_593, %lt3A_594 : vector<32x4096xi1>
    %or3A_596 = arith.ori %and3A_591, %and3A_595 : vector<32x4096xi1>
    %select_n3A_597 = arith.select %or3A_596, %select_n3A_587, %select_n3A_570 : vector<32x4096xi1>, vector<32x4096xi32>
    %and3A_598 = arith.constant 32 : i32
    %and3A_599 = vector.broadcast %and3A_598 : i32 to vector<32x4096xi32>
    %and3A_600 = arith.andi %iota3A, %and3A_599 : vector<32x4096xi32>
    %eq3A_601 = arith.constant 0 : i32
    %eq3A_602 = vector.broadcast %eq3A_601 : i32 to vector<32x4096xi32>
    %eq3A_603 = arith.cmpi eq, %and3A_600, %eq3A_602 : vector<32x4096xi32>
    %and3A_604 = arith.constant 128 : i32
    %and3A_605 = vector.broadcast %and3A_604 : i32 to vector<32x4096xi32>
    %and3A_606 = arith.andi %iota3A, %and3A_605 : vector<32x4096xi32>
    %eq3A_607 = arith.constant 0 : i32
    %eq3A_608 = vector.broadcast %eq3A_607 : i32 to vector<32x4096xi32>
    %eq3A_609 = arith.cmpi eq, %and3A_606, %eq3A_608 : vector<32x4096xi32>
    %roll3A_610 = arith.constant 4064 : i32
    %roll3A_611 = tpu.dynamic_rotate %select_n3A_597 by %roll3A_610 dim 1 : vector<32x4096xi32>, i32 -> vector<32x4096xi32>
    %roll3A_612 = arith.constant 32 : i32
    %roll3A_613 = tpu.dynamic_rotate %select_n3A_597 by %roll3A_612 dim 1 : vector<32x4096xi32>, i32 -> vector<32x4096xi32>
    %select_n3A_614 = arith.select %eq3A_603, %roll3A_611, %roll3A_613 : vector<32x4096xi1>, vector<32x4096xi32>
    %select_n3A_615 = arith.select %eq3A_603, %select_n3A_597, %select_n3A_614 : vector<32x4096xi1>, vector<32x4096xi32>
    %select_n3A_616 = arith.select %eq3A_603, %select_n3A_614, %select_n3A_597 : vector<32x4096xi1>, vector<32x4096xi32>
    %gt3A_617 = arith.cmpi sgt, %select_n3A_615, %select_n3A_616 : vector<32x4096xi32>
    %and3A_618 = arith.andi %eq3A_609, %gt3A_617 : vector<32x4096xi1>
    %not3A_619 = arith.constant dense<true> : vector<32x4096xi1>
    %not3A_620 = arith.xori %eq3A_609, %not3A_619 : vector<32x4096xi1>
    %lt3A_621 = arith.cmpi slt, %select_n3A_615, %select_n3A_616 : vector<32x4096xi32>
    %and3A_622 = arith.andi %not3A_620, %lt3A_621 : vector<32x4096xi1>
    %or3A_623 = arith.ori %and3A_618, %and3A_622 : vector<32x4096xi1>
    %select_n3A_624 = arith.select %or3A_623, %select_n3A_614, %select_n3A_597 : vector<32x4096xi1>, vector<32x4096xi32>
    %and3A_625 = arith.constant 16 : i32
    %and3A_626 = vector.broadcast %and3A_625 : i32 to vector<32x4096xi32>
    %and3A_627 = arith.andi %iota3A, %and3A_626 : vector<32x4096xi32>
    %eq3A_628 = arith.constant 0 : i32
    %eq3A_629 = vector.broadcast %eq3A_628 : i32 to vector<32x4096xi32>
    %eq3A_630 = arith.cmpi eq, %and3A_627, %eq3A_629 : vector<32x4096xi32>
    %and3A_631 = arith.constant 128 : i32
    %and3A_632 = vector.broadcast %and3A_631 : i32 to vector<32x4096xi32>
    %and3A_633 = arith.andi %iota3A, %and3A_632 : vector<32x4096xi32>
    %eq3A_634 = arith.constant 0 : i32
    %eq3A_635 = vector.broadcast %eq3A_634 : i32 to vector<32x4096xi32>
    %eq3A_636 = arith.cmpi eq, %and3A_633, %eq3A_635 : vector<32x4096xi32>
    %roll3A_637 = arith.constant 4080 : i32
    %roll3A_638 = tpu.dynamic_rotate %select_n3A_624 by %roll3A_637 dim 1 : vector<32x4096xi32>, i32 -> vector<32x4096xi32>
    %roll3A_639 = arith.constant 16 : i32
    %roll3A_640 = tpu.dynamic_rotate %select_n3A_624 by %roll3A_639 dim 1 : vector<32x4096xi32>, i32 -> vector<32x4096xi32>
    %select_n3A_641 = arith.select %eq3A_630, %roll3A_638, %roll3A_640 : vector<32x4096xi1>, vector<32x4096xi32>
    %select_n3A_642 = arith.select %eq3A_630, %select_n3A_624, %select_n3A_641 : vector<32x4096xi1>, vector<32x4096xi32>
    %select_n3A_643 = arith.select %eq3A_630, %select_n3A_641, %select_n3A_624 : vector<32x4096xi1>, vector<32x4096xi32>
    %gt3A_644 = arith.cmpi sgt, %select_n3A_642, %select_n3A_643 : vector<32x4096xi32>
    %and3A_645 = arith.andi %eq3A_636, %gt3A_644 : vector<32x4096xi1>
    %not3A_646 = arith.constant dense<true> : vector<32x4096xi1>
    %not3A_647 = arith.xori %eq3A_636, %not3A_646 : vector<32x4096xi1>
    %lt3A_648 = arith.cmpi slt, %select_n3A_642, %select_n3A_643 : vector<32x4096xi32>
    %and3A_649 = arith.andi %not3A_647, %lt3A_648 : vector<32x4096xi1>
    %or3A_650 = arith.ori %and3A_645, %and3A_649 : vector<32x4096xi1>
    %select_n3A_651 = arith.select %or3A_650, %select_n3A_641, %select_n3A_624 : vector<32x4096xi1>, vector<32x4096xi32>
    %and3A_652 = arith.constant 8 : i32
    %and3A_653 = vector.broadcast %and3A_652 : i32 to vector<32x4096xi32>
    %and3A_654 = arith.andi %iota3A, %and3A_653 : vector<32x4096xi32>
    %eq3A_655 = arith.constant 0 : i32
    %eq3A_656 = vector.broadcast %eq3A_655 : i32 to vector<32x4096xi32>
    %eq3A_657 = arith.cmpi eq, %and3A_654, %eq3A_656 : vector<32x4096xi32>
    %and3A_658 = arith.constant 128 : i32
    %and3A_659 = vector.broadcast %and3A_658 : i32 to vector<32x4096xi32>
    %and3A_660 = arith.andi %iota3A, %and3A_659 : vector<32x4096xi32>
    %eq3A_661 = arith.constant 0 : i32
    %eq3A_662 = vector.broadcast %eq3A_661 : i32 to vector<32x4096xi32>
    %eq3A_663 = arith.cmpi eq, %and3A_660, %eq3A_662 : vector<32x4096xi32>
    %roll3A_664 = arith.constant 4088 : i32
    %roll3A_665 = tpu.dynamic_rotate %select_n3A_651 by %roll3A_664 dim 1 : vector<32x4096xi32>, i32 -> vector<32x4096xi32>
    %roll3A_666 = arith.constant 8 : i32
    %roll3A_667 = tpu.dynamic_rotate %select_n3A_651 by %roll3A_666 dim 1 : vector<32x4096xi32>, i32 -> vector<32x4096xi32>
    %select_n3A_668 = arith.select %eq3A_657, %roll3A_665, %roll3A_667 : vector<32x4096xi1>, vector<32x4096xi32>
    %select_n3A_669 = arith.select %eq3A_657, %select_n3A_651, %select_n3A_668 : vector<32x4096xi1>, vector<32x4096xi32>
    %select_n3A_670 = arith.select %eq3A_657, %select_n3A_668, %select_n3A_651 : vector<32x4096xi1>, vector<32x4096xi32>
    %gt3A_671 = arith.cmpi sgt, %select_n3A_669, %select_n3A_670 : vector<32x4096xi32>
    %and3A_672 = arith.andi %eq3A_663, %gt3A_671 : vector<32x4096xi1>
    %not3A_673 = arith.constant dense<true> : vector<32x4096xi1>
    %not3A_674 = arith.xori %eq3A_663, %not3A_673 : vector<32x4096xi1>
    %lt3A_675 = arith.cmpi slt, %select_n3A_669, %select_n3A_670 : vector<32x4096xi32>
    %and3A_676 = arith.andi %not3A_674, %lt3A_675 : vector<32x4096xi1>
    %or3A_677 = arith.ori %and3A_672, %and3A_676 : vector<32x4096xi1>
    %select_n3A_678 = arith.select %or3A_677, %select_n3A_668, %select_n3A_651 : vector<32x4096xi1>, vector<32x4096xi32>
    %and3A_679 = arith.constant 4 : i32
    %and3A_680 = vector.broadcast %and3A_679 : i32 to vector<32x4096xi32>
    %and3A_681 = arith.andi %iota3A, %and3A_680 : vector<32x4096xi32>
    %eq3A_682 = arith.constant 0 : i32
    %eq3A_683 = vector.broadcast %eq3A_682 : i32 to vector<32x4096xi32>
    %eq3A_684 = arith.cmpi eq, %and3A_681, %eq3A_683 : vector<32x4096xi32>
    %and3A_685 = arith.constant 128 : i32
    %and3A_686 = vector.broadcast %and3A_685 : i32 to vector<32x4096xi32>
    %and3A_687 = arith.andi %iota3A, %and3A_686 : vector<32x4096xi32>
    %eq3A_688 = arith.constant 0 : i32
    %eq3A_689 = vector.broadcast %eq3A_688 : i32 to vector<32x4096xi32>
    %eq3A_690 = arith.cmpi eq, %and3A_687, %eq3A_689 : vector<32x4096xi32>
    %roll3A_691 = arith.constant 4092 : i32
    %roll3A_692 = tpu.dynamic_rotate %select_n3A_678 by %roll3A_691 dim 1 : vector<32x4096xi32>, i32 -> vector<32x4096xi32>
    %roll3A_693 = arith.constant 4 : i32
    %roll3A_694 = tpu.dynamic_rotate %select_n3A_678 by %roll3A_693 dim 1 : vector<32x4096xi32>, i32 -> vector<32x4096xi32>
    %select_n3A_695 = arith.select %eq3A_684, %roll3A_692, %roll3A_694 : vector<32x4096xi1>, vector<32x4096xi32>
    %select_n3A_696 = arith.select %eq3A_684, %select_n3A_678, %select_n3A_695 : vector<32x4096xi1>, vector<32x4096xi32>
    %select_n3A_697 = arith.select %eq3A_684, %select_n3A_695, %select_n3A_678 : vector<32x4096xi1>, vector<32x4096xi32>
    %gt3A_698 = arith.cmpi sgt, %select_n3A_696, %select_n3A_697 : vector<32x4096xi32>
    %and3A_699 = arith.andi %eq3A_690, %gt3A_698 : vector<32x4096xi1>
    %not3A_700 = arith.constant dense<true> : vector<32x4096xi1>
    %not3A_701 = arith.xori %eq3A_690, %not3A_700 : vector<32x4096xi1>
    %lt3A_702 = arith.cmpi slt, %select_n3A_696, %select_n3A_697 : vector<32x4096xi32>
    %and3A_703 = arith.andi %not3A_701, %lt3A_702 : vector<32x4096xi1>
    %or3A_704 = arith.ori %and3A_699, %and3A_703 : vector<32x4096xi1>
    %select_n3A_705 = arith.select %or3A_704, %select_n3A_695, %select_n3A_678 : vector<32x4096xi1>, vector<32x4096xi32>
    %and3A_706 = arith.constant 2 : i32
    %and3A_707 = vector.broadcast %and3A_706 : i32 to vector<32x4096xi32>
    %and3A_708 = arith.andi %iota3A, %and3A_707 : vector<32x4096xi32>
    %eq3A_709 = arith.constant 0 : i32
    %eq3A_710 = vector.broadcast %eq3A_709 : i32 to vector<32x4096xi32>
    %eq3A_711 = arith.cmpi eq, %and3A_708, %eq3A_710 : vector<32x4096xi32>
    %and3A_712 = arith.constant 128 : i32
    %and3A_713 = vector.broadcast %and3A_712 : i32 to vector<32x4096xi32>
    %and3A_714 = arith.andi %iota3A, %and3A_713 : vector<32x4096xi32>
    %eq3A_715 = arith.constant 0 : i32
    %eq3A_716 = vector.broadcast %eq3A_715 : i32 to vector<32x4096xi32>
    %eq3A_717 = arith.cmpi eq, %and3A_714, %eq3A_716 : vector<32x4096xi32>
    %roll3A_718 = arith.constant 4094 : i32
    %roll3A_719 = tpu.dynamic_rotate %select_n3A_705 by %roll3A_718 dim 1 : vector<32x4096xi32>, i32 -> vector<32x4096xi32>
    %roll3A_720 = arith.constant 2 : i32
    %roll3A_721 = tpu.dynamic_rotate %select_n3A_705 by %roll3A_720 dim 1 : vector<32x4096xi32>, i32 -> vector<32x4096xi32>
    %select_n3A_722 = arith.select %eq3A_711, %roll3A_719, %roll3A_721 : vector<32x4096xi1>, vector<32x4096xi32>
    %select_n3A_723 = arith.select %eq3A_711, %select_n3A_705, %select_n3A_722 : vector<32x4096xi1>, vector<32x4096xi32>
    %select_n3A_724 = arith.select %eq3A_711, %select_n3A_722, %select_n3A_705 : vector<32x4096xi1>, vector<32x4096xi32>
    %gt3A_725 = arith.cmpi sgt, %select_n3A_723, %select_n3A_724 : vector<32x4096xi32>
    %and3A_726 = arith.andi %eq3A_717, %gt3A_725 : vector<32x4096xi1>
    %not3A_727 = arith.constant dense<true> : vector<32x4096xi1>
    %not3A_728 = arith.xori %eq3A_717, %not3A_727 : vector<32x4096xi1>
    %lt3A_729 = arith.cmpi slt, %select_n3A_723, %select_n3A_724 : vector<32x4096xi32>
    %and3A_730 = arith.andi %not3A_728, %lt3A_729 : vector<32x4096xi1>
    %or3A_731 = arith.ori %and3A_726, %and3A_730 : vector<32x4096xi1>
    %select_n3A_732 = arith.select %or3A_731, %select_n3A_722, %select_n3A_705 : vector<32x4096xi1>, vector<32x4096xi32>
    %and3A_733 = arith.constant 1 : i32
    %and3A_734 = vector.broadcast %and3A_733 : i32 to vector<32x4096xi32>
    %and3A_735 = arith.andi %iota3A, %and3A_734 : vector<32x4096xi32>
    %eq3A_736 = arith.constant 0 : i32
    %eq3A_737 = vector.broadcast %eq3A_736 : i32 to vector<32x4096xi32>
    %eq3A_738 = arith.cmpi eq, %and3A_735, %eq3A_737 : vector<32x4096xi32>
    %and3A_739 = arith.constant 128 : i32
    %and3A_740 = vector.broadcast %and3A_739 : i32 to vector<32x4096xi32>
    %and3A_741 = arith.andi %iota3A, %and3A_740 : vector<32x4096xi32>
    %eq3A_742 = arith.constant 0 : i32
    %eq3A_743 = vector.broadcast %eq3A_742 : i32 to vector<32x4096xi32>
    %eq3A_744 = arith.cmpi eq, %and3A_741, %eq3A_743 : vector<32x4096xi32>
    %roll3A_745 = arith.constant 4095 : i32
    %roll3A_746 = tpu.dynamic_rotate %select_n3A_732 by %roll3A_745 dim 1 : vector<32x4096xi32>, i32 -> vector<32x4096xi32>
    %roll3A_747 = arith.constant 1 : i32
    %roll3A_748 = tpu.dynamic_rotate %select_n3A_732 by %roll3A_747 dim 1 : vector<32x4096xi32>, i32 -> vector<32x4096xi32>
    %select_n3A_749 = arith.select %eq3A_738, %roll3A_746, %roll3A_748 : vector<32x4096xi1>, vector<32x4096xi32>
    %select_n3A_750 = arith.select %eq3A_738, %select_n3A_732, %select_n3A_749 : vector<32x4096xi1>, vector<32x4096xi32>
    %select_n3A_751 = arith.select %eq3A_738, %select_n3A_749, %select_n3A_732 : vector<32x4096xi1>, vector<32x4096xi32>
    %gt3A_752 = arith.cmpi sgt, %select_n3A_750, %select_n3A_751 : vector<32x4096xi32>
    %and3A_753 = arith.andi %eq3A_744, %gt3A_752 : vector<32x4096xi1>
    %not3A_754 = arith.constant dense<true> : vector<32x4096xi1>
    %not3A_755 = arith.xori %eq3A_744, %not3A_754 : vector<32x4096xi1>
    %lt3A_756 = arith.cmpi slt, %select_n3A_750, %select_n3A_751 : vector<32x4096xi32>
    %and3A_757 = arith.andi %not3A_755, %lt3A_756 : vector<32x4096xi1>
    %or3A_758 = arith.ori %and3A_753, %and3A_757 : vector<32x4096xi1>
    %select_n3A_759 = arith.select %or3A_758, %select_n3A_749, %select_n3A_732 : vector<32x4096xi1>, vector<32x4096xi32>
    %and3A_760 = arith.constant 128 : i32
    %and3A_761 = vector.broadcast %and3A_760 : i32 to vector<32x4096xi32>
    %and3A_762 = arith.andi %iota3A, %and3A_761 : vector<32x4096xi32>
    %eq3A_763 = arith.constant 0 : i32
    %eq3A_764 = vector.broadcast %eq3A_763 : i32 to vector<32x4096xi32>
    %eq3A_765 = arith.cmpi eq, %and3A_762, %eq3A_764 : vector<32x4096xi32>
    %and3A_766 = arith.constant 256 : i32
    %and3A_767 = vector.broadcast %and3A_766 : i32 to vector<32x4096xi32>
    %and3A_768 = arith.andi %iota3A, %and3A_767 : vector<32x4096xi32>
    %eq3A_769 = arith.constant 0 : i32
    %eq3A_770 = vector.broadcast %eq3A_769 : i32 to vector<32x4096xi32>
    %eq3A_771 = arith.cmpi eq, %and3A_768, %eq3A_770 : vector<32x4096xi32>
    %roll3A_772 = arith.constant 3968 : i32
    %roll3A_773 = tpu.dynamic_rotate %select_n3A_759 by %roll3A_772 dim 1 : vector<32x4096xi32>, i32 -> vector<32x4096xi32>
    %roll3A_774 = arith.constant 128 : i32
    %roll3A_775 = tpu.dynamic_rotate %select_n3A_759 by %roll3A_774 dim 1 : vector<32x4096xi32>, i32 -> vector<32x4096xi32>
    %select_n3A_776 = arith.select %eq3A_765, %roll3A_773, %roll3A_775 : vector<32x4096xi1>, vector<32x4096xi32>
    %select_n3A_777 = arith.select %eq3A_765, %select_n3A_759, %select_n3A_776 : vector<32x4096xi1>, vector<32x4096xi32>
    %select_n3A_778 = arith.select %eq3A_765, %select_n3A_776, %select_n3A_759 : vector<32x4096xi1>, vector<32x4096xi32>
    %gt3A_779 = arith.cmpi sgt, %select_n3A_777, %select_n3A_778 : vector<32x4096xi32>
    %and3A_780 = arith.andi %eq3A_771, %gt3A_779 : vector<32x4096xi1>
    %not3A_781 = arith.constant dense<true> : vector<32x4096xi1>
    %not3A_782 = arith.xori %eq3A_771, %not3A_781 : vector<32x4096xi1>
    %lt3A_783 = arith.cmpi slt, %select_n3A_777, %select_n3A_778 : vector<32x4096xi32>
    %and3A_784 = arith.andi %not3A_782, %lt3A_783 : vector<32x4096xi1>
    %or3A_785 = arith.ori %and3A_780, %and3A_784 : vector<32x4096xi1>
    %select_n3A_786 = arith.select %or3A_785, %select_n3A_776, %select_n3A_759 : vector<32x4096xi1>, vector<32x4096xi32>
    %and3A_787 = arith.constant 64 : i32
    %and3A_788 = vector.broadcast %and3A_787 : i32 to vector<32x4096xi32>
    %and3A_789 = arith.andi %iota3A, %and3A_788 : vector<32x4096xi32>
    %eq3A_790 = arith.constant 0 : i32
    %eq3A_791 = vector.broadcast %eq3A_790 : i32 to vector<32x4096xi32>
    %eq3A_792 = arith.cmpi eq, %and3A_789, %eq3A_791 : vector<32x4096xi32>
    %and3A_793 = arith.constant 256 : i32
    %and3A_794 = vector.broadcast %and3A_793 : i32 to vector<32x4096xi32>
    %and3A_795 = arith.andi %iota3A, %and3A_794 : vector<32x4096xi32>
    %eq3A_796 = arith.constant 0 : i32
    %eq3A_797 = vector.broadcast %eq3A_796 : i32 to vector<32x4096xi32>
    %eq3A_798 = arith.cmpi eq, %and3A_795, %eq3A_797 : vector<32x4096xi32>
    %roll3A_799 = arith.constant 4032 : i32
    %roll3A_800 = tpu.dynamic_rotate %select_n3A_786 by %roll3A_799 dim 1 : vector<32x4096xi32>, i32 -> vector<32x4096xi32>
    %roll3A_801 = arith.constant 64 : i32
    %roll3A_802 = tpu.dynamic_rotate %select_n3A_786 by %roll3A_801 dim 1 : vector<32x4096xi32>, i32 -> vector<32x4096xi32>
    %select_n3A_803 = arith.select %eq3A_792, %roll3A_800, %roll3A_802 : vector<32x4096xi1>, vector<32x4096xi32>
    %select_n3A_804 = arith.select %eq3A_792, %select_n3A_786, %select_n3A_803 : vector<32x4096xi1>, vector<32x4096xi32>
    %select_n3A_805 = arith.select %eq3A_792, %select_n3A_803, %select_n3A_786 : vector<32x4096xi1>, vector<32x4096xi32>
    %gt3A_806 = arith.cmpi sgt, %select_n3A_804, %select_n3A_805 : vector<32x4096xi32>
    %and3A_807 = arith.andi %eq3A_798, %gt3A_806 : vector<32x4096xi1>
    %not3A_808 = arith.constant dense<true> : vector<32x4096xi1>
    %not3A_809 = arith.xori %eq3A_798, %not3A_808 : vector<32x4096xi1>
    %lt3A_810 = arith.cmpi slt, %select_n3A_804, %select_n3A_805 : vector<32x4096xi32>
    %and3A_811 = arith.andi %not3A_809, %lt3A_810 : vector<32x4096xi1>
    %or3A_812 = arith.ori %and3A_807, %and3A_811 : vector<32x4096xi1>
    %select_n3A_813 = arith.select %or3A_812, %select_n3A_803, %select_n3A_786 : vector<32x4096xi1>, vector<32x4096xi32>
    %and3A_814 = arith.constant 32 : i32
    %and3A_815 = vector.broadcast %and3A_814 : i32 to vector<32x4096xi32>
    %and3A_816 = arith.andi %iota3A, %and3A_815 : vector<32x4096xi32>
    %eq3A_817 = arith.constant 0 : i32
    %eq3A_818 = vector.broadcast %eq3A_817 : i32 to vector<32x4096xi32>
    %eq3A_819 = arith.cmpi eq, %and3A_816, %eq3A_818 : vector<32x4096xi32>
    %and3A_820 = arith.constant 256 : i32
    %and3A_821 = vector.broadcast %and3A_820 : i32 to vector<32x4096xi32>
    %and3A_822 = arith.andi %iota3A, %and3A_821 : vector<32x4096xi32>
    %eq3A_823 = arith.constant 0 : i32
    %eq3A_824 = vector.broadcast %eq3A_823 : i32 to vector<32x4096xi32>
    %eq3A_825 = arith.cmpi eq, %and3A_822, %eq3A_824 : vector<32x4096xi32>
    %roll3A_826 = arith.constant 4064 : i32
    %roll3A_827 = tpu.dynamic_rotate %select_n3A_813 by %roll3A_826 dim 1 : vector<32x4096xi32>, i32 -> vector<32x4096xi32>
    %roll3A_828 = arith.constant 32 : i32
    %roll3A_829 = tpu.dynamic_rotate %select_n3A_813 by %roll3A_828 dim 1 : vector<32x4096xi32>, i32 -> vector<32x4096xi32>
    %select_n3A_830 = arith.select %eq3A_819, %roll3A_827, %roll3A_829 : vector<32x4096xi1>, vector<32x4096xi32>
    %select_n3A_831 = arith.select %eq3A_819, %select_n3A_813, %select_n3A_830 : vector<32x4096xi1>, vector<32x4096xi32>
    %select_n3A_832 = arith.select %eq3A_819, %select_n3A_830, %select_n3A_813 : vector<32x4096xi1>, vector<32x4096xi32>
    %gt3A_833 = arith.cmpi sgt, %select_n3A_831, %select_n3A_832 : vector<32x4096xi32>
    %and3A_834 = arith.andi %eq3A_825, %gt3A_833 : vector<32x4096xi1>
    %not3A_835 = arith.constant dense<true> : vector<32x4096xi1>
    %not3A_836 = arith.xori %eq3A_825, %not3A_835 : vector<32x4096xi1>
    %lt3A_837 = arith.cmpi slt, %select_n3A_831, %select_n3A_832 : vector<32x4096xi32>
    %and3A_838 = arith.andi %not3A_836, %lt3A_837 : vector<32x4096xi1>
    %or3A_839 = arith.ori %and3A_834, %and3A_838 : vector<32x4096xi1>
    %select_n3A_840 = arith.select %or3A_839, %select_n3A_830, %select_n3A_813 : vector<32x4096xi1>, vector<32x4096xi32>
    %and3A_841 = arith.constant 16 : i32
    %and3A_842 = vector.broadcast %and3A_841 : i32 to vector<32x4096xi32>
    %and3A_843 = arith.andi %iota3A, %and3A_842 : vector<32x4096xi32>
    %eq3A_844 = arith.constant 0 : i32
    %eq3A_845 = vector.broadcast %eq3A_844 : i32 to vector<32x4096xi32>
    %eq3A_846 = arith.cmpi eq, %and3A_843, %eq3A_845 : vector<32x4096xi32>
    %and3A_847 = arith.constant 256 : i32
    %and3A_848 = vector.broadcast %and3A_847 : i32 to vector<32x4096xi32>
    %and3A_849 = arith.andi %iota3A, %and3A_848 : vector<32x4096xi32>
    %eq3A_850 = arith.constant 0 : i32
    %eq3A_851 = vector.broadcast %eq3A_850 : i32 to vector<32x4096xi32>
    %eq3A_852 = arith.cmpi eq, %and3A_849, %eq3A_851 : vector<32x4096xi32>
    %roll3A_853 = arith.constant 4080 : i32
    %roll3A_854 = tpu.dynamic_rotate %select_n3A_840 by %roll3A_853 dim 1 : vector<32x4096xi32>, i32 -> vector<32x4096xi32>
    %roll3A_855 = arith.constant 16 : i32
    %roll3A_856 = tpu.dynamic_rotate %select_n3A_840 by %roll3A_855 dim 1 : vector<32x4096xi32>, i32 -> vector<32x4096xi32>
    %select_n3A_857 = arith.select %eq3A_846, %roll3A_854, %roll3A_856 : vector<32x4096xi1>, vector<32x4096xi32>
    %select_n3A_858 = arith.select %eq3A_846, %select_n3A_840, %select_n3A_857 : vector<32x4096xi1>, vector<32x4096xi32>
    %select_n3A_859 = arith.select %eq3A_846, %select_n3A_857, %select_n3A_840 : vector<32x4096xi1>, vector<32x4096xi32>
    %gt3A_860 = arith.cmpi sgt, %select_n3A_858, %select_n3A_859 : vector<32x4096xi32>
    %and3A_861 = arith.andi %eq3A_852, %gt3A_860 : vector<32x4096xi1>
    %not3A_862 = arith.constant dense<true> : vector<32x4096xi1>
    %not3A_863 = arith.xori %eq3A_852, %not3A_862 : vector<32x4096xi1>
    %lt3A_864 = arith.cmpi slt, %select_n3A_858, %select_n3A_859 : vector<32x4096xi32>
    %and3A_865 = arith.andi %not3A_863, %lt3A_864 : vector<32x4096xi1>
    %or3A_866 = arith.ori %and3A_861, %and3A_865 : vector<32x4096xi1>
    %select_n3A_867 = arith.select %or3A_866, %select_n3A_857, %select_n3A_840 : vector<32x4096xi1>, vector<32x4096xi32>
    %and3A_868 = arith.constant 8 : i32
    %and3A_869 = vector.broadcast %and3A_868 : i32 to vector<32x4096xi32>
    %and3A_870 = arith.andi %iota3A, %and3A_869 : vector<32x4096xi32>
    %eq3A_871 = arith.constant 0 : i32
    %eq3A_872 = vector.broadcast %eq3A_871 : i32 to vector<32x4096xi32>
    %eq3A_873 = arith.cmpi eq, %and3A_870, %eq3A_872 : vector<32x4096xi32>
    %and3A_874 = arith.constant 256 : i32
    %and3A_875 = vector.broadcast %and3A_874 : i32 to vector<32x4096xi32>
    %and3A_876 = arith.andi %iota3A, %and3A_875 : vector<32x4096xi32>
    %eq3A_877 = arith.constant 0 : i32
    %eq3A_878 = vector.broadcast %eq3A_877 : i32 to vector<32x4096xi32>
    %eq3A_879 = arith.cmpi eq, %and3A_876, %eq3A_878 : vector<32x4096xi32>
    %roll3A_880 = arith.constant 4088 : i32
    %roll3A_881 = tpu.dynamic_rotate %select_n3A_867 by %roll3A_880 dim 1 : vector<32x4096xi32>, i32 -> vector<32x4096xi32>
    %roll3A_882 = arith.constant 8 : i32
    %roll3A_883 = tpu.dynamic_rotate %select_n3A_867 by %roll3A_882 dim 1 : vector<32x4096xi32>, i32 -> vector<32x4096xi32>
    %select_n3A_884 = arith.select %eq3A_873, %roll3A_881, %roll3A_883 : vector<32x4096xi1>, vector<32x4096xi32>
    %select_n3A_885 = arith.select %eq3A_873, %select_n3A_867, %select_n3A_884 : vector<32x4096xi1>, vector<32x4096xi32>
    %select_n3A_886 = arith.select %eq3A_873, %select_n3A_884, %select_n3A_867 : vector<32x4096xi1>, vector<32x4096xi32>
    %gt3A_887 = arith.cmpi sgt, %select_n3A_885, %select_n3A_886 : vector<32x4096xi32>
    %and3A_888 = arith.andi %eq3A_879, %gt3A_887 : vector<32x4096xi1>
    %not3A_889 = arith.constant dense<true> : vector<32x4096xi1>
    %not3A_890 = arith.xori %eq3A_879, %not3A_889 : vector<32x4096xi1>
    %lt3A_891 = arith.cmpi slt, %select_n3A_885, %select_n3A_886 : vector<32x4096xi32>
    %and3A_892 = arith.andi %not3A_890, %lt3A_891 : vector<32x4096xi1>
    %or3A_893 = arith.ori %and3A_888, %and3A_892 : vector<32x4096xi1>
    %select_n3A_894 = arith.select %or3A_893, %select_n3A_884, %select_n3A_867 : vector<32x4096xi1>, vector<32x4096xi32>
    %and3A_895 = arith.constant 4 : i32
    %and3A_896 = vector.broadcast %and3A_895 : i32 to vector<32x4096xi32>
    %and3A_897 = arith.andi %iota3A, %and3A_896 : vector<32x4096xi32>
    %eq3A_898 = arith.constant 0 : i32
    %eq3A_899 = vector.broadcast %eq3A_898 : i32 to vector<32x4096xi32>
    %eq3A_900 = arith.cmpi eq, %and3A_897, %eq3A_899 : vector<32x4096xi32>
    %and3A_901 = arith.constant 256 : i32
    %and3A_902 = vector.broadcast %and3A_901 : i32 to vector<32x4096xi32>
    %and3A_903 = arith.andi %iota3A, %and3A_902 : vector<32x4096xi32>
    %eq3A_904 = arith.constant 0 : i32
    %eq3A_905 = vector.broadcast %eq3A_904 : i32 to vector<32x4096xi32>
    %eq3A_906 = arith.cmpi eq, %and3A_903, %eq3A_905 : vector<32x4096xi32>
    %roll3A_907 = arith.constant 4092 : i32
    %roll3A_908 = tpu.dynamic_rotate %select_n3A_894 by %roll3A_907 dim 1 : vector<32x4096xi32>, i32 -> vector<32x4096xi32>
    %roll3A_909 = arith.constant 4 : i32
    %roll3A_910 = tpu.dynamic_rotate %select_n3A_894 by %roll3A_909 dim 1 : vector<32x4096xi32>, i32 -> vector<32x4096xi32>
    %select_n3A_911 = arith.select %eq3A_900, %roll3A_908, %roll3A_910 : vector<32x4096xi1>, vector<32x4096xi32>
    %select_n3A_912 = arith.select %eq3A_900, %select_n3A_894, %select_n3A_911 : vector<32x4096xi1>, vector<32x4096xi32>
    %select_n3A_913 = arith.select %eq3A_900, %select_n3A_911, %select_n3A_894 : vector<32x4096xi1>, vector<32x4096xi32>
    %gt3A_914 = arith.cmpi sgt, %select_n3A_912, %select_n3A_913 : vector<32x4096xi32>
    %and3A_915 = arith.andi %eq3A_906, %gt3A_914 : vector<32x4096xi1>
    %not3A_916 = arith.constant dense<true> : vector<32x4096xi1>
    %not3A_917 = arith.xori %eq3A_906, %not3A_916 : vector<32x4096xi1>
    %lt3A_918 = arith.cmpi slt, %select_n3A_912, %select_n3A_913 : vector<32x4096xi32>
    %and3A_919 = arith.andi %not3A_917, %lt3A_918 : vector<32x4096xi1>
    %or3A_920 = arith.ori %and3A_915, %and3A_919 : vector<32x4096xi1>
    %select_n3A_921 = arith.select %or3A_920, %select_n3A_911, %select_n3A_894 : vector<32x4096xi1>, vector<32x4096xi32>
    %and3A_922 = arith.constant 2 : i32
    %and3A_923 = vector.broadcast %and3A_922 : i32 to vector<32x4096xi32>
    %and3A_924 = arith.andi %iota3A, %and3A_923 : vector<32x4096xi32>
    %eq3A_925 = arith.constant 0 : i32
    %eq3A_926 = vector.broadcast %eq3A_925 : i32 to vector<32x4096xi32>
    %eq3A_927 = arith.cmpi eq, %and3A_924, %eq3A_926 : vector<32x4096xi32>
    %and3A_928 = arith.constant 256 : i32
    %and3A_929 = vector.broadcast %and3A_928 : i32 to vector<32x4096xi32>
    %and3A_930 = arith.andi %iota3A, %and3A_929 : vector<32x4096xi32>
    %eq3A_931 = arith.constant 0 : i32
    %eq3A_932 = vector.broadcast %eq3A_931 : i32 to vector<32x4096xi32>
    %eq3A_933 = arith.cmpi eq, %and3A_930, %eq3A_932 : vector<32x4096xi32>
    %roll3A_934 = arith.constant 4094 : i32
    %roll3A_935 = tpu.dynamic_rotate %select_n3A_921 by %roll3A_934 dim 1 : vector<32x4096xi32>, i32 -> vector<32x4096xi32>
    %roll3A_936 = arith.constant 2 : i32
    %roll3A_937 = tpu.dynamic_rotate %select_n3A_921 by %roll3A_936 dim 1 : vector<32x4096xi32>, i32 -> vector<32x4096xi32>
    %select_n3A_938 = arith.select %eq3A_927, %roll3A_935, %roll3A_937 : vector<32x4096xi1>, vector<32x4096xi32>
    %select_n3A_939 = arith.select %eq3A_927, %select_n3A_921, %select_n3A_938 : vector<32x4096xi1>, vector<32x4096xi32>
    %select_n3A_940 = arith.select %eq3A_927, %select_n3A_938, %select_n3A_921 : vector<32x4096xi1>, vector<32x4096xi32>
    %gt3A_941 = arith.cmpi sgt, %select_n3A_939, %select_n3A_940 : vector<32x4096xi32>
    %and3A_942 = arith.andi %eq3A_933, %gt3A_941 : vector<32x4096xi1>
    %not3A_943 = arith.constant dense<true> : vector<32x4096xi1>
    %not3A_944 = arith.xori %eq3A_933, %not3A_943 : vector<32x4096xi1>
    %lt3A_945 = arith.cmpi slt, %select_n3A_939, %select_n3A_940 : vector<32x4096xi32>
    %and3A_946 = arith.andi %not3A_944, %lt3A_945 : vector<32x4096xi1>
    %or3A_947 = arith.ori %and3A_942, %and3A_946 : vector<32x4096xi1>
    %select_n3A_948 = arith.select %or3A_947, %select_n3A_938, %select_n3A_921 : vector<32x4096xi1>, vector<32x4096xi32>
    %and3A_949 = arith.constant 1 : i32
    %and3A_950 = vector.broadcast %and3A_949 : i32 to vector<32x4096xi32>
    %and3A_951 = arith.andi %iota3A, %and3A_950 : vector<32x4096xi32>
    %eq3A_952 = arith.constant 0 : i32
    %eq3A_953 = vector.broadcast %eq3A_952 : i32 to vector<32x4096xi32>
    %eq3A_954 = arith.cmpi eq, %and3A_951, %eq3A_953 : vector<32x4096xi32>
    %and3A_955 = arith.constant 256 : i32
    %and3A_956 = vector.broadcast %and3A_955 : i32 to vector<32x4096xi32>
    %and3A_957 = arith.andi %iota3A, %and3A_956 : vector<32x4096xi32>
    %eq3A_958 = arith.constant 0 : i32
    %eq3A_959 = vector.broadcast %eq3A_958 : i32 to vector<32x4096xi32>
    %eq3A_960 = arith.cmpi eq, %and3A_957, %eq3A_959 : vector<32x4096xi32>
    %roll3A_961 = arith.constant 4095 : i32
    %roll3A_962 = tpu.dynamic_rotate %select_n3A_948 by %roll3A_961 dim 1 : vector<32x4096xi32>, i32 -> vector<32x4096xi32>
    %roll3A_963 = arith.constant 1 : i32
    %roll3A_964 = tpu.dynamic_rotate %select_n3A_948 by %roll3A_963 dim 1 : vector<32x4096xi32>, i32 -> vector<32x4096xi32>
    %select_n3A_965 = arith.select %eq3A_954, %roll3A_962, %roll3A_964 : vector<32x4096xi1>, vector<32x4096xi32>
    %select_n3A_966 = arith.select %eq3A_954, %select_n3A_948, %select_n3A_965 : vector<32x4096xi1>, vector<32x4096xi32>
    %select_n3A_967 = arith.select %eq3A_954, %select_n3A_965, %select_n3A_948 : vector<32x4096xi1>, vector<32x4096xi32>
    %gt3A_968 = arith.cmpi sgt, %select_n3A_966, %select_n3A_967 : vector<32x4096xi32>
    %and3A_969 = arith.andi %eq3A_960, %gt3A_968 : vector<32x4096xi1>
    %not3A_970 = arith.constant dense<true> : vector<32x4096xi1>
    %not3A_971 = arith.xori %eq3A_960, %not3A_970 : vector<32x4096xi1>
    %lt3A_972 = arith.cmpi slt, %select_n3A_966, %select_n3A_967 : vector<32x4096xi32>
    %and3A_973 = arith.andi %not3A_971, %lt3A_972 : vector<32x4096xi1>
    %or3A_974 = arith.ori %and3A_969, %and3A_973 : vector<32x4096xi1>
    %select_n3A_975 = arith.select %or3A_974, %select_n3A_965, %select_n3A_948 : vector<32x4096xi1>, vector<32x4096xi32>
    %and3A_976 = arith.constant 256 : i32
    %and3A_977 = vector.broadcast %and3A_976 : i32 to vector<32x4096xi32>
    %and3A_978 = arith.andi %iota3A, %and3A_977 : vector<32x4096xi32>
    %eq3A_979 = arith.constant 0 : i32
    %eq3A_980 = vector.broadcast %eq3A_979 : i32 to vector<32x4096xi32>
    %eq3A_981 = arith.cmpi eq, %and3A_978, %eq3A_980 : vector<32x4096xi32>
    %and3A_982 = arith.constant 512 : i32
    %and3A_983 = vector.broadcast %and3A_982 : i32 to vector<32x4096xi32>
    %and3A_984 = arith.andi %iota3A, %and3A_983 : vector<32x4096xi32>
    %eq3A_985 = arith.constant 0 : i32
    %eq3A_986 = vector.broadcast %eq3A_985 : i32 to vector<32x4096xi32>
    %eq3A_987 = arith.cmpi eq, %and3A_984, %eq3A_986 : vector<32x4096xi32>
    %roll3A_988 = arith.constant 3840 : i32
    %roll3A_989 = tpu.dynamic_rotate %select_n3A_975 by %roll3A_988 dim 1 : vector<32x4096xi32>, i32 -> vector<32x4096xi32>
    %roll3A_990 = arith.constant 256 : i32
    %roll3A_991 = tpu.dynamic_rotate %select_n3A_975 by %roll3A_990 dim 1 : vector<32x4096xi32>, i32 -> vector<32x4096xi32>
    %select_n3A_992 = arith.select %eq3A_981, %roll3A_989, %roll3A_991 : vector<32x4096xi1>, vector<32x4096xi32>
    %select_n3A_993 = arith.select %eq3A_981, %select_n3A_975, %select_n3A_992 : vector<32x4096xi1>, vector<32x4096xi32>
    %select_n3A_994 = arith.select %eq3A_981, %select_n3A_992, %select_n3A_975 : vector<32x4096xi1>, vector<32x4096xi32>
    %gt3A_995 = arith.cmpi sgt, %select_n3A_993, %select_n3A_994 : vector<32x4096xi32>
    %and3A_996 = arith.andi %eq3A_987, %gt3A_995 : vector<32x4096xi1>
    %not3A_997 = arith.constant dense<true> : vector<32x4096xi1>
    %not3A_998 = arith.xori %eq3A_987, %not3A_997 : vector<32x4096xi1>
    %lt3A_999 = arith.cmpi slt, %select_n3A_993, %select_n3A_994 : vector<32x4096xi32>
    %and3A_1000 = arith.andi %not3A_998, %lt3A_999 : vector<32x4096xi1>
    %or3A_1001 = arith.ori %and3A_996, %and3A_1000 : vector<32x4096xi1>
    %select_n3A_1002 = arith.select %or3A_1001, %select_n3A_992, %select_n3A_975 : vector<32x4096xi1>, vector<32x4096xi32>
    %and3A_1003 = arith.constant 128 : i32
    %and3A_1004 = vector.broadcast %and3A_1003 : i32 to vector<32x4096xi32>
    %and3A_1005 = arith.andi %iota3A, %and3A_1004 : vector<32x4096xi32>
    %eq3A_1006 = arith.constant 0 : i32
    %eq3A_1007 = vector.broadcast %eq3A_1006 : i32 to vector<32x4096xi32>
    %eq3A_1008 = arith.cmpi eq, %and3A_1005, %eq3A_1007 : vector<32x4096xi32>
    %and3A_1009 = arith.constant 512 : i32
    %and3A_1010 = vector.broadcast %and3A_1009 : i32 to vector<32x4096xi32>
    %and3A_1011 = arith.andi %iota3A, %and3A_1010 : vector<32x4096xi32>
    %eq3A_1012 = arith.constant 0 : i32
    %eq3A_1013 = vector.broadcast %eq3A_1012 : i32 to vector<32x4096xi32>
    %eq3A_1014 = arith.cmpi eq, %and3A_1011, %eq3A_1013 : vector<32x4096xi32>
    %roll3A_1015 = arith.constant 3968 : i32
    %roll3A_1016 = tpu.dynamic_rotate %select_n3A_1002 by %roll3A_1015 dim 1 : vector<32x4096xi32>, i32 -> vector<32x4096xi32>
    %roll3A_1017 = arith.constant 128 : i32
    %roll3A_1018 = tpu.dynamic_rotate %select_n3A_1002 by %roll3A_1017 dim 1 : vector<32x4096xi32>, i32 -> vector<32x4096xi32>
    %select_n3A_1019 = arith.select %eq3A_1008, %roll3A_1016, %roll3A_1018 : vector<32x4096xi1>, vector<32x4096xi32>
    %select_n3A_1020 = arith.select %eq3A_1008, %select_n3A_1002, %select_n3A_1019 : vector<32x4096xi1>, vector<32x4096xi32>
    %select_n3A_1021 = arith.select %eq3A_1008, %select_n3A_1019, %select_n3A_1002 : vector<32x4096xi1>, vector<32x4096xi32>
    %gt3A_1022 = arith.cmpi sgt, %select_n3A_1020, %select_n3A_1021 : vector<32x4096xi32>
    %and3A_1023 = arith.andi %eq3A_1014, %gt3A_1022 : vector<32x4096xi1>
    %not3A_1024 = arith.constant dense<true> : vector<32x4096xi1>
    %not3A_1025 = arith.xori %eq3A_1014, %not3A_1024 : vector<32x4096xi1>
    %lt3A_1026 = arith.cmpi slt, %select_n3A_1020, %select_n3A_1021 : vector<32x4096xi32>
    %and3A_1027 = arith.andi %not3A_1025, %lt3A_1026 : vector<32x4096xi1>
    %or3A_1028 = arith.ori %and3A_1023, %and3A_1027 : vector<32x4096xi1>
    %select_n3A_1029 = arith.select %or3A_1028, %select_n3A_1019, %select_n3A_1002 : vector<32x4096xi1>, vector<32x4096xi32>
    %and3A_1030 = arith.constant 64 : i32
    %and3A_1031 = vector.broadcast %and3A_1030 : i32 to vector<32x4096xi32>
    %and3A_1032 = arith.andi %iota3A, %and3A_1031 : vector<32x4096xi32>
    %eq3A_1033 = arith.constant 0 : i32
    %eq3A_1034 = vector.broadcast %eq3A_1033 : i32 to vector<32x4096xi32>
    %eq3A_1035 = arith.cmpi eq, %and3A_1032, %eq3A_1034 : vector<32x4096xi32>
    %and3A_1036 = arith.constant 512 : i32
    %and3A_1037 = vector.broadcast %and3A_1036 : i32 to vector<32x4096xi32>
    %and3A_1038 = arith.andi %iota3A, %and3A_1037 : vector<32x4096xi32>
    %eq3A_1039 = arith.constant 0 : i32
    %eq3A_1040 = vector.broadcast %eq3A_1039 : i32 to vector<32x4096xi32>
    %eq3A_1041 = arith.cmpi eq, %and3A_1038, %eq3A_1040 : vector<32x4096xi32>
    %roll3A_1042 = arith.constant 4032 : i32
    %roll3A_1043 = tpu.dynamic_rotate %select_n3A_1029 by %roll3A_1042 dim 1 : vector<32x4096xi32>, i32 -> vector<32x4096xi32>
    %roll3A_1044 = arith.constant 64 : i32
    %roll3A_1045 = tpu.dynamic_rotate %select_n3A_1029 by %roll3A_1044 dim 1 : vector<32x4096xi32>, i32 -> vector<32x4096xi32>
    %select_n3A_1046 = arith.select %eq3A_1035, %roll3A_1043, %roll3A_1045 : vector<32x4096xi1>, vector<32x4096xi32>
    %select_n3A_1047 = arith.select %eq3A_1035, %select_n3A_1029, %select_n3A_1046 : vector<32x4096xi1>, vector<32x4096xi32>
    %select_n3A_1048 = arith.select %eq3A_1035, %select_n3A_1046, %select_n3A_1029 : vector<32x4096xi1>, vector<32x4096xi32>
    %gt3A_1049 = arith.cmpi sgt, %select_n3A_1047, %select_n3A_1048 : vector<32x4096xi32>
    %and3A_1050 = arith.andi %eq3A_1041, %gt3A_1049 : vector<32x4096xi1>
    %not3A_1051 = arith.constant dense<true> : vector<32x4096xi1>
    %not3A_1052 = arith.xori %eq3A_1041, %not3A_1051 : vector<32x4096xi1>
    %lt3A_1053 = arith.cmpi slt, %select_n3A_1047, %select_n3A_1048 : vector<32x4096xi32>
    %and3A_1054 = arith.andi %not3A_1052, %lt3A_1053 : vector<32x4096xi1>
    %or3A_1055 = arith.ori %and3A_1050, %and3A_1054 : vector<32x4096xi1>
    %select_n3A_1056 = arith.select %or3A_1055, %select_n3A_1046, %select_n3A_1029 : vector<32x4096xi1>, vector<32x4096xi32>
    %and3A_1057 = arith.constant 32 : i32
    %and3A_1058 = vector.broadcast %and3A_1057 : i32 to vector<32x4096xi32>
    %and3A_1059 = arith.andi %iota3A, %and3A_1058 : vector<32x4096xi32>
    %eq3A_1060 = arith.constant 0 : i32
    %eq3A_1061 = vector.broadcast %eq3A_1060 : i32 to vector<32x4096xi32>
    %eq3A_1062 = arith.cmpi eq, %and3A_1059, %eq3A_1061 : vector<32x4096xi32>
    %and3A_1063 = arith.constant 512 : i32
    %and3A_1064 = vector.broadcast %and3A_1063 : i32 to vector<32x4096xi32>
    %and3A_1065 = arith.andi %iota3A, %and3A_1064 : vector<32x4096xi32>
    %eq3A_1066 = arith.constant 0 : i32
    %eq3A_1067 = vector.broadcast %eq3A_1066 : i32 to vector<32x4096xi32>
    %eq3A_1068 = arith.cmpi eq, %and3A_1065, %eq3A_1067 : vector<32x4096xi32>
    %roll3A_1069 = arith.constant 4064 : i32
    %roll3A_1070 = tpu.dynamic_rotate %select_n3A_1056 by %roll3A_1069 dim 1 : vector<32x4096xi32>, i32 -> vector<32x4096xi32>
    %roll3A_1071 = arith.constant 32 : i32
    %roll3A_1072 = tpu.dynamic_rotate %select_n3A_1056 by %roll3A_1071 dim 1 : vector<32x4096xi32>, i32 -> vector<32x4096xi32>
    %select_n3A_1073 = arith.select %eq3A_1062, %roll3A_1070, %roll3A_1072 : vector<32x4096xi1>, vector<32x4096xi32>
    %select_n3A_1074 = arith.select %eq3A_1062, %select_n3A_1056, %select_n3A_1073 : vector<32x4096xi1>, vector<32x4096xi32>
    %select_n3A_1075 = arith.select %eq3A_1062, %select_n3A_1073, %select_n3A_1056 : vector<32x4096xi1>, vector<32x4096xi32>
    %gt3A_1076 = arith.cmpi sgt, %select_n3A_1074, %select_n3A_1075 : vector<32x4096xi32>
    %and3A_1077 = arith.andi %eq3A_1068, %gt3A_1076 : vector<32x4096xi1>
    %not3A_1078 = arith.constant dense<true> : vector<32x4096xi1>
    %not3A_1079 = arith.xori %eq3A_1068, %not3A_1078 : vector<32x4096xi1>
    %lt3A_1080 = arith.cmpi slt, %select_n3A_1074, %select_n3A_1075 : vector<32x4096xi32>
    %and3A_1081 = arith.andi %not3A_1079, %lt3A_1080 : vector<32x4096xi1>
    %or3A_1082 = arith.ori %and3A_1077, %and3A_1081 : vector<32x4096xi1>
    %select_n3A_1083 = arith.select %or3A_1082, %select_n3A_1073, %select_n3A_1056 : vector<32x4096xi1>, vector<32x4096xi32>
    %and3A_1084 = arith.constant 16 : i32
    %and3A_1085 = vector.broadcast %and3A_1084 : i32 to vector<32x4096xi32>
    %and3A_1086 = arith.andi %iota3A, %and3A_1085 : vector<32x4096xi32>
    %eq3A_1087 = arith.constant 0 : i32
    %eq3A_1088 = vector.broadcast %eq3A_1087 : i32 to vector<32x4096xi32>
    %eq3A_1089 = arith.cmpi eq, %and3A_1086, %eq3A_1088 : vector<32x4096xi32>
    %and3A_1090 = arith.constant 512 : i32
    %and3A_1091 = vector.broadcast %and3A_1090 : i32 to vector<32x4096xi32>
    %and3A_1092 = arith.andi %iota3A, %and3A_1091 : vector<32x4096xi32>
    %eq3A_1093 = arith.constant 0 : i32
    %eq3A_1094 = vector.broadcast %eq3A_1093 : i32 to vector<32x4096xi32>
    %eq3A_1095 = arith.cmpi eq, %and3A_1092, %eq3A_1094 : vector<32x4096xi32>
    %roll3A_1096 = arith.constant 4080 : i32
    %roll3A_1097 = tpu.dynamic_rotate %select_n3A_1083 by %roll3A_1096 dim 1 : vector<32x4096xi32>, i32 -> vector<32x4096xi32>
    %roll3A_1098 = arith.constant 16 : i32
    %roll3A_1099 = tpu.dynamic_rotate %select_n3A_1083 by %roll3A_1098 dim 1 : vector<32x4096xi32>, i32 -> vector<32x4096xi32>
    %select_n3A_1100 = arith.select %eq3A_1089, %roll3A_1097, %roll3A_1099 : vector<32x4096xi1>, vector<32x4096xi32>
    %select_n3A_1101 = arith.select %eq3A_1089, %select_n3A_1083, %select_n3A_1100 : vector<32x4096xi1>, vector<32x4096xi32>
    %select_n3A_1102 = arith.select %eq3A_1089, %select_n3A_1100, %select_n3A_1083 : vector<32x4096xi1>, vector<32x4096xi32>
    %gt3A_1103 = arith.cmpi sgt, %select_n3A_1101, %select_n3A_1102 : vector<32x4096xi32>
    %and3A_1104 = arith.andi %eq3A_1095, %gt3A_1103 : vector<32x4096xi1>
    %not3A_1105 = arith.constant dense<true> : vector<32x4096xi1>
    %not3A_1106 = arith.xori %eq3A_1095, %not3A_1105 : vector<32x4096xi1>
    %lt3A_1107 = arith.cmpi slt, %select_n3A_1101, %select_n3A_1102 : vector<32x4096xi32>
    %and3A_1108 = arith.andi %not3A_1106, %lt3A_1107 : vector<32x4096xi1>
    %or3A_1109 = arith.ori %and3A_1104, %and3A_1108 : vector<32x4096xi1>
    %select_n3A_1110 = arith.select %or3A_1109, %select_n3A_1100, %select_n3A_1083 : vector<32x4096xi1>, vector<32x4096xi32>
    %and3A_1111 = arith.constant 8 : i32
    %and3A_1112 = vector.broadcast %and3A_1111 : i32 to vector<32x4096xi32>
    %and3A_1113 = arith.andi %iota3A, %and3A_1112 : vector<32x4096xi32>
    %eq3A_1114 = arith.constant 0 : i32
    %eq3A_1115 = vector.broadcast %eq3A_1114 : i32 to vector<32x4096xi32>
    %eq3A_1116 = arith.cmpi eq, %and3A_1113, %eq3A_1115 : vector<32x4096xi32>
    %and3A_1117 = arith.constant 512 : i32
    %and3A_1118 = vector.broadcast %and3A_1117 : i32 to vector<32x4096xi32>
    %and3A_1119 = arith.andi %iota3A, %and3A_1118 : vector<32x4096xi32>
    %eq3A_1120 = arith.constant 0 : i32
    %eq3A_1121 = vector.broadcast %eq3A_1120 : i32 to vector<32x4096xi32>
    %eq3A_1122 = arith.cmpi eq, %and3A_1119, %eq3A_1121 : vector<32x4096xi32>
    %roll3A_1123 = arith.constant 4088 : i32
    %roll3A_1124 = tpu.dynamic_rotate %select_n3A_1110 by %roll3A_1123 dim 1 : vector<32x4096xi32>, i32 -> vector<32x4096xi32>
    %roll3A_1125 = arith.constant 8 : i32
    %roll3A_1126 = tpu.dynamic_rotate %select_n3A_1110 by %roll3A_1125 dim 1 : vector<32x4096xi32>, i32 -> vector<32x4096xi32>
    %select_n3A_1127 = arith.select %eq3A_1116, %roll3A_1124, %roll3A_1126 : vector<32x4096xi1>, vector<32x4096xi32>
    %select_n3A_1128 = arith.select %eq3A_1116, %select_n3A_1110, %select_n3A_1127 : vector<32x4096xi1>, vector<32x4096xi32>
    %select_n3A_1129 = arith.select %eq3A_1116, %select_n3A_1127, %select_n3A_1110 : vector<32x4096xi1>, vector<32x4096xi32>
    %gt3A_1130 = arith.cmpi sgt, %select_n3A_1128, %select_n3A_1129 : vector<32x4096xi32>
    %and3A_1131 = arith.andi %eq3A_1122, %gt3A_1130 : vector<32x4096xi1>
    %not3A_1132 = arith.constant dense<true> : vector<32x4096xi1>
    %not3A_1133 = arith.xori %eq3A_1122, %not3A_1132 : vector<32x4096xi1>
    %lt3A_1134 = arith.cmpi slt, %select_n3A_1128, %select_n3A_1129 : vector<32x4096xi32>
    %and3A_1135 = arith.andi %not3A_1133, %lt3A_1134 : vector<32x4096xi1>
    %or3A_1136 = arith.ori %and3A_1131, %and3A_1135 : vector<32x4096xi1>
    %select_n3A_1137 = arith.select %or3A_1136, %select_n3A_1127, %select_n3A_1110 : vector<32x4096xi1>, vector<32x4096xi32>
    %and3A_1138 = arith.constant 4 : i32
    %and3A_1139 = vector.broadcast %and3A_1138 : i32 to vector<32x4096xi32>
    %and3A_1140 = arith.andi %iota3A, %and3A_1139 : vector<32x4096xi32>
    %eq3A_1141 = arith.constant 0 : i32
    %eq3A_1142 = vector.broadcast %eq3A_1141 : i32 to vector<32x4096xi32>
    %eq3A_1143 = arith.cmpi eq, %and3A_1140, %eq3A_1142 : vector<32x4096xi32>
    %and3A_1144 = arith.constant 512 : i32
    %and3A_1145 = vector.broadcast %and3A_1144 : i32 to vector<32x4096xi32>
    %and3A_1146 = arith.andi %iota3A, %and3A_1145 : vector<32x4096xi32>
    %eq3A_1147 = arith.constant 0 : i32
    %eq3A_1148 = vector.broadcast %eq3A_1147 : i32 to vector<32x4096xi32>
    %eq3A_1149 = arith.cmpi eq, %and3A_1146, %eq3A_1148 : vector<32x4096xi32>
    %roll3A_1150 = arith.constant 4092 : i32
    %roll3A_1151 = tpu.dynamic_rotate %select_n3A_1137 by %roll3A_1150 dim 1 : vector<32x4096xi32>, i32 -> vector<32x4096xi32>
    %roll3A_1152 = arith.constant 4 : i32
    %roll3A_1153 = tpu.dynamic_rotate %select_n3A_1137 by %roll3A_1152 dim 1 : vector<32x4096xi32>, i32 -> vector<32x4096xi32>
    %select_n3A_1154 = arith.select %eq3A_1143, %roll3A_1151, %roll3A_1153 : vector<32x4096xi1>, vector<32x4096xi32>
    %select_n3A_1155 = arith.select %eq3A_1143, %select_n3A_1137, %select_n3A_1154 : vector<32x4096xi1>, vector<32x4096xi32>
    %select_n3A_1156 = arith.select %eq3A_1143, %select_n3A_1154, %select_n3A_1137 : vector<32x4096xi1>, vector<32x4096xi32>
    %gt3A_1157 = arith.cmpi sgt, %select_n3A_1155, %select_n3A_1156 : vector<32x4096xi32>
    %and3A_1158 = arith.andi %eq3A_1149, %gt3A_1157 : vector<32x4096xi1>
    %not3A_1159 = arith.constant dense<true> : vector<32x4096xi1>
    %not3A_1160 = arith.xori %eq3A_1149, %not3A_1159 : vector<32x4096xi1>
    %lt3A_1161 = arith.cmpi slt, %select_n3A_1155, %select_n3A_1156 : vector<32x4096xi32>
    %and3A_1162 = arith.andi %not3A_1160, %lt3A_1161 : vector<32x4096xi1>
    %or3A_1163 = arith.ori %and3A_1158, %and3A_1162 : vector<32x4096xi1>
    %select_n3A_1164 = arith.select %or3A_1163, %select_n3A_1154, %select_n3A_1137 : vector<32x4096xi1>, vector<32x4096xi32>
    %and3A_1165 = arith.constant 2 : i32
    %and3A_1166 = vector.broadcast %and3A_1165 : i32 to vector<32x4096xi32>
    %and3A_1167 = arith.andi %iota3A, %and3A_1166 : vector<32x4096xi32>
    %eq3A_1168 = arith.constant 0 : i32
    %eq3A_1169 = vector.broadcast %eq3A_1168 : i32 to vector<32x4096xi32>
    %eq3A_1170 = arith.cmpi eq, %and3A_1167, %eq3A_1169 : vector<32x4096xi32>
    %and3A_1171 = arith.constant 512 : i32
    %and3A_1172 = vector.broadcast %and3A_1171 : i32 to vector<32x4096xi32>
    %and3A_1173 = arith.andi %iota3A, %and3A_1172 : vector<32x4096xi32>
    %eq3A_1174 = arith.constant 0 : i32
    %eq3A_1175 = vector.broadcast %eq3A_1174 : i32 to vector<32x4096xi32>
    %eq3A_1176 = arith.cmpi eq, %and3A_1173, %eq3A_1175 : vector<32x4096xi32>
    %roll3A_1177 = arith.constant 4094 : i32
    %roll3A_1178 = tpu.dynamic_rotate %select_n3A_1164 by %roll3A_1177 dim 1 : vector<32x4096xi32>, i32 -> vector<32x4096xi32>
    %roll3A_1179 = arith.constant 2 : i32
    %roll3A_1180 = tpu.dynamic_rotate %select_n3A_1164 by %roll3A_1179 dim 1 : vector<32x4096xi32>, i32 -> vector<32x4096xi32>
    %select_n3A_1181 = arith.select %eq3A_1170, %roll3A_1178, %roll3A_1180 : vector<32x4096xi1>, vector<32x4096xi32>
    %select_n3A_1182 = arith.select %eq3A_1170, %select_n3A_1164, %select_n3A_1181 : vector<32x4096xi1>, vector<32x4096xi32>
    %select_n3A_1183 = arith.select %eq3A_1170, %select_n3A_1181, %select_n3A_1164 : vector<32x4096xi1>, vector<32x4096xi32>
    %gt3A_1184 = arith.cmpi sgt, %select_n3A_1182, %select_n3A_1183 : vector<32x4096xi32>
    %and3A_1185 = arith.andi %eq3A_1176, %gt3A_1184 : vector<32x4096xi1>
    %not3A_1186 = arith.constant dense<true> : vector<32x4096xi1>
    %not3A_1187 = arith.xori %eq3A_1176, %not3A_1186 : vector<32x4096xi1>
    %lt3A_1188 = arith.cmpi slt, %select_n3A_1182, %select_n3A_1183 : vector<32x4096xi32>
    %and3A_1189 = arith.andi %not3A_1187, %lt3A_1188 : vector<32x4096xi1>
    %or3A_1190 = arith.ori %and3A_1185, %and3A_1189 : vector<32x4096xi1>
    %select_n3A_1191 = arith.select %or3A_1190, %select_n3A_1181, %select_n3A_1164 : vector<32x4096xi1>, vector<32x4096xi32>
    %and3A_1192 = arith.constant 1 : i32
    %and3A_1193 = vector.broadcast %and3A_1192 : i32 to vector<32x4096xi32>
    %and3A_1194 = arith.andi %iota3A, %and3A_1193 : vector<32x4096xi32>
    %eq3A_1195 = arith.constant 0 : i32
    %eq3A_1196 = vector.broadcast %eq3A_1195 : i32 to vector<32x4096xi32>
    %eq3A_1197 = arith.cmpi eq, %and3A_1194, %eq3A_1196 : vector<32x4096xi32>
    %and3A_1198 = arith.constant 512 : i32
    %and3A_1199 = vector.broadcast %and3A_1198 : i32 to vector<32x4096xi32>
    %and3A_1200 = arith.andi %iota3A, %and3A_1199 : vector<32x4096xi32>
    %eq3A_1201 = arith.constant 0 : i32
    %eq3A_1202 = vector.broadcast %eq3A_1201 : i32 to vector<32x4096xi32>
    %eq3A_1203 = arith.cmpi eq, %and3A_1200, %eq3A_1202 : vector<32x4096xi32>
    %roll3A_1204 = arith.constant 4095 : i32
    %roll3A_1205 = tpu.dynamic_rotate %select_n3A_1191 by %roll3A_1204 dim 1 : vector<32x4096xi32>, i32 -> vector<32x4096xi32>
    %roll3A_1206 = arith.constant 1 : i32
    %roll3A_1207 = tpu.dynamic_rotate %select_n3A_1191 by %roll3A_1206 dim 1 : vector<32x4096xi32>, i32 -> vector<32x4096xi32>
    %select_n3A_1208 = arith.select %eq3A_1197, %roll3A_1205, %roll3A_1207 : vector<32x4096xi1>, vector<32x4096xi32>
    %select_n3A_1209 = arith.select %eq3A_1197, %select_n3A_1191, %select_n3A_1208 : vector<32x4096xi1>, vector<32x4096xi32>
    %select_n3A_1210 = arith.select %eq3A_1197, %select_n3A_1208, %select_n3A_1191 : vector<32x4096xi1>, vector<32x4096xi32>
    %gt3A_1211 = arith.cmpi sgt, %select_n3A_1209, %select_n3A_1210 : vector<32x4096xi32>
    %and3A_1212 = arith.andi %eq3A_1203, %gt3A_1211 : vector<32x4096xi1>
    %not3A_1213 = arith.constant dense<true> : vector<32x4096xi1>
    %not3A_1214 = arith.xori %eq3A_1203, %not3A_1213 : vector<32x4096xi1>
    %lt3A_1215 = arith.cmpi slt, %select_n3A_1209, %select_n3A_1210 : vector<32x4096xi32>
    %and3A_1216 = arith.andi %not3A_1214, %lt3A_1215 : vector<32x4096xi1>
    %or3A_1217 = arith.ori %and3A_1212, %and3A_1216 : vector<32x4096xi1>
    %select_n3A_1218 = arith.select %or3A_1217, %select_n3A_1208, %select_n3A_1191 : vector<32x4096xi1>, vector<32x4096xi32>
    %and3A_1219 = arith.constant 512 : i32
    %and3A_1220 = vector.broadcast %and3A_1219 : i32 to vector<32x4096xi32>
    %and3A_1221 = arith.andi %iota3A, %and3A_1220 : vector<32x4096xi32>
    %eq3A_1222 = arith.constant 0 : i32
    %eq3A_1223 = vector.broadcast %eq3A_1222 : i32 to vector<32x4096xi32>
    %eq3A_1224 = arith.cmpi eq, %and3A_1221, %eq3A_1223 : vector<32x4096xi32>
    %and3A_1225 = arith.constant 1024 : i32
    %and3A_1226 = vector.broadcast %and3A_1225 : i32 to vector<32x4096xi32>
    %and3A_1227 = arith.andi %iota3A, %and3A_1226 : vector<32x4096xi32>
    %eq3A_1228 = arith.constant 0 : i32
    %eq3A_1229 = vector.broadcast %eq3A_1228 : i32 to vector<32x4096xi32>
    %eq3A_1230 = arith.cmpi eq, %and3A_1227, %eq3A_1229 : vector<32x4096xi32>
    %roll3A_1231 = arith.constant 3584 : i32
    %roll3A_1232 = tpu.dynamic_rotate %select_n3A_1218 by %roll3A_1231 dim 1 : vector<32x4096xi32>, i32 -> vector<32x4096xi32>
    %roll3A_1233 = arith.constant 512 : i32
    %roll3A_1234 = tpu.dynamic_rotate %select_n3A_1218 by %roll3A_1233 dim 1 : vector<32x4096xi32>, i32 -> vector<32x4096xi32>
    %select_n3A_1235 = arith.select %eq3A_1224, %roll3A_1232, %roll3A_1234 : vector<32x4096xi1>, vector<32x4096xi32>
    %select_n3A_1236 = arith.select %eq3A_1224, %select_n3A_1218, %select_n3A_1235 : vector<32x4096xi1>, vector<32x4096xi32>
    %select_n3A_1237 = arith.select %eq3A_1224, %select_n3A_1235, %select_n3A_1218 : vector<32x4096xi1>, vector<32x4096xi32>
    %gt3A_1238 = arith.cmpi sgt, %select_n3A_1236, %select_n3A_1237 : vector<32x4096xi32>
    %and3A_1239 = arith.andi %eq3A_1230, %gt3A_1238 : vector<32x4096xi1>
    %not3A_1240 = arith.constant dense<true> : vector<32x4096xi1>
    %not3A_1241 = arith.xori %eq3A_1230, %not3A_1240 : vector<32x4096xi1>
    %lt3A_1242 = arith.cmpi slt, %select_n3A_1236, %select_n3A_1237 : vector<32x4096xi32>
    %and3A_1243 = arith.andi %not3A_1241, %lt3A_1242 : vector<32x4096xi1>
    %or3A_1244 = arith.ori %and3A_1239, %and3A_1243 : vector<32x4096xi1>
    %select_n3A_1245 = arith.select %or3A_1244, %select_n3A_1235, %select_n3A_1218 : vector<32x4096xi1>, vector<32x4096xi32>
    %and3A_1246 = arith.constant 256 : i32
    %and3A_1247 = vector.broadcast %and3A_1246 : i32 to vector<32x4096xi32>
    %and3A_1248 = arith.andi %iota3A, %and3A_1247 : vector<32x4096xi32>
    %eq3A_1249 = arith.constant 0 : i32
    %eq3A_1250 = vector.broadcast %eq3A_1249 : i32 to vector<32x4096xi32>
    %eq3A_1251 = arith.cmpi eq, %and3A_1248, %eq3A_1250 : vector<32x4096xi32>
    %and3A_1252 = arith.constant 1024 : i32
    %and3A_1253 = vector.broadcast %and3A_1252 : i32 to vector<32x4096xi32>
    %and3A_1254 = arith.andi %iota3A, %and3A_1253 : vector<32x4096xi32>
    %eq3A_1255 = arith.constant 0 : i32
    %eq3A_1256 = vector.broadcast %eq3A_1255 : i32 to vector<32x4096xi32>
    %eq3A_1257 = arith.cmpi eq, %and3A_1254, %eq3A_1256 : vector<32x4096xi32>
    %roll3A_1258 = arith.constant 3840 : i32
    %roll3A_1259 = tpu.dynamic_rotate %select_n3A_1245 by %roll3A_1258 dim 1 : vector<32x4096xi32>, i32 -> vector<32x4096xi32>
    %roll3A_1260 = arith.constant 256 : i32
    %roll3A_1261 = tpu.dynamic_rotate %select_n3A_1245 by %roll3A_1260 dim 1 : vector<32x4096xi32>, i32 -> vector<32x4096xi32>
    %select_n3A_1262 = arith.select %eq3A_1251, %roll3A_1259, %roll3A_1261 : vector<32x4096xi1>, vector<32x4096xi32>
    %select_n3A_1263 = arith.select %eq3A_1251, %select_n3A_1245, %select_n3A_1262 : vector<32x4096xi1>, vector<32x4096xi32>
    %select_n3A_1264 = arith.select %eq3A_1251, %select_n3A_1262, %select_n3A_1245 : vector<32x4096xi1>, vector<32x4096xi32>
    %gt3A_1265 = arith.cmpi sgt, %select_n3A_1263, %select_n3A_1264 : vector<32x4096xi32>
    %and3A_1266 = arith.andi %eq3A_1257, %gt3A_1265 : vector<32x4096xi1>
    %not3A_1267 = arith.constant dense<true> : vector<32x4096xi1>
    %not3A_1268 = arith.xori %eq3A_1257, %not3A_1267 : vector<32x4096xi1>
    %lt3A_1269 = arith.cmpi slt, %select_n3A_1263, %select_n3A_1264 : vector<32x4096xi32>
    %and3A_1270 = arith.andi %not3A_1268, %lt3A_1269 : vector<32x4096xi1>
    %or3A_1271 = arith.ori %and3A_1266, %and3A_1270 : vector<32x4096xi1>
    %select_n3A_1272 = arith.select %or3A_1271, %select_n3A_1262, %select_n3A_1245 : vector<32x4096xi1>, vector<32x4096xi32>
    %and3A_1273 = arith.constant 128 : i32
    %and3A_1274 = vector.broadcast %and3A_1273 : i32 to vector<32x4096xi32>
    %and3A_1275 = arith.andi %iota3A, %and3A_1274 : vector<32x4096xi32>
    %eq3A_1276 = arith.constant 0 : i32
    %eq3A_1277 = vector.broadcast %eq3A_1276 : i32 to vector<32x4096xi32>
    %eq3A_1278 = arith.cmpi eq, %and3A_1275, %eq3A_1277 : vector<32x4096xi32>
    %and3A_1279 = arith.constant 1024 : i32
    %and3A_1280 = vector.broadcast %and3A_1279 : i32 to vector<32x4096xi32>
    %and3A_1281 = arith.andi %iota3A, %and3A_1280 : vector<32x4096xi32>
    %eq3A_1282 = arith.constant 0 : i32
    %eq3A_1283 = vector.broadcast %eq3A_1282 : i32 to vector<32x4096xi32>
    %eq3A_1284 = arith.cmpi eq, %and3A_1281, %eq3A_1283 : vector<32x4096xi32>
    %roll3A_1285 = arith.constant 3968 : i32
    %roll3A_1286 = tpu.dynamic_rotate %select_n3A_1272 by %roll3A_1285 dim 1 : vector<32x4096xi32>, i32 -> vector<32x4096xi32>
    %roll3A_1287 = arith.constant 128 : i32
    %roll3A_1288 = tpu.dynamic_rotate %select_n3A_1272 by %roll3A_1287 dim 1 : vector<32x4096xi32>, i32 -> vector<32x4096xi32>
    %select_n3A_1289 = arith.select %eq3A_1278, %roll3A_1286, %roll3A_1288 : vector<32x4096xi1>, vector<32x4096xi32>
    %select_n3A_1290 = arith.select %eq3A_1278, %select_n3A_1272, %select_n3A_1289 : vector<32x4096xi1>, vector<32x4096xi32>
    %select_n3A_1291 = arith.select %eq3A_1278, %select_n3A_1289, %select_n3A_1272 : vector<32x4096xi1>, vector<32x4096xi32>
    %gt3A_1292 = arith.cmpi sgt, %select_n3A_1290, %select_n3A_1291 : vector<32x4096xi32>
    %and3A_1293 = arith.andi %eq3A_1284, %gt3A_1292 : vector<32x4096xi1>
    %not3A_1294 = arith.constant dense<true> : vector<32x4096xi1>
    %not3A_1295 = arith.xori %eq3A_1284, %not3A_1294 : vector<32x4096xi1>
    %lt3A_1296 = arith.cmpi slt, %select_n3A_1290, %select_n3A_1291 : vector<32x4096xi32>
    %and3A_1297 = arith.andi %not3A_1295, %lt3A_1296 : vector<32x4096xi1>
    %or3A_1298 = arith.ori %and3A_1293, %and3A_1297 : vector<32x4096xi1>
    %select_n3A_1299 = arith.select %or3A_1298, %select_n3A_1289, %select_n3A_1272 : vector<32x4096xi1>, vector<32x4096xi32>
    %and3A_1300 = arith.constant 64 : i32
    %and3A_1301 = vector.broadcast %and3A_1300 : i32 to vector<32x4096xi32>
    %and3A_1302 = arith.andi %iota3A, %and3A_1301 : vector<32x4096xi32>
    %eq3A_1303 = arith.constant 0 : i32
    %eq3A_1304 = vector.broadcast %eq3A_1303 : i32 to vector<32x4096xi32>
    %eq3A_1305 = arith.cmpi eq, %and3A_1302, %eq3A_1304 : vector<32x4096xi32>
    %and3A_1306 = arith.constant 1024 : i32
    %and3A_1307 = vector.broadcast %and3A_1306 : i32 to vector<32x4096xi32>
    %and3A_1308 = arith.andi %iota3A, %and3A_1307 : vector<32x4096xi32>
    %eq3A_1309 = arith.constant 0 : i32
    %eq3A_1310 = vector.broadcast %eq3A_1309 : i32 to vector<32x4096xi32>
    %eq3A_1311 = arith.cmpi eq, %and3A_1308, %eq3A_1310 : vector<32x4096xi32>
    %roll3A_1312 = arith.constant 4032 : i32
    %roll3A_1313 = tpu.dynamic_rotate %select_n3A_1299 by %roll3A_1312 dim 1 : vector<32x4096xi32>, i32 -> vector<32x4096xi32>
    %roll3A_1314 = arith.constant 64 : i32
    %roll3A_1315 = tpu.dynamic_rotate %select_n3A_1299 by %roll3A_1314 dim 1 : vector<32x4096xi32>, i32 -> vector<32x4096xi32>
    %select_n3A_1316 = arith.select %eq3A_1305, %roll3A_1313, %roll3A_1315 : vector<32x4096xi1>, vector<32x4096xi32>
    %select_n3A_1317 = arith.select %eq3A_1305, %select_n3A_1299, %select_n3A_1316 : vector<32x4096xi1>, vector<32x4096xi32>
    %select_n3A_1318 = arith.select %eq3A_1305, %select_n3A_1316, %select_n3A_1299 : vector<32x4096xi1>, vector<32x4096xi32>
    %gt3A_1319 = arith.cmpi sgt, %select_n3A_1317, %select_n3A_1318 : vector<32x4096xi32>
    %and3A_1320 = arith.andi %eq3A_1311, %gt3A_1319 : vector<32x4096xi1>
    %not3A_1321 = arith.constant dense<true> : vector<32x4096xi1>
    %not3A_1322 = arith.xori %eq3A_1311, %not3A_1321 : vector<32x4096xi1>
    %lt3A_1323 = arith.cmpi slt, %select_n3A_1317, %select_n3A_1318 : vector<32x4096xi32>
    %and3A_1324 = arith.andi %not3A_1322, %lt3A_1323 : vector<32x4096xi1>
    %or3A_1325 = arith.ori %and3A_1320, %and3A_1324 : vector<32x4096xi1>
    %select_n3A_1326 = arith.select %or3A_1325, %select_n3A_1316, %select_n3A_1299 : vector<32x4096xi1>, vector<32x4096xi32>
    %and3A_1327 = arith.constant 32 : i32
    %and3A_1328 = vector.broadcast %and3A_1327 : i32 to vector<32x4096xi32>
    %and3A_1329 = arith.andi %iota3A, %and3A_1328 : vector<32x4096xi32>
    %eq3A_1330 = arith.constant 0 : i32
    %eq3A_1331 = vector.broadcast %eq3A_1330 : i32 to vector<32x4096xi32>
    %eq3A_1332 = arith.cmpi eq, %and3A_1329, %eq3A_1331 : vector<32x4096xi32>
    %and3A_1333 = arith.constant 1024 : i32
    %and3A_1334 = vector.broadcast %and3A_1333 : i32 to vector<32x4096xi32>
    %and3A_1335 = arith.andi %iota3A, %and3A_1334 : vector<32x4096xi32>
    %eq3A_1336 = arith.constant 0 : i32
    %eq3A_1337 = vector.broadcast %eq3A_1336 : i32 to vector<32x4096xi32>
    %eq3A_1338 = arith.cmpi eq, %and3A_1335, %eq3A_1337 : vector<32x4096xi32>
    %roll3A_1339 = arith.constant 4064 : i32
    %roll3A_1340 = tpu.dynamic_rotate %select_n3A_1326 by %roll3A_1339 dim 1 : vector<32x4096xi32>, i32 -> vector<32x4096xi32>
    %roll3A_1341 = arith.constant 32 : i32
    %roll3A_1342 = tpu.dynamic_rotate %select_n3A_1326 by %roll3A_1341 dim 1 : vector<32x4096xi32>, i32 -> vector<32x4096xi32>
    %select_n3A_1343 = arith.select %eq3A_1332, %roll3A_1340, %roll3A_1342 : vector<32x4096xi1>, vector<32x4096xi32>
    %select_n3A_1344 = arith.select %eq3A_1332, %select_n3A_1326, %select_n3A_1343 : vector<32x4096xi1>, vector<32x4096xi32>
    %select_n3A_1345 = arith.select %eq3A_1332, %select_n3A_1343, %select_n3A_1326 : vector<32x4096xi1>, vector<32x4096xi32>
    %gt3A_1346 = arith.cmpi sgt, %select_n3A_1344, %select_n3A_1345 : vector<32x4096xi32>
    %and3A_1347 = arith.andi %eq3A_1338, %gt3A_1346 : vector<32x4096xi1>
    %not3A_1348 = arith.constant dense<true> : vector<32x4096xi1>
    %not3A_1349 = arith.xori %eq3A_1338, %not3A_1348 : vector<32x4096xi1>
    %lt3A_1350 = arith.cmpi slt, %select_n3A_1344, %select_n3A_1345 : vector<32x4096xi32>
    %and3A_1351 = arith.andi %not3A_1349, %lt3A_1350 : vector<32x4096xi1>
    %or3A_1352 = arith.ori %and3A_1347, %and3A_1351 : vector<32x4096xi1>
    %select_n3A_1353 = arith.select %or3A_1352, %select_n3A_1343, %select_n3A_1326 : vector<32x4096xi1>, vector<32x4096xi32>
    %and3A_1354 = arith.constant 16 : i32
    %and3A_1355 = vector.broadcast %and3A_1354 : i32 to vector<32x4096xi32>
    %and3A_1356 = arith.andi %iota3A, %and3A_1355 : vector<32x4096xi32>
    %eq3A_1357 = arith.constant 0 : i32
    %eq3A_1358 = vector.broadcast %eq3A_1357 : i32 to vector<32x4096xi32>
    %eq3A_1359 = arith.cmpi eq, %and3A_1356, %eq3A_1358 : vector<32x4096xi32>
    %and3A_1360 = arith.constant 1024 : i32
    %and3A_1361 = vector.broadcast %and3A_1360 : i32 to vector<32x4096xi32>
    %and3A_1362 = arith.andi %iota3A, %and3A_1361 : vector<32x4096xi32>
    %eq3A_1363 = arith.constant 0 : i32
    %eq3A_1364 = vector.broadcast %eq3A_1363 : i32 to vector<32x4096xi32>
    %eq3A_1365 = arith.cmpi eq, %and3A_1362, %eq3A_1364 : vector<32x4096xi32>
    %roll3A_1366 = arith.constant 4080 : i32
    %roll3A_1367 = tpu.dynamic_rotate %select_n3A_1353 by %roll3A_1366 dim 1 : vector<32x4096xi32>, i32 -> vector<32x4096xi32>
    %roll3A_1368 = arith.constant 16 : i32
    %roll3A_1369 = tpu.dynamic_rotate %select_n3A_1353 by %roll3A_1368 dim 1 : vector<32x4096xi32>, i32 -> vector<32x4096xi32>
    %select_n3A_1370 = arith.select %eq3A_1359, %roll3A_1367, %roll3A_1369 : vector<32x4096xi1>, vector<32x4096xi32>
    %select_n3A_1371 = arith.select %eq3A_1359, %select_n3A_1353, %select_n3A_1370 : vector<32x4096xi1>, vector<32x4096xi32>
    %select_n3A_1372 = arith.select %eq3A_1359, %select_n3A_1370, %select_n3A_1353 : vector<32x4096xi1>, vector<32x4096xi32>
    %gt3A_1373 = arith.cmpi sgt, %select_n3A_1371, %select_n3A_1372 : vector<32x4096xi32>
    %and3A_1374 = arith.andi %eq3A_1365, %gt3A_1373 : vector<32x4096xi1>
    %not3A_1375 = arith.constant dense<true> : vector<32x4096xi1>
    %not3A_1376 = arith.xori %eq3A_1365, %not3A_1375 : vector<32x4096xi1>
    %lt3A_1377 = arith.cmpi slt, %select_n3A_1371, %select_n3A_1372 : vector<32x4096xi32>
    %and3A_1378 = arith.andi %not3A_1376, %lt3A_1377 : vector<32x4096xi1>
    %or3A_1379 = arith.ori %and3A_1374, %and3A_1378 : vector<32x4096xi1>
    %select_n3A_1380 = arith.select %or3A_1379, %select_n3A_1370, %select_n3A_1353 : vector<32x4096xi1>, vector<32x4096xi32>
    %and3A_1381 = arith.constant 8 : i32
    %and3A_1382 = vector.broadcast %and3A_1381 : i32 to vector<32x4096xi32>
    %and3A_1383 = arith.andi %iota3A, %and3A_1382 : vector<32x4096xi32>
    %eq3A_1384 = arith.constant 0 : i32
    %eq3A_1385 = vector.broadcast %eq3A_1384 : i32 to vector<32x4096xi32>
    %eq3A_1386 = arith.cmpi eq, %and3A_1383, %eq3A_1385 : vector<32x4096xi32>
    %and3A_1387 = arith.constant 1024 : i32
    %and3A_1388 = vector.broadcast %and3A_1387 : i32 to vector<32x4096xi32>
    %and3A_1389 = arith.andi %iota3A, %and3A_1388 : vector<32x4096xi32>
    %eq3A_1390 = arith.constant 0 : i32
    %eq3A_1391 = vector.broadcast %eq3A_1390 : i32 to vector<32x4096xi32>
    %eq3A_1392 = arith.cmpi eq, %and3A_1389, %eq3A_1391 : vector<32x4096xi32>
    %roll3A_1393 = arith.constant 4088 : i32
    %roll3A_1394 = tpu.dynamic_rotate %select_n3A_1380 by %roll3A_1393 dim 1 : vector<32x4096xi32>, i32 -> vector<32x4096xi32>
    %roll3A_1395 = arith.constant 8 : i32
    %roll3A_1396 = tpu.dynamic_rotate %select_n3A_1380 by %roll3A_1395 dim 1 : vector<32x4096xi32>, i32 -> vector<32x4096xi32>
    %select_n3A_1397 = arith.select %eq3A_1386, %roll3A_1394, %roll3A_1396 : vector<32x4096xi1>, vector<32x4096xi32>
    %select_n3A_1398 = arith.select %eq3A_1386, %select_n3A_1380, %select_n3A_1397 : vector<32x4096xi1>, vector<32x4096xi32>
    %select_n3A_1399 = arith.select %eq3A_1386, %select_n3A_1397, %select_n3A_1380 : vector<32x4096xi1>, vector<32x4096xi32>
    %gt3A_1400 = arith.cmpi sgt, %select_n3A_1398, %select_n3A_1399 : vector<32x4096xi32>
    %and3A_1401 = arith.andi %eq3A_1392, %gt3A_1400 : vector<32x4096xi1>
    %not3A_1402 = arith.constant dense<true> : vector<32x4096xi1>
    %not3A_1403 = arith.xori %eq3A_1392, %not3A_1402 : vector<32x4096xi1>
    %lt3A_1404 = arith.cmpi slt, %select_n3A_1398, %select_n3A_1399 : vector<32x4096xi32>
    %and3A_1405 = arith.andi %not3A_1403, %lt3A_1404 : vector<32x4096xi1>
    %or3A_1406 = arith.ori %and3A_1401, %and3A_1405 : vector<32x4096xi1>
    %select_n3A_1407 = arith.select %or3A_1406, %select_n3A_1397, %select_n3A_1380 : vector<32x4096xi1>, vector<32x4096xi32>
    %and3A_1408 = arith.constant 4 : i32
    %and3A_1409 = vector.broadcast %and3A_1408 : i32 to vector<32x4096xi32>
    %and3A_1410 = arith.andi %iota3A, %and3A_1409 : vector<32x4096xi32>
    %eq3A_1411 = arith.constant 0 : i32
    %eq3A_1412 = vector.broadcast %eq3A_1411 : i32 to vector<32x4096xi32>
    %eq3A_1413 = arith.cmpi eq, %and3A_1410, %eq3A_1412 : vector<32x4096xi32>
    %and3A_1414 = arith.constant 1024 : i32
    %and3A_1415 = vector.broadcast %and3A_1414 : i32 to vector<32x4096xi32>
    %and3A_1416 = arith.andi %iota3A, %and3A_1415 : vector<32x4096xi32>
    %eq3A_1417 = arith.constant 0 : i32
    %eq3A_1418 = vector.broadcast %eq3A_1417 : i32 to vector<32x4096xi32>
    %eq3A_1419 = arith.cmpi eq, %and3A_1416, %eq3A_1418 : vector<32x4096xi32>
    %roll3A_1420 = arith.constant 4092 : i32
    %roll3A_1421 = tpu.dynamic_rotate %select_n3A_1407 by %roll3A_1420 dim 1 : vector<32x4096xi32>, i32 -> vector<32x4096xi32>
    %roll3A_1422 = arith.constant 4 : i32
    %roll3A_1423 = tpu.dynamic_rotate %select_n3A_1407 by %roll3A_1422 dim 1 : vector<32x4096xi32>, i32 -> vector<32x4096xi32>
    %select_n3A_1424 = arith.select %eq3A_1413, %roll3A_1421, %roll3A_1423 : vector<32x4096xi1>, vector<32x4096xi32>
    %select_n3A_1425 = arith.select %eq3A_1413, %select_n3A_1407, %select_n3A_1424 : vector<32x4096xi1>, vector<32x4096xi32>
    %select_n3A_1426 = arith.select %eq3A_1413, %select_n3A_1424, %select_n3A_1407 : vector<32x4096xi1>, vector<32x4096xi32>
    %gt3A_1427 = arith.cmpi sgt, %select_n3A_1425, %select_n3A_1426 : vector<32x4096xi32>
    %and3A_1428 = arith.andi %eq3A_1419, %gt3A_1427 : vector<32x4096xi1>
    %not3A_1429 = arith.constant dense<true> : vector<32x4096xi1>
    %not3A_1430 = arith.xori %eq3A_1419, %not3A_1429 : vector<32x4096xi1>
    %lt3A_1431 = arith.cmpi slt, %select_n3A_1425, %select_n3A_1426 : vector<32x4096xi32>
    %and3A_1432 = arith.andi %not3A_1430, %lt3A_1431 : vector<32x4096xi1>
    %or3A_1433 = arith.ori %and3A_1428, %and3A_1432 : vector<32x4096xi1>
    %select_n3A_1434 = arith.select %or3A_1433, %select_n3A_1424, %select_n3A_1407 : vector<32x4096xi1>, vector<32x4096xi32>
    %and3A_1435 = arith.constant 2 : i32
    %and3A_1436 = vector.broadcast %and3A_1435 : i32 to vector<32x4096xi32>
    %and3A_1437 = arith.andi %iota3A, %and3A_1436 : vector<32x4096xi32>
    %eq3A_1438 = arith.constant 0 : i32
    %eq3A_1439 = vector.broadcast %eq3A_1438 : i32 to vector<32x4096xi32>
    %eq3A_1440 = arith.cmpi eq, %and3A_1437, %eq3A_1439 : vector<32x4096xi32>
    %and3A_1441 = arith.constant 1024 : i32
    %and3A_1442 = vector.broadcast %and3A_1441 : i32 to vector<32x4096xi32>
    %and3A_1443 = arith.andi %iota3A, %and3A_1442 : vector<32x4096xi32>
    %eq3A_1444 = arith.constant 0 : i32
    %eq3A_1445 = vector.broadcast %eq3A_1444 : i32 to vector<32x4096xi32>
    %eq3A_1446 = arith.cmpi eq, %and3A_1443, %eq3A_1445 : vector<32x4096xi32>
    %roll3A_1447 = arith.constant 4094 : i32
    %roll3A_1448 = tpu.dynamic_rotate %select_n3A_1434 by %roll3A_1447 dim 1 : vector<32x4096xi32>, i32 -> vector<32x4096xi32>
    %roll3A_1449 = arith.constant 2 : i32
    %roll3A_1450 = tpu.dynamic_rotate %select_n3A_1434 by %roll3A_1449 dim 1 : vector<32x4096xi32>, i32 -> vector<32x4096xi32>
    %select_n3A_1451 = arith.select %eq3A_1440, %roll3A_1448, %roll3A_1450 : vector<32x4096xi1>, vector<32x4096xi32>
    %select_n3A_1452 = arith.select %eq3A_1440, %select_n3A_1434, %select_n3A_1451 : vector<32x4096xi1>, vector<32x4096xi32>
    %select_n3A_1453 = arith.select %eq3A_1440, %select_n3A_1451, %select_n3A_1434 : vector<32x4096xi1>, vector<32x4096xi32>
    %gt3A_1454 = arith.cmpi sgt, %select_n3A_1452, %select_n3A_1453 : vector<32x4096xi32>
    %and3A_1455 = arith.andi %eq3A_1446, %gt3A_1454 : vector<32x4096xi1>
    %not3A_1456 = arith.constant dense<true> : vector<32x4096xi1>
    %not3A_1457 = arith.xori %eq3A_1446, %not3A_1456 : vector<32x4096xi1>
    %lt3A_1458 = arith.cmpi slt, %select_n3A_1452, %select_n3A_1453 : vector<32x4096xi32>
    %and3A_1459 = arith.andi %not3A_1457, %lt3A_1458 : vector<32x4096xi1>
    %or3A_1460 = arith.ori %and3A_1455, %and3A_1459 : vector<32x4096xi1>
    %select_n3A_1461 = arith.select %or3A_1460, %select_n3A_1451, %select_n3A_1434 : vector<32x4096xi1>, vector<32x4096xi32>
    %and3A_1462 = arith.constant 1 : i32
    %and3A_1463 = vector.broadcast %and3A_1462 : i32 to vector<32x4096xi32>
    %and3A_1464 = arith.andi %iota3A, %and3A_1463 : vector<32x4096xi32>
    %eq3A_1465 = arith.constant 0 : i32
    %eq3A_1466 = vector.broadcast %eq3A_1465 : i32 to vector<32x4096xi32>
    %eq3A_1467 = arith.cmpi eq, %and3A_1464, %eq3A_1466 : vector<32x4096xi32>
    %and3A_1468 = arith.constant 1024 : i32
    %and3A_1469 = vector.broadcast %and3A_1468 : i32 to vector<32x4096xi32>
    %and3A_1470 = arith.andi %iota3A, %and3A_1469 : vector<32x4096xi32>
    %eq3A_1471 = arith.constant 0 : i32
    %eq3A_1472 = vector.broadcast %eq3A_1471 : i32 to vector<32x4096xi32>
    %eq3A_1473 = arith.cmpi eq, %and3A_1470, %eq3A_1472 : vector<32x4096xi32>
    %roll3A_1474 = arith.constant 4095 : i32
    %roll3A_1475 = tpu.dynamic_rotate %select_n3A_1461 by %roll3A_1474 dim 1 : vector<32x4096xi32>, i32 -> vector<32x4096xi32>
    %roll3A_1476 = arith.constant 1 : i32
    %roll3A_1477 = tpu.dynamic_rotate %select_n3A_1461 by %roll3A_1476 dim 1 : vector<32x4096xi32>, i32 -> vector<32x4096xi32>
    %select_n3A_1478 = arith.select %eq3A_1467, %roll3A_1475, %roll3A_1477 : vector<32x4096xi1>, vector<32x4096xi32>
    %select_n3A_1479 = arith.select %eq3A_1467, %select_n3A_1461, %select_n3A_1478 : vector<32x4096xi1>, vector<32x4096xi32>
    %select_n3A_1480 = arith.select %eq3A_1467, %select_n3A_1478, %select_n3A_1461 : vector<32x4096xi1>, vector<32x4096xi32>
    %gt3A_1481 = arith.cmpi sgt, %select_n3A_1479, %select_n3A_1480 : vector<32x4096xi32>
    %and3A_1482 = arith.andi %eq3A_1473, %gt3A_1481 : vector<32x4096xi1>
    %not3A_1483 = arith.constant dense<true> : vector<32x4096xi1>
    %not3A_1484 = arith.xori %eq3A_1473, %not3A_1483 : vector<32x4096xi1>
    %lt3A_1485 = arith.cmpi slt, %select_n3A_1479, %select_n3A_1480 : vector<32x4096xi32>
    %and3A_1486 = arith.andi %not3A_1484, %lt3A_1485 : vector<32x4096xi1>
    %or3A_1487 = arith.ori %and3A_1482, %and3A_1486 : vector<32x4096xi1>
    %select_n3A_1488 = arith.select %or3A_1487, %select_n3A_1478, %select_n3A_1461 : vector<32x4096xi1>, vector<32x4096xi32>
    %and3A_1489 = arith.constant 1024 : i32
    %and3A_1490 = vector.broadcast %and3A_1489 : i32 to vector<32x4096xi32>
    %and3A_1491 = arith.andi %iota3A, %and3A_1490 : vector<32x4096xi32>
    %eq3A_1492 = arith.constant 0 : i32
    %eq3A_1493 = vector.broadcast %eq3A_1492 : i32 to vector<32x4096xi32>
    %eq3A_1494 = arith.cmpi eq, %and3A_1491, %eq3A_1493 : vector<32x4096xi32>
    %and3A_1495 = arith.constant 2048 : i32
    %and3A_1496 = vector.broadcast %and3A_1495 : i32 to vector<32x4096xi32>
    %and3A_1497 = arith.andi %iota3A, %and3A_1496 : vector<32x4096xi32>
    %eq3A_1498 = arith.constant 0 : i32
    %eq3A_1499 = vector.broadcast %eq3A_1498 : i32 to vector<32x4096xi32>
    %eq3A_1500 = arith.cmpi eq, %and3A_1497, %eq3A_1499 : vector<32x4096xi32>
    %roll3A_1501 = arith.constant 3072 : i32
    %roll3A_1502 = tpu.dynamic_rotate %select_n3A_1488 by %roll3A_1501 dim 1 : vector<32x4096xi32>, i32 -> vector<32x4096xi32>
    %roll3A_1503 = arith.constant 1024 : i32
    %roll3A_1504 = tpu.dynamic_rotate %select_n3A_1488 by %roll3A_1503 dim 1 : vector<32x4096xi32>, i32 -> vector<32x4096xi32>
    %select_n3A_1505 = arith.select %eq3A_1494, %roll3A_1502, %roll3A_1504 : vector<32x4096xi1>, vector<32x4096xi32>
    %select_n3A_1506 = arith.select %eq3A_1494, %select_n3A_1488, %select_n3A_1505 : vector<32x4096xi1>, vector<32x4096xi32>
    %select_n3A_1507 = arith.select %eq3A_1494, %select_n3A_1505, %select_n3A_1488 : vector<32x4096xi1>, vector<32x4096xi32>
    %gt3A_1508 = arith.cmpi sgt, %select_n3A_1506, %select_n3A_1507 : vector<32x4096xi32>
    %and3A_1509 = arith.andi %eq3A_1500, %gt3A_1508 : vector<32x4096xi1>
    %not3A_1510 = arith.constant dense<true> : vector<32x4096xi1>
    %not3A_1511 = arith.xori %eq3A_1500, %not3A_1510 : vector<32x4096xi1>
    %lt3A_1512 = arith.cmpi slt, %select_n3A_1506, %select_n3A_1507 : vector<32x4096xi32>
    %and3A_1513 = arith.andi %not3A_1511, %lt3A_1512 : vector<32x4096xi1>
    %or3A_1514 = arith.ori %and3A_1509, %and3A_1513 : vector<32x4096xi1>
    %select_n3A_1515 = arith.select %or3A_1514, %select_n3A_1505, %select_n3A_1488 : vector<32x4096xi1>, vector<32x4096xi32>
    %and3A_1516 = arith.constant 512 : i32
    %and3A_1517 = vector.broadcast %and3A_1516 : i32 to vector<32x4096xi32>
    %and3A_1518 = arith.andi %iota3A, %and3A_1517 : vector<32x4096xi32>
    %eq3A_1519 = arith.constant 0 : i32
    %eq3A_1520 = vector.broadcast %eq3A_1519 : i32 to vector<32x4096xi32>
    %eq3A_1521 = arith.cmpi eq, %and3A_1518, %eq3A_1520 : vector<32x4096xi32>
    %and3A_1522 = arith.constant 2048 : i32
    %and3A_1523 = vector.broadcast %and3A_1522 : i32 to vector<32x4096xi32>
    %and3A_1524 = arith.andi %iota3A, %and3A_1523 : vector<32x4096xi32>
    %eq3A_1525 = arith.constant 0 : i32
    %eq3A_1526 = vector.broadcast %eq3A_1525 : i32 to vector<32x4096xi32>
    %eq3A_1527 = arith.cmpi eq, %and3A_1524, %eq3A_1526 : vector<32x4096xi32>
    %roll3A_1528 = arith.constant 3584 : i32
    %roll3A_1529 = tpu.dynamic_rotate %select_n3A_1515 by %roll3A_1528 dim 1 : vector<32x4096xi32>, i32 -> vector<32x4096xi32>
    %roll3A_1530 = arith.constant 512 : i32
    %roll3A_1531 = tpu.dynamic_rotate %select_n3A_1515 by %roll3A_1530 dim 1 : vector<32x4096xi32>, i32 -> vector<32x4096xi32>
    %select_n3A_1532 = arith.select %eq3A_1521, %roll3A_1529, %roll3A_1531 : vector<32x4096xi1>, vector<32x4096xi32>
    %select_n3A_1533 = arith.select %eq3A_1521, %select_n3A_1515, %select_n3A_1532 : vector<32x4096xi1>, vector<32x4096xi32>
    %select_n3A_1534 = arith.select %eq3A_1521, %select_n3A_1532, %select_n3A_1515 : vector<32x4096xi1>, vector<32x4096xi32>
    %gt3A_1535 = arith.cmpi sgt, %select_n3A_1533, %select_n3A_1534 : vector<32x4096xi32>
    %and3A_1536 = arith.andi %eq3A_1527, %gt3A_1535 : vector<32x4096xi1>
    %not3A_1537 = arith.constant dense<true> : vector<32x4096xi1>
    %not3A_1538 = arith.xori %eq3A_1527, %not3A_1537 : vector<32x4096xi1>
    %lt3A_1539 = arith.cmpi slt, %select_n3A_1533, %select_n3A_1534 : vector<32x4096xi32>
    %and3A_1540 = arith.andi %not3A_1538, %lt3A_1539 : vector<32x4096xi1>
    %or3A_1541 = arith.ori %and3A_1536, %and3A_1540 : vector<32x4096xi1>
    %select_n3A_1542 = arith.select %or3A_1541, %select_n3A_1532, %select_n3A_1515 : vector<32x4096xi1>, vector<32x4096xi32>
    %and3A_1543 = arith.constant 256 : i32
    %and3A_1544 = vector.broadcast %and3A_1543 : i32 to vector<32x4096xi32>
    %and3A_1545 = arith.andi %iota3A, %and3A_1544 : vector<32x4096xi32>
    %eq3A_1546 = arith.constant 0 : i32
    %eq3A_1547 = vector.broadcast %eq3A_1546 : i32 to vector<32x4096xi32>
    %eq3A_1548 = arith.cmpi eq, %and3A_1545, %eq3A_1547 : vector<32x4096xi32>
    %and3A_1549 = arith.constant 2048 : i32
    %and3A_1550 = vector.broadcast %and3A_1549 : i32 to vector<32x4096xi32>
    %and3A_1551 = arith.andi %iota3A, %and3A_1550 : vector<32x4096xi32>
    %eq3A_1552 = arith.constant 0 : i32
    %eq3A_1553 = vector.broadcast %eq3A_1552 : i32 to vector<32x4096xi32>
    %eq3A_1554 = arith.cmpi eq, %and3A_1551, %eq3A_1553 : vector<32x4096xi32>
    %roll3A_1555 = arith.constant 3840 : i32
    %roll3A_1556 = tpu.dynamic_rotate %select_n3A_1542 by %roll3A_1555 dim 1 : vector<32x4096xi32>, i32 -> vector<32x4096xi32>
    %roll3A_1557 = arith.constant 256 : i32
    %roll3A_1558 = tpu.dynamic_rotate %select_n3A_1542 by %roll3A_1557 dim 1 : vector<32x4096xi32>, i32 -> vector<32x4096xi32>
    %select_n3A_1559 = arith.select %eq3A_1548, %roll3A_1556, %roll3A_1558 : vector<32x4096xi1>, vector<32x4096xi32>
    %select_n3A_1560 = arith.select %eq3A_1548, %select_n3A_1542, %select_n3A_1559 : vector<32x4096xi1>, vector<32x4096xi32>
    %select_n3A_1561 = arith.select %eq3A_1548, %select_n3A_1559, %select_n3A_1542 : vector<32x4096xi1>, vector<32x4096xi32>
    %gt3A_1562 = arith.cmpi sgt, %select_n3A_1560, %select_n3A_1561 : vector<32x4096xi32>
    %and3A_1563 = arith.andi %eq3A_1554, %gt3A_1562 : vector<32x4096xi1>
    %not3A_1564 = arith.constant dense<true> : vector<32x4096xi1>
    %not3A_1565 = arith.xori %eq3A_1554, %not3A_1564 : vector<32x4096xi1>
    %lt3A_1566 = arith.cmpi slt, %select_n3A_1560, %select_n3A_1561 : vector<32x4096xi32>
    %and3A_1567 = arith.andi %not3A_1565, %lt3A_1566 : vector<32x4096xi1>
    %or3A_1568 = arith.ori %and3A_1563, %and3A_1567 : vector<32x4096xi1>
    %select_n3A_1569 = arith.select %or3A_1568, %select_n3A_1559, %select_n3A_1542 : vector<32x4096xi1>, vector<32x4096xi32>
    %and3A_1570 = arith.constant 128 : i32
    %and3A_1571 = vector.broadcast %and3A_1570 : i32 to vector<32x4096xi32>
    %and3A_1572 = arith.andi %iota3A, %and3A_1571 : vector<32x4096xi32>
    %eq3A_1573 = arith.constant 0 : i32
    %eq3A_1574 = vector.broadcast %eq3A_1573 : i32 to vector<32x4096xi32>
    %eq3A_1575 = arith.cmpi eq, %and3A_1572, %eq3A_1574 : vector<32x4096xi32>
    %and3A_1576 = arith.constant 2048 : i32
    %and3A_1577 = vector.broadcast %and3A_1576 : i32 to vector<32x4096xi32>
    %and3A_1578 = arith.andi %iota3A, %and3A_1577 : vector<32x4096xi32>
    %eq3A_1579 = arith.constant 0 : i32
    %eq3A_1580 = vector.broadcast %eq3A_1579 : i32 to vector<32x4096xi32>
    %eq3A_1581 = arith.cmpi eq, %and3A_1578, %eq3A_1580 : vector<32x4096xi32>
    %roll3A_1582 = arith.constant 3968 : i32
    %roll3A_1583 = tpu.dynamic_rotate %select_n3A_1569 by %roll3A_1582 dim 1 : vector<32x4096xi32>, i32 -> vector<32x4096xi32>
    %roll3A_1584 = arith.constant 128 : i32
    %roll3A_1585 = tpu.dynamic_rotate %select_n3A_1569 by %roll3A_1584 dim 1 : vector<32x4096xi32>, i32 -> vector<32x4096xi32>
    %select_n3A_1586 = arith.select %eq3A_1575, %roll3A_1583, %roll3A_1585 : vector<32x4096xi1>, vector<32x4096xi32>
    %select_n3A_1587 = arith.select %eq3A_1575, %select_n3A_1569, %select_n3A_1586 : vector<32x4096xi1>, vector<32x4096xi32>
    %select_n3A_1588 = arith.select %eq3A_1575, %select_n3A_1586, %select_n3A_1569 : vector<32x4096xi1>, vector<32x4096xi32>
    %gt3A_1589 = arith.cmpi sgt, %select_n3A_1587, %select_n3A_1588 : vector<32x4096xi32>
    %and3A_1590 = arith.andi %eq3A_1581, %gt3A_1589 : vector<32x4096xi1>
    %not3A_1591 = arith.constant dense<true> : vector<32x4096xi1>
    %not3A_1592 = arith.xori %eq3A_1581, %not3A_1591 : vector<32x4096xi1>
    %lt3A_1593 = arith.cmpi slt, %select_n3A_1587, %select_n3A_1588 : vector<32x4096xi32>
    %and3A_1594 = arith.andi %not3A_1592, %lt3A_1593 : vector<32x4096xi1>
    %or3A_1595 = arith.ori %and3A_1590, %and3A_1594 : vector<32x4096xi1>
    %select_n3A_1596 = arith.select %or3A_1595, %select_n3A_1586, %select_n3A_1569 : vector<32x4096xi1>, vector<32x4096xi32>
    %and3A_1597 = arith.constant 64 : i32
    %and3A_1598 = vector.broadcast %and3A_1597 : i32 to vector<32x4096xi32>
    %and3A_1599 = arith.andi %iota3A, %and3A_1598 : vector<32x4096xi32>
    %eq3A_1600 = arith.constant 0 : i32
    %eq3A_1601 = vector.broadcast %eq3A_1600 : i32 to vector<32x4096xi32>
    %eq3A_1602 = arith.cmpi eq, %and3A_1599, %eq3A_1601 : vector<32x4096xi32>
    %and3A_1603 = arith.constant 2048 : i32
    %and3A_1604 = vector.broadcast %and3A_1603 : i32 to vector<32x4096xi32>
    %and3A_1605 = arith.andi %iota3A, %and3A_1604 : vector<32x4096xi32>
    %eq3A_1606 = arith.constant 0 : i32
    %eq3A_1607 = vector.broadcast %eq3A_1606 : i32 to vector<32x4096xi32>
    %eq3A_1608 = arith.cmpi eq, %and3A_1605, %eq3A_1607 : vector<32x4096xi32>
    %roll3A_1609 = arith.constant 4032 : i32
    %roll3A_1610 = tpu.dynamic_rotate %select_n3A_1596 by %roll3A_1609 dim 1 : vector<32x4096xi32>, i32 -> vector<32x4096xi32>
    %roll3A_1611 = arith.constant 64 : i32
    %roll3A_1612 = tpu.dynamic_rotate %select_n3A_1596 by %roll3A_1611 dim 1 : vector<32x4096xi32>, i32 -> vector<32x4096xi32>
    %select_n3A_1613 = arith.select %eq3A_1602, %roll3A_1610, %roll3A_1612 : vector<32x4096xi1>, vector<32x4096xi32>
    %select_n3A_1614 = arith.select %eq3A_1602, %select_n3A_1596, %select_n3A_1613 : vector<32x4096xi1>, vector<32x4096xi32>
    %select_n3A_1615 = arith.select %eq3A_1602, %select_n3A_1613, %select_n3A_1596 : vector<32x4096xi1>, vector<32x4096xi32>
    %gt3A_1616 = arith.cmpi sgt, %select_n3A_1614, %select_n3A_1615 : vector<32x4096xi32>
    %and3A_1617 = arith.andi %eq3A_1608, %gt3A_1616 : vector<32x4096xi1>
    %not3A_1618 = arith.constant dense<true> : vector<32x4096xi1>
    %not3A_1619 = arith.xori %eq3A_1608, %not3A_1618 : vector<32x4096xi1>
    %lt3A_1620 = arith.cmpi slt, %select_n3A_1614, %select_n3A_1615 : vector<32x4096xi32>
    %and3A_1621 = arith.andi %not3A_1619, %lt3A_1620 : vector<32x4096xi1>
    %or3A_1622 = arith.ori %and3A_1617, %and3A_1621 : vector<32x4096xi1>
    %select_n3A_1623 = arith.select %or3A_1622, %select_n3A_1613, %select_n3A_1596 : vector<32x4096xi1>, vector<32x4096xi32>
    %and3A_1624 = arith.constant 32 : i32
    %and3A_1625 = vector.broadcast %and3A_1624 : i32 to vector<32x4096xi32>
    %and3A_1626 = arith.andi %iota3A, %and3A_1625 : vector<32x4096xi32>
    %eq3A_1627 = arith.constant 0 : i32
    %eq3A_1628 = vector.broadcast %eq3A_1627 : i32 to vector<32x4096xi32>
    %eq3A_1629 = arith.cmpi eq, %and3A_1626, %eq3A_1628 : vector<32x4096xi32>
    %and3A_1630 = arith.constant 2048 : i32
    %and3A_1631 = vector.broadcast %and3A_1630 : i32 to vector<32x4096xi32>
    %and3A_1632 = arith.andi %iota3A, %and3A_1631 : vector<32x4096xi32>
    %eq3A_1633 = arith.constant 0 : i32
    %eq3A_1634 = vector.broadcast %eq3A_1633 : i32 to vector<32x4096xi32>
    %eq3A_1635 = arith.cmpi eq, %and3A_1632, %eq3A_1634 : vector<32x4096xi32>
    %roll3A_1636 = arith.constant 4064 : i32
    %roll3A_1637 = tpu.dynamic_rotate %select_n3A_1623 by %roll3A_1636 dim 1 : vector<32x4096xi32>, i32 -> vector<32x4096xi32>
    %roll3A_1638 = arith.constant 32 : i32
    %roll3A_1639 = tpu.dynamic_rotate %select_n3A_1623 by %roll3A_1638 dim 1 : vector<32x4096xi32>, i32 -> vector<32x4096xi32>
    %select_n3A_1640 = arith.select %eq3A_1629, %roll3A_1637, %roll3A_1639 : vector<32x4096xi1>, vector<32x4096xi32>
    %select_n3A_1641 = arith.select %eq3A_1629, %select_n3A_1623, %select_n3A_1640 : vector<32x4096xi1>, vector<32x4096xi32>
    %select_n3A_1642 = arith.select %eq3A_1629, %select_n3A_1640, %select_n3A_1623 : vector<32x4096xi1>, vector<32x4096xi32>
    %gt3A_1643 = arith.cmpi sgt, %select_n3A_1641, %select_n3A_1642 : vector<32x4096xi32>
    %and3A_1644 = arith.andi %eq3A_1635, %gt3A_1643 : vector<32x4096xi1>
    %not3A_1645 = arith.constant dense<true> : vector<32x4096xi1>
    %not3A_1646 = arith.xori %eq3A_1635, %not3A_1645 : vector<32x4096xi1>
    %lt3A_1647 = arith.cmpi slt, %select_n3A_1641, %select_n3A_1642 : vector<32x4096xi32>
    %and3A_1648 = arith.andi %not3A_1646, %lt3A_1647 : vector<32x4096xi1>
    %or3A_1649 = arith.ori %and3A_1644, %and3A_1648 : vector<32x4096xi1>
    %select_n3A_1650 = arith.select %or3A_1649, %select_n3A_1640, %select_n3A_1623 : vector<32x4096xi1>, vector<32x4096xi32>
    %and3A_1651 = arith.constant 16 : i32
    %and3A_1652 = vector.broadcast %and3A_1651 : i32 to vector<32x4096xi32>
    %and3A_1653 = arith.andi %iota3A, %and3A_1652 : vector<32x4096xi32>
    %eq3A_1654 = arith.constant 0 : i32
    %eq3A_1655 = vector.broadcast %eq3A_1654 : i32 to vector<32x4096xi32>
    %eq3A_1656 = arith.cmpi eq, %and3A_1653, %eq3A_1655 : vector<32x4096xi32>
    %and3A_1657 = arith.constant 2048 : i32
    %and3A_1658 = vector.broadcast %and3A_1657 : i32 to vector<32x4096xi32>
    %and3A_1659 = arith.andi %iota3A, %and3A_1658 : vector<32x4096xi32>
    %eq3A_1660 = arith.constant 0 : i32
    %eq3A_1661 = vector.broadcast %eq3A_1660 : i32 to vector<32x4096xi32>
    %eq3A_1662 = arith.cmpi eq, %and3A_1659, %eq3A_1661 : vector<32x4096xi32>
    %roll3A_1663 = arith.constant 4080 : i32
    %roll3A_1664 = tpu.dynamic_rotate %select_n3A_1650 by %roll3A_1663 dim 1 : vector<32x4096xi32>, i32 -> vector<32x4096xi32>
    %roll3A_1665 = arith.constant 16 : i32
    %roll3A_1666 = tpu.dynamic_rotate %select_n3A_1650 by %roll3A_1665 dim 1 : vector<32x4096xi32>, i32 -> vector<32x4096xi32>
    %select_n3A_1667 = arith.select %eq3A_1656, %roll3A_1664, %roll3A_1666 : vector<32x4096xi1>, vector<32x4096xi32>
    %select_n3A_1668 = arith.select %eq3A_1656, %select_n3A_1650, %select_n3A_1667 : vector<32x4096xi1>, vector<32x4096xi32>
    %select_n3A_1669 = arith.select %eq3A_1656, %select_n3A_1667, %select_n3A_1650 : vector<32x4096xi1>, vector<32x4096xi32>
    %gt3A_1670 = arith.cmpi sgt, %select_n3A_1668, %select_n3A_1669 : vector<32x4096xi32>
    %and3A_1671 = arith.andi %eq3A_1662, %gt3A_1670 : vector<32x4096xi1>
    %not3A_1672 = arith.constant dense<true> : vector<32x4096xi1>
    %not3A_1673 = arith.xori %eq3A_1662, %not3A_1672 : vector<32x4096xi1>
    %lt3A_1674 = arith.cmpi slt, %select_n3A_1668, %select_n3A_1669 : vector<32x4096xi32>
    %and3A_1675 = arith.andi %not3A_1673, %lt3A_1674 : vector<32x4096xi1>
    %or3A_1676 = arith.ori %and3A_1671, %and3A_1675 : vector<32x4096xi1>
    %select_n3A_1677 = arith.select %or3A_1676, %select_n3A_1667, %select_n3A_1650 : vector<32x4096xi1>, vector<32x4096xi32>
    %and3A_1678 = arith.constant 8 : i32
    %and3A_1679 = vector.broadcast %and3A_1678 : i32 to vector<32x4096xi32>
    %and3A_1680 = arith.andi %iota3A, %and3A_1679 : vector<32x4096xi32>
    %eq3A_1681 = arith.constant 0 : i32
    %eq3A_1682 = vector.broadcast %eq3A_1681 : i32 to vector<32x4096xi32>
    %eq3A_1683 = arith.cmpi eq, %and3A_1680, %eq3A_1682 : vector<32x4096xi32>
    %and3A_1684 = arith.constant 2048 : i32
    %and3A_1685 = vector.broadcast %and3A_1684 : i32 to vector<32x4096xi32>
    %and3A_1686 = arith.andi %iota3A, %and3A_1685 : vector<32x4096xi32>
    %eq3A_1687 = arith.constant 0 : i32
    %eq3A_1688 = vector.broadcast %eq3A_1687 : i32 to vector<32x4096xi32>
    %eq3A_1689 = arith.cmpi eq, %and3A_1686, %eq3A_1688 : vector<32x4096xi32>
    %roll3A_1690 = arith.constant 4088 : i32
    %roll3A_1691 = tpu.dynamic_rotate %select_n3A_1677 by %roll3A_1690 dim 1 : vector<32x4096xi32>, i32 -> vector<32x4096xi32>
    %roll3A_1692 = arith.constant 8 : i32
    %roll3A_1693 = tpu.dynamic_rotate %select_n3A_1677 by %roll3A_1692 dim 1 : vector<32x4096xi32>, i32 -> vector<32x4096xi32>
    %select_n3A_1694 = arith.select %eq3A_1683, %roll3A_1691, %roll3A_1693 : vector<32x4096xi1>, vector<32x4096xi32>
    %select_n3A_1695 = arith.select %eq3A_1683, %select_n3A_1677, %select_n3A_1694 : vector<32x4096xi1>, vector<32x4096xi32>
    %select_n3A_1696 = arith.select %eq3A_1683, %select_n3A_1694, %select_n3A_1677 : vector<32x4096xi1>, vector<32x4096xi32>
    %gt3A_1697 = arith.cmpi sgt, %select_n3A_1695, %select_n3A_1696 : vector<32x4096xi32>
    %and3A_1698 = arith.andi %eq3A_1689, %gt3A_1697 : vector<32x4096xi1>
    %not3A_1699 = arith.constant dense<true> : vector<32x4096xi1>
    %not3A_1700 = arith.xori %eq3A_1689, %not3A_1699 : vector<32x4096xi1>
    %lt3A_1701 = arith.cmpi slt, %select_n3A_1695, %select_n3A_1696 : vector<32x4096xi32>
    %and3A_1702 = arith.andi %not3A_1700, %lt3A_1701 : vector<32x4096xi1>
    %or3A_1703 = arith.ori %and3A_1698, %and3A_1702 : vector<32x4096xi1>
    %select_n3A_1704 = arith.select %or3A_1703, %select_n3A_1694, %select_n3A_1677 : vector<32x4096xi1>, vector<32x4096xi32>
    %and3A_1705 = arith.constant 4 : i32
    %and3A_1706 = vector.broadcast %and3A_1705 : i32 to vector<32x4096xi32>
    %and3A_1707 = arith.andi %iota3A, %and3A_1706 : vector<32x4096xi32>
    %eq3A_1708 = arith.constant 0 : i32
    %eq3A_1709 = vector.broadcast %eq3A_1708 : i32 to vector<32x4096xi32>
    %eq3A_1710 = arith.cmpi eq, %and3A_1707, %eq3A_1709 : vector<32x4096xi32>
    %and3A_1711 = arith.constant 2048 : i32
    %and3A_1712 = vector.broadcast %and3A_1711 : i32 to vector<32x4096xi32>
    %and3A_1713 = arith.andi %iota3A, %and3A_1712 : vector<32x4096xi32>
    %eq3A_1714 = arith.constant 0 : i32
    %eq3A_1715 = vector.broadcast %eq3A_1714 : i32 to vector<32x4096xi32>
    %eq3A_1716 = arith.cmpi eq, %and3A_1713, %eq3A_1715 : vector<32x4096xi32>
    %roll3A_1717 = arith.constant 4092 : i32
    %roll3A_1718 = tpu.dynamic_rotate %select_n3A_1704 by %roll3A_1717 dim 1 : vector<32x4096xi32>, i32 -> vector<32x4096xi32>
    %roll3A_1719 = arith.constant 4 : i32
    %roll3A_1720 = tpu.dynamic_rotate %select_n3A_1704 by %roll3A_1719 dim 1 : vector<32x4096xi32>, i32 -> vector<32x4096xi32>
    %select_n3A_1721 = arith.select %eq3A_1710, %roll3A_1718, %roll3A_1720 : vector<32x4096xi1>, vector<32x4096xi32>
    %select_n3A_1722 = arith.select %eq3A_1710, %select_n3A_1704, %select_n3A_1721 : vector<32x4096xi1>, vector<32x4096xi32>
    %select_n3A_1723 = arith.select %eq3A_1710, %select_n3A_1721, %select_n3A_1704 : vector<32x4096xi1>, vector<32x4096xi32>
    %gt3A_1724 = arith.cmpi sgt, %select_n3A_1722, %select_n3A_1723 : vector<32x4096xi32>
    %and3A_1725 = arith.andi %eq3A_1716, %gt3A_1724 : vector<32x4096xi1>
    %not3A_1726 = arith.constant dense<true> : vector<32x4096xi1>
    %not3A_1727 = arith.xori %eq3A_1716, %not3A_1726 : vector<32x4096xi1>
    %lt3A_1728 = arith.cmpi slt, %select_n3A_1722, %select_n3A_1723 : vector<32x4096xi32>
    %and3A_1729 = arith.andi %not3A_1727, %lt3A_1728 : vector<32x4096xi1>
    %or3A_1730 = arith.ori %and3A_1725, %and3A_1729 : vector<32x4096xi1>
    %select_n3A_1731 = arith.select %or3A_1730, %select_n3A_1721, %select_n3A_1704 : vector<32x4096xi1>, vector<32x4096xi32>
    %and3A_1732 = arith.constant 2 : i32
    %and3A_1733 = vector.broadcast %and3A_1732 : i32 to vector<32x4096xi32>
    %and3A_1734 = arith.andi %iota3A, %and3A_1733 : vector<32x4096xi32>
    %eq3A_1735 = arith.constant 0 : i32
    %eq3A_1736 = vector.broadcast %eq3A_1735 : i32 to vector<32x4096xi32>
    %eq3A_1737 = arith.cmpi eq, %and3A_1734, %eq3A_1736 : vector<32x4096xi32>
    %and3A_1738 = arith.constant 2048 : i32
    %and3A_1739 = vector.broadcast %and3A_1738 : i32 to vector<32x4096xi32>
    %and3A_1740 = arith.andi %iota3A, %and3A_1739 : vector<32x4096xi32>
    %eq3A_1741 = arith.constant 0 : i32
    %eq3A_1742 = vector.broadcast %eq3A_1741 : i32 to vector<32x4096xi32>
    %eq3A_1743 = arith.cmpi eq, %and3A_1740, %eq3A_1742 : vector<32x4096xi32>
    %roll3A_1744 = arith.constant 4094 : i32
    %roll3A_1745 = tpu.dynamic_rotate %select_n3A_1731 by %roll3A_1744 dim 1 : vector<32x4096xi32>, i32 -> vector<32x4096xi32>
    %roll3A_1746 = arith.constant 2 : i32
    %roll3A_1747 = tpu.dynamic_rotate %select_n3A_1731 by %roll3A_1746 dim 1 : vector<32x4096xi32>, i32 -> vector<32x4096xi32>
    %select_n3A_1748 = arith.select %eq3A_1737, %roll3A_1745, %roll3A_1747 : vector<32x4096xi1>, vector<32x4096xi32>
    %select_n3A_1749 = arith.select %eq3A_1737, %select_n3A_1731, %select_n3A_1748 : vector<32x4096xi1>, vector<32x4096xi32>
    %select_n3A_1750 = arith.select %eq3A_1737, %select_n3A_1748, %select_n3A_1731 : vector<32x4096xi1>, vector<32x4096xi32>
    %gt3A_1751 = arith.cmpi sgt, %select_n3A_1749, %select_n3A_1750 : vector<32x4096xi32>
    %and3A_1752 = arith.andi %eq3A_1743, %gt3A_1751 : vector<32x4096xi1>
    %not3A_1753 = arith.constant dense<true> : vector<32x4096xi1>
    %not3A_1754 = arith.xori %eq3A_1743, %not3A_1753 : vector<32x4096xi1>
    %lt3A_1755 = arith.cmpi slt, %select_n3A_1749, %select_n3A_1750 : vector<32x4096xi32>
    %and3A_1756 = arith.andi %not3A_1754, %lt3A_1755 : vector<32x4096xi1>
    %or3A_1757 = arith.ori %and3A_1752, %and3A_1756 : vector<32x4096xi1>
    %select_n3A_1758 = arith.select %or3A_1757, %select_n3A_1748, %select_n3A_1731 : vector<32x4096xi1>, vector<32x4096xi32>
    %and3A_1759 = arith.constant 1 : i32
    %and3A_1760 = vector.broadcast %and3A_1759 : i32 to vector<32x4096xi32>
    %and3A_1761 = arith.andi %iota3A, %and3A_1760 : vector<32x4096xi32>
    %eq3A_1762 = arith.constant 0 : i32
    %eq3A_1763 = vector.broadcast %eq3A_1762 : i32 to vector<32x4096xi32>
    %eq3A_1764 = arith.cmpi eq, %and3A_1761, %eq3A_1763 : vector<32x4096xi32>
    %and3A_1765 = arith.constant 2048 : i32
    %and3A_1766 = vector.broadcast %and3A_1765 : i32 to vector<32x4096xi32>
    %and3A_1767 = arith.andi %iota3A, %and3A_1766 : vector<32x4096xi32>
    %eq3A_1768 = arith.constant 0 : i32
    %eq3A_1769 = vector.broadcast %eq3A_1768 : i32 to vector<32x4096xi32>
    %eq3A_1770 = arith.cmpi eq, %and3A_1767, %eq3A_1769 : vector<32x4096xi32>
    %roll3A_1771 = arith.constant 4095 : i32
    %roll3A_1772 = tpu.dynamic_rotate %select_n3A_1758 by %roll3A_1771 dim 1 : vector<32x4096xi32>, i32 -> vector<32x4096xi32>
    %roll3A_1773 = arith.constant 1 : i32
    %roll3A_1774 = tpu.dynamic_rotate %select_n3A_1758 by %roll3A_1773 dim 1 : vector<32x4096xi32>, i32 -> vector<32x4096xi32>
    %select_n3A_1775 = arith.select %eq3A_1764, %roll3A_1772, %roll3A_1774 : vector<32x4096xi1>, vector<32x4096xi32>
    %select_n3A_1776 = arith.select %eq3A_1764, %select_n3A_1758, %select_n3A_1775 : vector<32x4096xi1>, vector<32x4096xi32>
    %select_n3A_1777 = arith.select %eq3A_1764, %select_n3A_1775, %select_n3A_1758 : vector<32x4096xi1>, vector<32x4096xi32>
    %gt3A_1778 = arith.cmpi sgt, %select_n3A_1776, %select_n3A_1777 : vector<32x4096xi32>
    %and3A_1779 = arith.andi %eq3A_1770, %gt3A_1778 : vector<32x4096xi1>
    %not3A_1780 = arith.constant dense<true> : vector<32x4096xi1>
    %not3A_1781 = arith.xori %eq3A_1770, %not3A_1780 : vector<32x4096xi1>
    %lt3A_1782 = arith.cmpi slt, %select_n3A_1776, %select_n3A_1777 : vector<32x4096xi32>
    %and3A_1783 = arith.andi %not3A_1781, %lt3A_1782 : vector<32x4096xi1>
    %or3A_1784 = arith.ori %and3A_1779, %and3A_1783 : vector<32x4096xi1>
    %select_n3A_1785 = arith.select %or3A_1784, %select_n3A_1775, %select_n3A_1758 : vector<32x4096xi1>, vector<32x4096xi32>
    %and3A_1786 = arith.constant 2048 : i32
    %and3A_1787 = vector.broadcast %and3A_1786 : i32 to vector<32x4096xi32>
    %and3A_1788 = arith.andi %iota3A, %and3A_1787 : vector<32x4096xi32>
    %eq3A_1789 = arith.constant 0 : i32
    %eq3A_1790 = vector.broadcast %eq3A_1789 : i32 to vector<32x4096xi32>
    %eq3A_1791 = arith.cmpi eq, %and3A_1788, %eq3A_1790 : vector<32x4096xi32>
    %and3A_1792 = arith.constant 4096 : i32
    %and3A_1793 = vector.broadcast %and3A_1792 : i32 to vector<32x4096xi32>
    %and3A_1794 = arith.andi %iota3A, %and3A_1793 : vector<32x4096xi32>
    %eq3A_1795 = arith.constant 0 : i32
    %eq3A_1796 = vector.broadcast %eq3A_1795 : i32 to vector<32x4096xi32>
    %eq3A_1797 = arith.cmpi eq, %and3A_1794, %eq3A_1796 : vector<32x4096xi32>
    %roll3A_1798 = arith.constant 2048 : i32
    %roll3A_1799 = tpu.dynamic_rotate %select_n3A_1785 by %roll3A_1798 dim 1 : vector<32x4096xi32>, i32 -> vector<32x4096xi32>
    %roll3A_1800 = arith.constant 2048 : i32
    %roll3A_1801 = tpu.dynamic_rotate %select_n3A_1785 by %roll3A_1800 dim 1 : vector<32x4096xi32>, i32 -> vector<32x4096xi32>
    %select_n3A_1802 = arith.select %eq3A_1791, %roll3A_1799, %roll3A_1801 : vector<32x4096xi1>, vector<32x4096xi32>
    %select_n3A_1803 = arith.select %eq3A_1791, %select_n3A_1785, %select_n3A_1802 : vector<32x4096xi1>, vector<32x4096xi32>
    %select_n3A_1804 = arith.select %eq3A_1791, %select_n3A_1802, %select_n3A_1785 : vector<32x4096xi1>, vector<32x4096xi32>
    %gt3A_1805 = arith.cmpi sgt, %select_n3A_1803, %select_n3A_1804 : vector<32x4096xi32>
    %and3A_1806 = arith.andi %eq3A_1797, %gt3A_1805 : vector<32x4096xi1>
    %not3A_1807 = arith.constant dense<true> : vector<32x4096xi1>
    %not3A_1808 = arith.xori %eq3A_1797, %not3A_1807 : vector<32x4096xi1>
    %lt3A_1809 = arith.cmpi slt, %select_n3A_1803, %select_n3A_1804 : vector<32x4096xi32>
    %and3A_1810 = arith.andi %not3A_1808, %lt3A_1809 : vector<32x4096xi1>
    %or3A_1811 = arith.ori %and3A_1806, %and3A_1810 : vector<32x4096xi1>
    %select_n3A_1812 = arith.select %or3A_1811, %select_n3A_1802, %select_n3A_1785 : vector<32x4096xi1>, vector<32x4096xi32>
    %and3A_1813 = arith.constant 1024 : i32
    %and3A_1814 = vector.broadcast %and3A_1813 : i32 to vector<32x4096xi32>
    %and3A_1815 = arith.andi %iota3A, %and3A_1814 : vector<32x4096xi32>
    %eq3A_1816 = arith.constant 0 : i32
    %eq3A_1817 = vector.broadcast %eq3A_1816 : i32 to vector<32x4096xi32>
    %eq3A_1818 = arith.cmpi eq, %and3A_1815, %eq3A_1817 : vector<32x4096xi32>
    %and3A_1819 = arith.constant 4096 : i32
    %and3A_1820 = vector.broadcast %and3A_1819 : i32 to vector<32x4096xi32>
    %and3A_1821 = arith.andi %iota3A, %and3A_1820 : vector<32x4096xi32>
    %eq3A_1822 = arith.constant 0 : i32
    %eq3A_1823 = vector.broadcast %eq3A_1822 : i32 to vector<32x4096xi32>
    %eq3A_1824 = arith.cmpi eq, %and3A_1821, %eq3A_1823 : vector<32x4096xi32>
    %roll3A_1825 = arith.constant 3072 : i32
    %roll3A_1826 = tpu.dynamic_rotate %select_n3A_1812 by %roll3A_1825 dim 1 : vector<32x4096xi32>, i32 -> vector<32x4096xi32>
    %roll3A_1827 = arith.constant 1024 : i32
    %roll3A_1828 = tpu.dynamic_rotate %select_n3A_1812 by %roll3A_1827 dim 1 : vector<32x4096xi32>, i32 -> vector<32x4096xi32>
    %select_n3A_1829 = arith.select %eq3A_1818, %roll3A_1826, %roll3A_1828 : vector<32x4096xi1>, vector<32x4096xi32>
    %select_n3A_1830 = arith.select %eq3A_1818, %select_n3A_1812, %select_n3A_1829 : vector<32x4096xi1>, vector<32x4096xi32>
    %select_n3A_1831 = arith.select %eq3A_1818, %select_n3A_1829, %select_n3A_1812 : vector<32x4096xi1>, vector<32x4096xi32>
    %gt3A_1832 = arith.cmpi sgt, %select_n3A_1830, %select_n3A_1831 : vector<32x4096xi32>
    %and3A_1833 = arith.andi %eq3A_1824, %gt3A_1832 : vector<32x4096xi1>
    %not3A_1834 = arith.constant dense<true> : vector<32x4096xi1>
    %not3A_1835 = arith.xori %eq3A_1824, %not3A_1834 : vector<32x4096xi1>
    %lt3A_1836 = arith.cmpi slt, %select_n3A_1830, %select_n3A_1831 : vector<32x4096xi32>
    %and3A_1837 = arith.andi %not3A_1835, %lt3A_1836 : vector<32x4096xi1>
    %or3A_1838 = arith.ori %and3A_1833, %and3A_1837 : vector<32x4096xi1>
    %select_n3A_1839 = arith.select %or3A_1838, %select_n3A_1829, %select_n3A_1812 : vector<32x4096xi1>, vector<32x4096xi32>
    %and3A_1840 = arith.constant 512 : i32
    %and3A_1841 = vector.broadcast %and3A_1840 : i32 to vector<32x4096xi32>
    %and3A_1842 = arith.andi %iota3A, %and3A_1841 : vector<32x4096xi32>
    %eq3A_1843 = arith.constant 0 : i32
    %eq3A_1844 = vector.broadcast %eq3A_1843 : i32 to vector<32x4096xi32>
    %eq3A_1845 = arith.cmpi eq, %and3A_1842, %eq3A_1844 : vector<32x4096xi32>
    %and3A_1846 = arith.constant 4096 : i32
    %and3A_1847 = vector.broadcast %and3A_1846 : i32 to vector<32x4096xi32>
    %and3A_1848 = arith.andi %iota3A, %and3A_1847 : vector<32x4096xi32>
    %eq3A_1849 = arith.constant 0 : i32
    %eq3A_1850 = vector.broadcast %eq3A_1849 : i32 to vector<32x4096xi32>
    %eq3A_1851 = arith.cmpi eq, %and3A_1848, %eq3A_1850 : vector<32x4096xi32>
    %roll3A_1852 = arith.constant 3584 : i32
    %roll3A_1853 = tpu.dynamic_rotate %select_n3A_1839 by %roll3A_1852 dim 1 : vector<32x4096xi32>, i32 -> vector<32x4096xi32>
    %roll3A_1854 = arith.constant 512 : i32
    %roll3A_1855 = tpu.dynamic_rotate %select_n3A_1839 by %roll3A_1854 dim 1 : vector<32x4096xi32>, i32 -> vector<32x4096xi32>
    %select_n3A_1856 = arith.select %eq3A_1845, %roll3A_1853, %roll3A_1855 : vector<32x4096xi1>, vector<32x4096xi32>
    %select_n3A_1857 = arith.select %eq3A_1845, %select_n3A_1839, %select_n3A_1856 : vector<32x4096xi1>, vector<32x4096xi32>
    %select_n3A_1858 = arith.select %eq3A_1845, %select_n3A_1856, %select_n3A_1839 : vector<32x4096xi1>, vector<32x4096xi32>
    %gt3A_1859 = arith.cmpi sgt, %select_n3A_1857, %select_n3A_1858 : vector<32x4096xi32>
    %and3A_1860 = arith.andi %eq3A_1851, %gt3A_1859 : vector<32x4096xi1>
    %not3A_1861 = arith.constant dense<true> : vector<32x4096xi1>
    %not3A_1862 = arith.xori %eq3A_1851, %not3A_1861 : vector<32x4096xi1>
    %lt3A_1863 = arith.cmpi slt, %select_n3A_1857, %select_n3A_1858 : vector<32x4096xi32>
    %and3A_1864 = arith.andi %not3A_1862, %lt3A_1863 : vector<32x4096xi1>
    %or3A_1865 = arith.ori %and3A_1860, %and3A_1864 : vector<32x4096xi1>
    %select_n3A_1866 = arith.select %or3A_1865, %select_n3A_1856, %select_n3A_1839 : vector<32x4096xi1>, vector<32x4096xi32>
    %and3A_1867 = arith.constant 256 : i32
    %and3A_1868 = vector.broadcast %and3A_1867 : i32 to vector<32x4096xi32>
    %and3A_1869 = arith.andi %iota3A, %and3A_1868 : vector<32x4096xi32>
    %eq3A_1870 = arith.constant 0 : i32
    %eq3A_1871 = vector.broadcast %eq3A_1870 : i32 to vector<32x4096xi32>
    %eq3A_1872 = arith.cmpi eq, %and3A_1869, %eq3A_1871 : vector<32x4096xi32>
    %and3A_1873 = arith.constant 4096 : i32
    %and3A_1874 = vector.broadcast %and3A_1873 : i32 to vector<32x4096xi32>
    %and3A_1875 = arith.andi %iota3A, %and3A_1874 : vector<32x4096xi32>
    %eq3A_1876 = arith.constant 0 : i32
    %eq3A_1877 = vector.broadcast %eq3A_1876 : i32 to vector<32x4096xi32>
    %eq3A_1878 = arith.cmpi eq, %and3A_1875, %eq3A_1877 : vector<32x4096xi32>
    %roll3A_1879 = arith.constant 3840 : i32
    %roll3A_1880 = tpu.dynamic_rotate %select_n3A_1866 by %roll3A_1879 dim 1 : vector<32x4096xi32>, i32 -> vector<32x4096xi32>
    %roll3A_1881 = arith.constant 256 : i32
    %roll3A_1882 = tpu.dynamic_rotate %select_n3A_1866 by %roll3A_1881 dim 1 : vector<32x4096xi32>, i32 -> vector<32x4096xi32>
    %select_n3A_1883 = arith.select %eq3A_1872, %roll3A_1880, %roll3A_1882 : vector<32x4096xi1>, vector<32x4096xi32>
    %select_n3A_1884 = arith.select %eq3A_1872, %select_n3A_1866, %select_n3A_1883 : vector<32x4096xi1>, vector<32x4096xi32>
    %select_n3A_1885 = arith.select %eq3A_1872, %select_n3A_1883, %select_n3A_1866 : vector<32x4096xi1>, vector<32x4096xi32>
    %gt3A_1886 = arith.cmpi sgt, %select_n3A_1884, %select_n3A_1885 : vector<32x4096xi32>
    %and3A_1887 = arith.andi %eq3A_1878, %gt3A_1886 : vector<32x4096xi1>
    %not3A_1888 = arith.constant dense<true> : vector<32x4096xi1>
    %not3A_1889 = arith.xori %eq3A_1878, %not3A_1888 : vector<32x4096xi1>
    %lt3A_1890 = arith.cmpi slt, %select_n3A_1884, %select_n3A_1885 : vector<32x4096xi32>
    %and3A_1891 = arith.andi %not3A_1889, %lt3A_1890 : vector<32x4096xi1>
    %or3A_1892 = arith.ori %and3A_1887, %and3A_1891 : vector<32x4096xi1>
    %select_n3A_1893 = arith.select %or3A_1892, %select_n3A_1883, %select_n3A_1866 : vector<32x4096xi1>, vector<32x4096xi32>
    %and3A_1894 = arith.constant 128 : i32
    %and3A_1895 = vector.broadcast %and3A_1894 : i32 to vector<32x4096xi32>
    %and3A_1896 = arith.andi %iota3A, %and3A_1895 : vector<32x4096xi32>
    %eq3A_1897 = arith.constant 0 : i32
    %eq3A_1898 = vector.broadcast %eq3A_1897 : i32 to vector<32x4096xi32>
    %eq3A_1899 = arith.cmpi eq, %and3A_1896, %eq3A_1898 : vector<32x4096xi32>
    %and3A_1900 = arith.constant 4096 : i32
    %and3A_1901 = vector.broadcast %and3A_1900 : i32 to vector<32x4096xi32>
    %and3A_1902 = arith.andi %iota3A, %and3A_1901 : vector<32x4096xi32>
    %eq3A_1903 = arith.constant 0 : i32
    %eq3A_1904 = vector.broadcast %eq3A_1903 : i32 to vector<32x4096xi32>
    %eq3A_1905 = arith.cmpi eq, %and3A_1902, %eq3A_1904 : vector<32x4096xi32>
    %roll3A_1906 = arith.constant 3968 : i32
    %roll3A_1907 = tpu.dynamic_rotate %select_n3A_1893 by %roll3A_1906 dim 1 : vector<32x4096xi32>, i32 -> vector<32x4096xi32>
    %roll3A_1908 = arith.constant 128 : i32
    %roll3A_1909 = tpu.dynamic_rotate %select_n3A_1893 by %roll3A_1908 dim 1 : vector<32x4096xi32>, i32 -> vector<32x4096xi32>
    %select_n3A_1910 = arith.select %eq3A_1899, %roll3A_1907, %roll3A_1909 : vector<32x4096xi1>, vector<32x4096xi32>
    %select_n3A_1911 = arith.select %eq3A_1899, %select_n3A_1893, %select_n3A_1910 : vector<32x4096xi1>, vector<32x4096xi32>
    %select_n3A_1912 = arith.select %eq3A_1899, %select_n3A_1910, %select_n3A_1893 : vector<32x4096xi1>, vector<32x4096xi32>
    %gt3A_1913 = arith.cmpi sgt, %select_n3A_1911, %select_n3A_1912 : vector<32x4096xi32>
    %and3A_1914 = arith.andi %eq3A_1905, %gt3A_1913 : vector<32x4096xi1>
    %not3A_1915 = arith.constant dense<true> : vector<32x4096xi1>
    %not3A_1916 = arith.xori %eq3A_1905, %not3A_1915 : vector<32x4096xi1>
    %lt3A_1917 = arith.cmpi slt, %select_n3A_1911, %select_n3A_1912 : vector<32x4096xi32>
    %and3A_1918 = arith.andi %not3A_1916, %lt3A_1917 : vector<32x4096xi1>
    %or3A_1919 = arith.ori %and3A_1914, %and3A_1918 : vector<32x4096xi1>
    %select_n3A_1920 = arith.select %or3A_1919, %select_n3A_1910, %select_n3A_1893 : vector<32x4096xi1>, vector<32x4096xi32>
    %and3A_1921 = arith.constant 64 : i32
    %and3A_1922 = vector.broadcast %and3A_1921 : i32 to vector<32x4096xi32>
    %and3A_1923 = arith.andi %iota3A, %and3A_1922 : vector<32x4096xi32>
    %eq3A_1924 = arith.constant 0 : i32
    %eq3A_1925 = vector.broadcast %eq3A_1924 : i32 to vector<32x4096xi32>
    %eq3A_1926 = arith.cmpi eq, %and3A_1923, %eq3A_1925 : vector<32x4096xi32>
    %and3A_1927 = arith.constant 4096 : i32
    %and3A_1928 = vector.broadcast %and3A_1927 : i32 to vector<32x4096xi32>
    %and3A_1929 = arith.andi %iota3A, %and3A_1928 : vector<32x4096xi32>
    %eq3A_1930 = arith.constant 0 : i32
    %eq3A_1931 = vector.broadcast %eq3A_1930 : i32 to vector<32x4096xi32>
    %eq3A_1932 = arith.cmpi eq, %and3A_1929, %eq3A_1931 : vector<32x4096xi32>
    %roll3A_1933 = arith.constant 4032 : i32
    %roll3A_1934 = tpu.dynamic_rotate %select_n3A_1920 by %roll3A_1933 dim 1 : vector<32x4096xi32>, i32 -> vector<32x4096xi32>
    %roll3A_1935 = arith.constant 64 : i32
    %roll3A_1936 = tpu.dynamic_rotate %select_n3A_1920 by %roll3A_1935 dim 1 : vector<32x4096xi32>, i32 -> vector<32x4096xi32>
    %select_n3A_1937 = arith.select %eq3A_1926, %roll3A_1934, %roll3A_1936 : vector<32x4096xi1>, vector<32x4096xi32>
    %select_n3A_1938 = arith.select %eq3A_1926, %select_n3A_1920, %select_n3A_1937 : vector<32x4096xi1>, vector<32x4096xi32>
    %select_n3A_1939 = arith.select %eq3A_1926, %select_n3A_1937, %select_n3A_1920 : vector<32x4096xi1>, vector<32x4096xi32>
    %gt3A_1940 = arith.cmpi sgt, %select_n3A_1938, %select_n3A_1939 : vector<32x4096xi32>
    %and3A_1941 = arith.andi %eq3A_1932, %gt3A_1940 : vector<32x4096xi1>
    %not3A_1942 = arith.constant dense<true> : vector<32x4096xi1>
    %not3A_1943 = arith.xori %eq3A_1932, %not3A_1942 : vector<32x4096xi1>
    %lt3A_1944 = arith.cmpi slt, %select_n3A_1938, %select_n3A_1939 : vector<32x4096xi32>
    %and3A_1945 = arith.andi %not3A_1943, %lt3A_1944 : vector<32x4096xi1>
    %or3A_1946 = arith.ori %and3A_1941, %and3A_1945 : vector<32x4096xi1>
    %select_n3A_1947 = arith.select %or3A_1946, %select_n3A_1937, %select_n3A_1920 : vector<32x4096xi1>, vector<32x4096xi32>
    %and3A_1948 = arith.constant 32 : i32
    %and3A_1949 = vector.broadcast %and3A_1948 : i32 to vector<32x4096xi32>
    %and3A_1950 = arith.andi %iota3A, %and3A_1949 : vector<32x4096xi32>
    %eq3A_1951 = arith.constant 0 : i32
    %eq3A_1952 = vector.broadcast %eq3A_1951 : i32 to vector<32x4096xi32>
    %eq3A_1953 = arith.cmpi eq, %and3A_1950, %eq3A_1952 : vector<32x4096xi32>
    %and3A_1954 = arith.constant 4096 : i32
    %and3A_1955 = vector.broadcast %and3A_1954 : i32 to vector<32x4096xi32>
    %and3A_1956 = arith.andi %iota3A, %and3A_1955 : vector<32x4096xi32>
    %eq3A_1957 = arith.constant 0 : i32
    %eq3A_1958 = vector.broadcast %eq3A_1957 : i32 to vector<32x4096xi32>
    %eq3A_1959 = arith.cmpi eq, %and3A_1956, %eq3A_1958 : vector<32x4096xi32>
    %roll3A_1960 = arith.constant 4064 : i32
    %roll3A_1961 = tpu.dynamic_rotate %select_n3A_1947 by %roll3A_1960 dim 1 : vector<32x4096xi32>, i32 -> vector<32x4096xi32>
    %roll3A_1962 = arith.constant 32 : i32
    %roll3A_1963 = tpu.dynamic_rotate %select_n3A_1947 by %roll3A_1962 dim 1 : vector<32x4096xi32>, i32 -> vector<32x4096xi32>
    %select_n3A_1964 = arith.select %eq3A_1953, %roll3A_1961, %roll3A_1963 : vector<32x4096xi1>, vector<32x4096xi32>
    %select_n3A_1965 = arith.select %eq3A_1953, %select_n3A_1947, %select_n3A_1964 : vector<32x4096xi1>, vector<32x4096xi32>
    %select_n3A_1966 = arith.select %eq3A_1953, %select_n3A_1964, %select_n3A_1947 : vector<32x4096xi1>, vector<32x4096xi32>
    %gt3A_1967 = arith.cmpi sgt, %select_n3A_1965, %select_n3A_1966 : vector<32x4096xi32>
    %and3A_1968 = arith.andi %eq3A_1959, %gt3A_1967 : vector<32x4096xi1>
    %not3A_1969 = arith.constant dense<true> : vector<32x4096xi1>
    %not3A_1970 = arith.xori %eq3A_1959, %not3A_1969 : vector<32x4096xi1>
    %lt3A_1971 = arith.cmpi slt, %select_n3A_1965, %select_n3A_1966 : vector<32x4096xi32>
    %and3A_1972 = arith.andi %not3A_1970, %lt3A_1971 : vector<32x4096xi1>
    %or3A_1973 = arith.ori %and3A_1968, %and3A_1972 : vector<32x4096xi1>
    %select_n3A_1974 = arith.select %or3A_1973, %select_n3A_1964, %select_n3A_1947 : vector<32x4096xi1>, vector<32x4096xi32>
    %and3A_1975 = arith.constant 16 : i32
    %and3A_1976 = vector.broadcast %and3A_1975 : i32 to vector<32x4096xi32>
    %and3A_1977 = arith.andi %iota3A, %and3A_1976 : vector<32x4096xi32>
    %eq3A_1978 = arith.constant 0 : i32
    %eq3A_1979 = vector.broadcast %eq3A_1978 : i32 to vector<32x4096xi32>
    %eq3A_1980 = arith.cmpi eq, %and3A_1977, %eq3A_1979 : vector<32x4096xi32>
    %and3A_1981 = arith.constant 4096 : i32
    %and3A_1982 = vector.broadcast %and3A_1981 : i32 to vector<32x4096xi32>
    %and3A_1983 = arith.andi %iota3A, %and3A_1982 : vector<32x4096xi32>
    %eq3A_1984 = arith.constant 0 : i32
    %eq3A_1985 = vector.broadcast %eq3A_1984 : i32 to vector<32x4096xi32>
    %eq3A_1986 = arith.cmpi eq, %and3A_1983, %eq3A_1985 : vector<32x4096xi32>
    %roll3A_1987 = arith.constant 4080 : i32
    %roll3A_1988 = tpu.dynamic_rotate %select_n3A_1974 by %roll3A_1987 dim 1 : vector<32x4096xi32>, i32 -> vector<32x4096xi32>
    %roll3A_1989 = arith.constant 16 : i32
    %roll3A_1990 = tpu.dynamic_rotate %select_n3A_1974 by %roll3A_1989 dim 1 : vector<32x4096xi32>, i32 -> vector<32x4096xi32>
    %select_n3A_1991 = arith.select %eq3A_1980, %roll3A_1988, %roll3A_1990 : vector<32x4096xi1>, vector<32x4096xi32>
    %select_n3A_1992 = arith.select %eq3A_1980, %select_n3A_1974, %select_n3A_1991 : vector<32x4096xi1>, vector<32x4096xi32>
    %select_n3A_1993 = arith.select %eq3A_1980, %select_n3A_1991, %select_n3A_1974 : vector<32x4096xi1>, vector<32x4096xi32>
    %gt3A_1994 = arith.cmpi sgt, %select_n3A_1992, %select_n3A_1993 : vector<32x4096xi32>
    %and3A_1995 = arith.andi %eq3A_1986, %gt3A_1994 : vector<32x4096xi1>
    %not3A_1996 = arith.constant dense<true> : vector<32x4096xi1>
    %not3A_1997 = arith.xori %eq3A_1986, %not3A_1996 : vector<32x4096xi1>
    %lt3A_1998 = arith.cmpi slt, %select_n3A_1992, %select_n3A_1993 : vector<32x4096xi32>
    %and3A_1999 = arith.andi %not3A_1997, %lt3A_1998 : vector<32x4096xi1>
    %or3A_2000 = arith.ori %and3A_1995, %and3A_1999 : vector<32x4096xi1>
    %select_n3A_2001 = arith.select %or3A_2000, %select_n3A_1991, %select_n3A_1974 : vector<32x4096xi1>, vector<32x4096xi32>
    %and3A_2002 = arith.constant 8 : i32
    %and3A_2003 = vector.broadcast %and3A_2002 : i32 to vector<32x4096xi32>
    %and3A_2004 = arith.andi %iota3A, %and3A_2003 : vector<32x4096xi32>
    %eq3A_2005 = arith.constant 0 : i32
    %eq3A_2006 = vector.broadcast %eq3A_2005 : i32 to vector<32x4096xi32>
    %eq3A_2007 = arith.cmpi eq, %and3A_2004, %eq3A_2006 : vector<32x4096xi32>
    %and3A_2008 = arith.constant 4096 : i32
    %and3A_2009 = vector.broadcast %and3A_2008 : i32 to vector<32x4096xi32>
    %and3A_2010 = arith.andi %iota3A, %and3A_2009 : vector<32x4096xi32>
    %eq3A_2011 = arith.constant 0 : i32
    %eq3A_2012 = vector.broadcast %eq3A_2011 : i32 to vector<32x4096xi32>
    %eq3A_2013 = arith.cmpi eq, %and3A_2010, %eq3A_2012 : vector<32x4096xi32>
    %roll3A_2014 = arith.constant 4088 : i32
    %roll3A_2015 = tpu.dynamic_rotate %select_n3A_2001 by %roll3A_2014 dim 1 : vector<32x4096xi32>, i32 -> vector<32x4096xi32>
    %roll3A_2016 = arith.constant 8 : i32
    %roll3A_2017 = tpu.dynamic_rotate %select_n3A_2001 by %roll3A_2016 dim 1 : vector<32x4096xi32>, i32 -> vector<32x4096xi32>
    %select_n3A_2018 = arith.select %eq3A_2007, %roll3A_2015, %roll3A_2017 : vector<32x4096xi1>, vector<32x4096xi32>
    %select_n3A_2019 = arith.select %eq3A_2007, %select_n3A_2001, %select_n3A_2018 : vector<32x4096xi1>, vector<32x4096xi32>
    %select_n3A_2020 = arith.select %eq3A_2007, %select_n3A_2018, %select_n3A_2001 : vector<32x4096xi1>, vector<32x4096xi32>
    %gt3A_2021 = arith.cmpi sgt, %select_n3A_2019, %select_n3A_2020 : vector<32x4096xi32>
    %and3A_2022 = arith.andi %eq3A_2013, %gt3A_2021 : vector<32x4096xi1>
    %not3A_2023 = arith.constant dense<true> : vector<32x4096xi1>
    %not3A_2024 = arith.xori %eq3A_2013, %not3A_2023 : vector<32x4096xi1>
    %lt3A_2025 = arith.cmpi slt, %select_n3A_2019, %select_n3A_2020 : vector<32x4096xi32>
    %and3A_2026 = arith.andi %not3A_2024, %lt3A_2025 : vector<32x4096xi1>
    %or3A_2027 = arith.ori %and3A_2022, %and3A_2026 : vector<32x4096xi1>
    %select_n3A_2028 = arith.select %or3A_2027, %select_n3A_2018, %select_n3A_2001 : vector<32x4096xi1>, vector<32x4096xi32>
    %and3A_2029 = arith.constant 4 : i32
    %and3A_2030 = vector.broadcast %and3A_2029 : i32 to vector<32x4096xi32>
    %and3A_2031 = arith.andi %iota3A, %and3A_2030 : vector<32x4096xi32>
    %eq3A_2032 = arith.constant 0 : i32
    %eq3A_2033 = vector.broadcast %eq3A_2032 : i32 to vector<32x4096xi32>
    %eq3A_2034 = arith.cmpi eq, %and3A_2031, %eq3A_2033 : vector<32x4096xi32>
    %and3A_2035 = arith.constant 4096 : i32
    %and3A_2036 = vector.broadcast %and3A_2035 : i32 to vector<32x4096xi32>
    %and3A_2037 = arith.andi %iota3A, %and3A_2036 : vector<32x4096xi32>
    %eq3A_2038 = arith.constant 0 : i32
    %eq3A_2039 = vector.broadcast %eq3A_2038 : i32 to vector<32x4096xi32>
    %eq3A_2040 = arith.cmpi eq, %and3A_2037, %eq3A_2039 : vector<32x4096xi32>
    %roll3A_2041 = arith.constant 4092 : i32
    %roll3A_2042 = tpu.dynamic_rotate %select_n3A_2028 by %roll3A_2041 dim 1 : vector<32x4096xi32>, i32 -> vector<32x4096xi32>
    %roll3A_2043 = arith.constant 4 : i32
    %roll3A_2044 = tpu.dynamic_rotate %select_n3A_2028 by %roll3A_2043 dim 1 : vector<32x4096xi32>, i32 -> vector<32x4096xi32>
    %select_n3A_2045 = arith.select %eq3A_2034, %roll3A_2042, %roll3A_2044 : vector<32x4096xi1>, vector<32x4096xi32>
    %select_n3A_2046 = arith.select %eq3A_2034, %select_n3A_2028, %select_n3A_2045 : vector<32x4096xi1>, vector<32x4096xi32>
    %select_n3A_2047 = arith.select %eq3A_2034, %select_n3A_2045, %select_n3A_2028 : vector<32x4096xi1>, vector<32x4096xi32>
    %gt3A_2048 = arith.cmpi sgt, %select_n3A_2046, %select_n3A_2047 : vector<32x4096xi32>
    %and3A_2049 = arith.andi %eq3A_2040, %gt3A_2048 : vector<32x4096xi1>
    %not3A_2050 = arith.constant dense<true> : vector<32x4096xi1>
    %not3A_2051 = arith.xori %eq3A_2040, %not3A_2050 : vector<32x4096xi1>
    %lt3A_2052 = arith.cmpi slt, %select_n3A_2046, %select_n3A_2047 : vector<32x4096xi32>
    %and3A_2053 = arith.andi %not3A_2051, %lt3A_2052 : vector<32x4096xi1>
    %or3A_2054 = arith.ori %and3A_2049, %and3A_2053 : vector<32x4096xi1>
    %select_n3A_2055 = arith.select %or3A_2054, %select_n3A_2045, %select_n3A_2028 : vector<32x4096xi1>, vector<32x4096xi32>
    %and3A_2056 = arith.constant 2 : i32
    %and3A_2057 = vector.broadcast %and3A_2056 : i32 to vector<32x4096xi32>
    %and3A_2058 = arith.andi %iota3A, %and3A_2057 : vector<32x4096xi32>
    %eq3A_2059 = arith.constant 0 : i32
    %eq3A_2060 = vector.broadcast %eq3A_2059 : i32 to vector<32x4096xi32>
    %eq3A_2061 = arith.cmpi eq, %and3A_2058, %eq3A_2060 : vector<32x4096xi32>
    %and3A_2062 = arith.constant 4096 : i32
    %and3A_2063 = vector.broadcast %and3A_2062 : i32 to vector<32x4096xi32>
    %and3A_2064 = arith.andi %iota3A, %and3A_2063 : vector<32x4096xi32>
    %eq3A_2065 = arith.constant 0 : i32
    %eq3A_2066 = vector.broadcast %eq3A_2065 : i32 to vector<32x4096xi32>
    %eq3A_2067 = arith.cmpi eq, %and3A_2064, %eq3A_2066 : vector<32x4096xi32>
    %roll3A_2068 = arith.constant 4094 : i32
    %roll3A_2069 = tpu.dynamic_rotate %select_n3A_2055 by %roll3A_2068 dim 1 : vector<32x4096xi32>, i32 -> vector<32x4096xi32>
    %roll3A_2070 = arith.constant 2 : i32
    %roll3A_2071 = tpu.dynamic_rotate %select_n3A_2055 by %roll3A_2070 dim 1 : vector<32x4096xi32>, i32 -> vector<32x4096xi32>
    %select_n3A_2072 = arith.select %eq3A_2061, %roll3A_2069, %roll3A_2071 : vector<32x4096xi1>, vector<32x4096xi32>
    %select_n3A_2073 = arith.select %eq3A_2061, %select_n3A_2055, %select_n3A_2072 : vector<32x4096xi1>, vector<32x4096xi32>
    %select_n3A_2074 = arith.select %eq3A_2061, %select_n3A_2072, %select_n3A_2055 : vector<32x4096xi1>, vector<32x4096xi32>
    %gt3A_2075 = arith.cmpi sgt, %select_n3A_2073, %select_n3A_2074 : vector<32x4096xi32>
    %and3A_2076 = arith.andi %eq3A_2067, %gt3A_2075 : vector<32x4096xi1>
    %not3A_2077 = arith.constant dense<true> : vector<32x4096xi1>
    %not3A_2078 = arith.xori %eq3A_2067, %not3A_2077 : vector<32x4096xi1>
    %lt3A_2079 = arith.cmpi slt, %select_n3A_2073, %select_n3A_2074 : vector<32x4096xi32>
    %and3A_2080 = arith.andi %not3A_2078, %lt3A_2079 : vector<32x4096xi1>
    %or3A_2081 = arith.ori %and3A_2076, %and3A_2080 : vector<32x4096xi1>
    %select_n3A_2082 = arith.select %or3A_2081, %select_n3A_2072, %select_n3A_2055 : vector<32x4096xi1>, vector<32x4096xi32>
    %and3A_2083 = arith.constant 1 : i32
    %and3A_2084 = vector.broadcast %and3A_2083 : i32 to vector<32x4096xi32>
    %and3A_2085 = arith.andi %iota3A, %and3A_2084 : vector<32x4096xi32>
    %eq3A_2086 = arith.constant 0 : i32
    %eq3A_2087 = vector.broadcast %eq3A_2086 : i32 to vector<32x4096xi32>
    %eq3A_2088 = arith.cmpi eq, %and3A_2085, %eq3A_2087 : vector<32x4096xi32>
    %and3A_2089 = arith.constant 4096 : i32
    %and3A_2090 = vector.broadcast %and3A_2089 : i32 to vector<32x4096xi32>
    %and3A_2091 = arith.andi %iota3A, %and3A_2090 : vector<32x4096xi32>
    %eq3A_2092 = arith.constant 0 : i32
    %eq3A_2093 = vector.broadcast %eq3A_2092 : i32 to vector<32x4096xi32>
    %eq3A_2094 = arith.cmpi eq, %and3A_2091, %eq3A_2093 : vector<32x4096xi32>
    %roll3A_2095 = arith.constant 4095 : i32
    %roll3A_2096 = tpu.dynamic_rotate %select_n3A_2082 by %roll3A_2095 dim 1 : vector<32x4096xi32>, i32 -> vector<32x4096xi32>
    %roll3A_2097 = arith.constant 1 : i32
    %roll3A_2098 = tpu.dynamic_rotate %select_n3A_2082 by %roll3A_2097 dim 1 : vector<32x4096xi32>, i32 -> vector<32x4096xi32>
    %select_n3A_2099 = arith.select %eq3A_2088, %roll3A_2096, %roll3A_2098 : vector<32x4096xi1>, vector<32x4096xi32>
    %select_n3A_2100 = arith.select %eq3A_2088, %select_n3A_2082, %select_n3A_2099 : vector<32x4096xi1>, vector<32x4096xi32>
    %select_n3A_2101 = arith.select %eq3A_2088, %select_n3A_2099, %select_n3A_2082 : vector<32x4096xi1>, vector<32x4096xi32>
    %gt3A_2102 = arith.cmpi sgt, %select_n3A_2100, %select_n3A_2101 : vector<32x4096xi32>
    %and3A_2103 = arith.andi %eq3A_2094, %gt3A_2102 : vector<32x4096xi1>
    %not3A_2104 = arith.constant dense<true> : vector<32x4096xi1>
    %not3A_2105 = arith.xori %eq3A_2094, %not3A_2104 : vector<32x4096xi1>
    %lt3A_2106 = arith.cmpi slt, %select_n3A_2100, %select_n3A_2101 : vector<32x4096xi32>
    %and3A_2107 = arith.andi %not3A_2105, %lt3A_2106 : vector<32x4096xi1>
    %or3A_2108 = arith.ori %and3A_2103, %and3A_2107 : vector<32x4096xi1>
    %select_n3A_2109 = arith.select %or3A_2108, %select_n3A_2099, %select_n3A_2082 : vector<32x4096xi1>, vector<32x4096xi32>
    %and3A_2110 = arith.constant 4095 : i32
    %and3A_2111 = vector.broadcast %and3A_2110 : i32 to vector<32x4096xi32>
    %and3A_2112 = arith.andi %select_n3A_2109, %and3A_2111 : vector<32x4096xi32>
    %iota3A_2113 = tpu.iota {dimensions = array<i32: 0>} : vector<32x4096xi32>
    %mul3A = arith.constant 32 : i32
    %mul3A_2114 = arith.muli %arg1, %mul3A : i32
    %add3A = vector.broadcast %mul3A_2114 : i32 to vector<32x4096xi32>
    %add3A_2115 = arith.addi %iota3A_2113, %add3A : vector<32x4096xi32>
    %mul3A_2116 = arith.constant 131072 : i32
    %mul3A_2117 = arith.muli %arg0, %mul3A_2116 : i32
    %shift_right_logical3A_2118 = arith.constant 3 : i32
    %shift_right_logical3A_2119 = vector.broadcast %shift_right_logical3A_2118 : i32 to vector<32x4096xi32>
    %shift_right_logical3A_2120 = arith.shrui %and3A_2112, %shift_right_logical3A_2119 : vector<32x4096xi32>
    %mul3A_2121 = arith.constant 256 : i32
    %mul3A_2122 = vector.broadcast %mul3A_2121 : i32 to vector<32x4096xi32>
    %mul3A_2123 = arith.muli %shift_right_logical3A_2120, %mul3A_2122 : vector<32x4096xi32>
    %add3A_2124 = vector.broadcast %mul3A_2117 : i32 to vector<32x4096xi32>
    %add3A_2125 = arith.addi %add3A_2124, %mul3A_2123 : vector<32x4096xi32>
    %mul3A_2126 = arith.constant 8 : i32
    %mul3A_2127 = vector.broadcast %mul3A_2126 : i32 to vector<32x4096xi32>
    %mul3A_2128 = arith.muli %add3A_2115, %mul3A_2127 : vector<32x4096xi32>
    %add3A_2129 = arith.addi %add3A_2125, %mul3A_2128 : vector<32x4096xi32>
    %and3A_2130 = arith.constant 7 : i32
    %and3A_2131 = vector.broadcast %and3A_2130 : i32 to vector<32x4096xi32>
    %and3A_2132 = arith.andi %and3A_2112, %and3A_2131 : vector<32x4096xi32>
    %add3A_2133 = arith.addi %add3A_2129, %and3A_2132 : vector<32x4096xi32>
    %swap3A = arith.constant 0 : index
    %swap3A_2134 = arith.constant 0 : index
    %swap3A_2135 = arith.constant 0 : index
    %swap3A_2136 = vector.load %arg3[%swap3A, %swap3A_2134, %swap3A_2135] : memref<1x32x4096xi32, #tpu.memory_space<vmem>>, vector<1x32x4096xi32>
    %swap3A_2137 = vector.shape_cast %swap3A_2136 : vector<1x32x4096xi32> to vector<32x4096xi32>
    %swap3A_2138 = vector.shape_cast %add3A_2133 : vector<32x4096xi32> to vector<1x32x4096xi32>
    tpu.vector_store %arg3[%swap3A, %swap3A_2134, %swap3A_2135], %swap3A_2138 {strides = array<i32>} : memref<1x32x4096xi32, #tpu.memory_space<vmem>>, vector<1x32x4096xi32>,
    return
  }
  func.func @transform_0(%arg0: i32, %arg1: i32) -> (i32, i32, i32) {
    %c0_i32 = arith.constant 0 : i32
    %c0_i32_0 = arith.constant 0 : i32
    return %arg0, %arg1, %c0_i32 : i32, i32, i32
  }
  func.func @transform_1(%arg0: i32, %arg1: i32) -> (i32, i32, i32) {
    %c0_i32 = arith.constant 0 : i32
    %c0_i32_0 = arith.constant 0 : i32
    return %arg0, %arg1, %c0_i32 : i32, i32, i32
  }
}

</mosaic_0001>

<sc_bundles>
// kernel: kernel.5.cloned.1.call-start
scs
__scs_entry_jumppad:
0x0: {  	(pc) =	sbr.rel $0x88, $3  }
0x1: {  	(tag) =	ssettag $0x0;
	lr =	simm.s32 $0x1  }
0x2: {  	[smem:$0x3F9F] =	sst lr;
	_ =	strace $0xD0000000  }
0x3: {  	_ = 	snop  }
0x4: {  	_ = 	snop  }
0x5: {  	_ = 	snop  }
0x6: {  	_ = 	snop  }
0x7: {  	_ = 	snop  }
__scs_overlays_trampoline_lowered:
0x8: {  	[smem:$0x3FAE] =	sst s0  }
0x9: {  	[smem:$0x3FAF] =	sst s1  }
0xa: {  	[smem:$0x3FB0] =	sst s2  }
0xb: {  	[smem:$0x3FB1] =	sst s3  }
0xc: {  	[smem:$0x3FB2] =	sst s4  }
0xd: {  	[smem:$0x3FB3] =	sst s5  }
0xe: {  	[smem:$0x3FB4] =	sst s6  }
0xf: {  	[smem:$0x3FB5] =	sst s7  }
0x10: {  	[smem:$0x3FB6] =	sst s8  }
0x11: {  	[smem:$0x3FB7] =	sst s9;
	s0 =	simm.s32 @!p0 $0x0  }
0x12: {  	s1 =	sld [smem:$0x3F9D];
	s0 =	simm.s32 @p0 $0x1  }
0x13: {  	[smem:$0x3FB8] =	sst s0;
	s0 =	simm.s32 @!p1 $0x0  }
0x14: {  	s2 =	sld [smem:$0x3F9C];
	s0 =	simm.s32 @p1 $0x1  }
0x15: {  	[smem:$0x3FB9] =	sst s0;
	s0 =	simm.s32 @!p2 $0x0  }
0x16: {  	s3 =	sld [smem:$0x3FDB];
	s0 =	simm.s32 @p2 $0x1  }
0x17: {  	s4 =	simm.s32 $0x1BF5;
	[smem:$0x3FBB] =	sst s0  }
0x18: {  	s0 =	sld [smem:$0x3F9E];
	_ =	swait.ge [sflag:s4], $0x0  }
0x19: {  	s7 =	sld [smem:$0x3F9F]  }
0x1a: {  	s8 =	sadd.s32 $0xFFFFE003, lr  }
0x1b: {  	s9 =	sadd.s32 $0xFFFFFEF7, lr;
	s5 =	simm.s32 $0xFFFFFFFF;
	p2 =	slt.u32 s8, $0xFFFFF086  }
0x1c: {  	p1 =	slt.u32 s9, $0xF7A;
	s5 =	simm.s32 @!p2 $0x0  }
0x1d: {  	s5 =	simm.s32 @p1 $0x1;
	p0 =	seq.s32 s7, s2  }
0x1e: {  	s7 =	smul.u32 @!p0 $0xF7A, s2;
	p2 =	seq.s32 @!p0 s5, $0x0  }
0x1f: {  	s9 =	smul.u32 $0xF7A, s1;
	s8 =	simm.s32 @!p0 $0x1BF5;
	p2 =	por !p2, p0  }
0x20: {  	[sflag:s8] =	ssyncset.s32 @!p0 $0xFFFFF086;
	s6 =	sadd.s32 @!p0 s3, s7;
	s7 =	simm.s32 @!p0 $0x108  }
0x21: {  	s3 =	sadd.s32 s3, s9;
	s6 =	sadd.s32 @!p0 $0x88, s6;
	s7 =	simm.s32 @p2 $0x1082  }
0x22: {  	[simem:s7], [sflag:s8] =	dma.local @!p0 [hbm:s6], $0xF7A  }
0x23: {  	s9 =	sor.u32 $0xD0000000, s2;
	s6 =	simm.s32 $0x108;
	_ =	swait.ge @!p0 [sflag:s8], $0x0  }
0x24: {  	s3 =	sadd.s32 $0x88, s3;
	s6 =	simm.s32 @!p1 $0x1082;
	[sflag:s4] =	ssyncset.s32 $0xFFFFF086  }
0x25: {  	[simem:s6], [sflag:s4] =	dma.local [hbm:s3], $0xF7A  }
0x26: {  	[smem:$0x3F9F] =	sst s1;
	(tag) =	ssettag s2;
	_ =	strace s9  }
0x27: {  	s1 =	sld [smem:$0x3FAF]  }
0x28: {  	s2 =	sld [smem:$0x3FB0]  }
0x29: {  	s4 =	sld [smem:$0x3FB2]  }
0x2a: {  	p0 =	seq.s32 s5, $0x0;
	s5 =	sld [smem:$0x3FB3]  }
0x2b: {  	s6 =	sld [smem:$0x3FB4]  }
0x2c: {  	s7 =	sld [smem:$0x3FB5]  }
0x2d: {  	s3 =	simm.s32 $0x108;
	s8 =	sld [smem:$0x3FB6]  }
0x2e: {  	s3 =	simm.s32 @!p0 $0x1082;
	s9 =	sld [smem:$0x3FB7]  }
0x2f: {  	lr =	sadd.s32 s0, s3;
	s0 =	sld [smem:$0x3FAE]  }
0x30: {  	s3 =	sld [smem:$0x3FB1]  }
0x31: {  	[smem:$0x3FBA] =	sst s10  }
0x32: {  	s10 =	sld [smem:$0x3FB8];
	_ =	sdelay $0x3  }
0x33: {  	p0 =	seq.s32 s10, $0x1;
	s10 =	sld [smem:$0x3FBA];
	_ =	sdelay $0x3  }
0x34: {  	[smem:$0x3FBA] =	sst s10  }
0x35: {  	s10 =	sld [smem:$0x3FB9];
	_ =	sdelay $0x3  }
0x36: {  	p1 =	seq.s32 s10, $0x1;
	s10 =	sld [smem:$0x3FBA];
	_ =	sdelay $0x3  }
0x37: {  	[smem:$0x3FBA] =	sst s10  }
0x38: {  	s10 =	sld [smem:$0x3FBB]  }
0x39: {  	_ = 	snop;
	(pc) =	sbr.ind lr, $3  }
0x3a: {  	_ = 	snop  }
0x3b: {  	_ = 	snop  }
0x3c: {  	p2 =	seq.s32 s10, $0x1;
	s10 =	sld [smem:$0x3FBA]  }
0x3d: {  	_ =	shalt  }
0x3e: {  	_ =	shalt  }
0x3f: {  	_ =	shalt  }
0x40: {  	_ =	shalt  }
0x41: {  	_ =	shalt  }
0x42: {  	_ =	shalt  }
0x43: {  	_ =	shalt  }
0x44: {  	_ =	shalt  }
0x45: {  	_ =	shalt  }
0x46: {  	_ =	shalt  }
0x47: {  	_ =	shalt  }
0x48: {  	_ =	shalt  }
0x49: {  	_ =	shalt  }
0x4a: {  	_ =	shalt  }
0x4b: {  	_ =	shalt  }
0x4c: {  	_ =	shalt  }
0x4d: {  	_ =	shalt  }
0x4e: {  	_ =	shalt  }
0x4f: {  	_ =	shalt  }
0x50: {  	_ =	shalt  }
0x51: {  	_ =	shalt  }
0x52: {  	_ =	shalt  }
0x53: {  	_ =	shalt  }
0x54: {  	_ =	shalt  }
0x55: {  	_ =	shalt  }
0x56: {  	_ =	shalt  }
0x57: {  	_ =	shalt  }
0x58: {  	_ =	shalt  }
0x59: {  	_ =	shalt  }
0x5a: {  	_ =	shalt  }
0x5b: {  	_ =	shalt  }
0x5c: {  	_ =	shalt  }
0x5d: {  	_ =	shalt  }
0x5e: {  	_ =	shalt  }
0x5f: {  	_ =	shalt  }
0x60: {  	_ =	shalt  }
0x61: {  	_ =	shalt  }
0x62: {  	_ =	shalt  }
0x63: {  	_ =	shalt  }
0x64: {  	_ =	shalt  }
0x65: {  	_ =	shalt  }
0x66: {  	_ =	shalt  }
0x67: {  	_ =	shalt  }
0x68: {  	_ =	shalt  }
0x69: {  	_ =	shalt  }
0x6a: {  	_ =	shalt  }
0x6b: {  	_ =	shalt  }
0x6c: {  	_ =	shalt  }
0x6d: {  	_ =	shalt  }
0x6e: {  	_ =	shalt  }
0x6f: {  	_ =	shalt  }
0x70: {  	_ =	shalt  }
0x71: {  	_ =	shalt  }
0x72: {  	_ =	shalt  }
0x73: {  	_ =	shalt  }
0x74: {  	_ =	shalt  }
0x75: {  	_ =	shalt  }
0x76: {  	_ =	shalt  }
0x77: {  	_ =	shalt  }
0x78: {  	_ =	shalt  }
0x79: {  	_ =	shalt  }
0x7a: {  	_ =	shalt  }
0x7b: {  	_ =	shalt  }
0x7c: {  	_ =	shalt  }
0x7d: {  	_ =	shalt  }
0x7e: {  	_ =	shalt  }
0x7f: {  	_ =	shalt  }
0x80: {  	_ =	shalt  }
0x81: {  	_ =	shalt  }
0x82: {  	_ =	shalt  }
0x83: {  	_ =	shalt  }
0x84: {  	_ =	shalt  }
0x85: {  	_ =	shalt  }
0x86: {  	_ =	shalt  }
0x87: {  	_ =	shalt  }
.Lfunc_end0:
.L_simem_size_0:
called_computation_lowered:
.L_overlay_start_0:
0x88: {  	s2 =	sld [smem:$0x3FD9]  }
0x89: {  	s3 =	sld [smem:$0x3FFE];
	_ =	sdelay $0x1  }
0x8a: {  	s1 =	srdreg.scid  }
0x8b: {  	s0 =	sand.u32 $0x1, s1  }
0x8c: {  	s17 =	sshll.u32 s0, $0xA;
	s2 =	sadd.s32 s3, s2  }
0x8d: {  	s2 =	sadd.s32 s2, s17  }
0x8e: {  	[smem:$0x3FC6] =	sst s2  }
0x8f: {  	_ = 	snop  }
0x90: {  	s2 =	sld [smem:$0x3FC9]  }
0x91: {  	s18 =	sld [smem:$0x3FD0];
	(tm) =	ssettm $0x1  }
0x92: {  	s4 =	sld [smem:$0x3FFB];
	_ =	sdelay $0x3  }
0x93: {  	_ =	strace s4  }
0x94: {  	s4 =	sld [smem:$0x3FFC];
	_ =	sdelay $0x3  }
0x95: {  	_ =	strace s4  }
0x96: {  	s4 =	sld [smem:$0x3FFD];
	_ =	sdelay $0x3  }
0x97: {  	_ =	strace s4  }
0x98: {  	_ =	strace $0x8FFFFFFF  }
0x99: {  	s19 =	sld [smem:$0x3FDB];
	_ =	sdelay $0x1  }
0x9a: {  	s5 =	simm.s32 $_scs_section_size  }
0x9b: {  	s6 =	simm.s32 $_size__tile_overlayer_lowered;
	s7 =	simm.s32 $_tile_overlayer_lowered  }
0x9c: {  	s22 =	simm.s32 $0x1BFF;
	s21 =	sshll.u32 s7, $0x1;
	s4 =	sadd.s32 s5, s19  }
0x9d: {  	s8 =	simm.s32 $0x0;
	s20 =	sshll.u32 s6, $0x1;
	s6 =	sadd.s32 s21, s4  }
0x9e: {  	[timem:s8], [sflag:s22] =	dma.local [hbm:s6], s20  }
0x9f: {  	_ =	swait.ge [sflag:s22], s20  }
0xa0: {  	s5 =	ssub.s32 $0x0, s20;
	[sflag:s22] =	ssyncset.done $0x0  }
0xa1: {  	[sflag:s22] =	ssyncadd.s32 s5;
	_ =	sdelay $0x1  }
0xa2: {  	s23 =	simm.s32 $0x1B8B  }
0xa3: {  	_ =	swait.ge [sflag:s23], $0x1  }
0xa4: {  	[sflag:s23] =	ssyncset.done $0x0  }
0xa5: {  	s25 =	simm.s32 $0x1B8E;
	s24 =	sld [smem:$0x3FFE];
	[sflag:s23] =	ssyncadd.s32 $0xFFFFFFFF  }
0xa6: {  	s26 =	simm.s32 $execute0_lowered;
	[smem:$0x3FD2] =	sst s25  }
0xa7: {  	s6 =	sshll.u32 s26, $0x1;
	_ =	strace $0x80000046;
	[dreg:$0x1] =	wrdreg $0xFFFFFFFF  }
0xa8: {  	s28 =	simm.s32 $_size_execute0_lowered;
	s4 =	sadd.s32 s4, s6;
	[dreg:$0x0] =	wrdreg $0x0  }
0xa9: {  	s6 =	sshll.u32 s28, $0x1;
	[dreg:$0x2] =	wrdreg s4  }
0xaa: {  	[dreg:$0x3] =	wrdreg s6  }
0xab: {  	[dreg:$0x4] =	wrdreg $0xC0  }
0xac: {  	_ =	task [dreg:s8], $0x5FFFF  }
0xad: {  	[dreg:$0x1] =	wrdreg $0xFFFFFFFF  }
0xae: {  	[dreg:$0x0] =	wrdreg $0x60  }
0xaf: {  	[dreg:$0x2] =	wrdreg s2  }
0xb0: {  	[dreg:$0x3] =	wrdreg s24  }
0xb1: {  	[dreg:$0x4] =	wrdreg s18  }
0xb2: {  	[dreg:$0x5] =	wrdreg $0x9  }
0xb3: {  	_ =	task.clear_ibuf [dreg:s8], $0x6FFFF;
	_ =	strace $0x90000046  }
0xb4: {  	s29 =	simm.s32 $0x9;
	_ =	strace $0x80000048  }
0xb5: {  	_ =	swait.ge [sflag:s29], $0x1  }
0xb6: {  	[sflag:s29] =	ssyncadd.s32 $0xFFFFFFFF  }
0xb7: {  	_ =	strace $0x90000048  }
0xb8: {  	_ =	sfence  }
0xb9: {  	s30 =	sld [smem:$0x0];
	_ =	sdelay $0x2  }
0xba: {  	s31 =	sshll.u32 s1, $0xD;
	s1 =	sshrl.u32 s1, $0x2  }
0xbb: {  	s3 =	sand.u32 $0x4000, s31;
	s1 =	sadd.s32 s1, s30  }
0xbc: {  	s0 =	sor.u32 s3, s0;
	s1 =	sshll.u32 s1, $0x11  }
0xbd: {  	s0 =	sor.u32 s1, s0  }
0xbe: {  	s0 =	sadd.s32 $0x8F2B, s0  }
0xbf: {  	[sflag:s0] =	ssyncadd.remote.s32 $0x1  }
0xc0: {  	_ =	sfence.sel $0xFFFF  }
0xc1: {  	[dreg:$0x0] =	wrdreg $0xFFFFFFFF;
	(pc) =	sbr.abs _section_cstart, $3  }
0xc2: {  	[dreg:$0x1] =	wrdreg $0xFFFFFFFF  }
0xc3: {  	_ =	task.clear_ibuf [dreg:s8], $0x2FFFF;
	_ =	strace $0x9FFFFFFF  }
0xc4: {  	(tm) =	ssettm $0x7FFFFFFF  }
0xc5: {  	_ =	shalt  }
tec
execute0_lowered:
.L_overlay_start_1:
0x0: {  	(tag) =	ssettag $0x1  }
0x1: {  	s1 =	rddreg [dreg:$0x0]  }
0x2: {  	s5 =	rddreg [dreg:$0x1]  }
0x3: {  	s2 =	rddreg [dreg:$0x2]  }
0x4: {  	s0 =	rddreg [dreg:$0x3];
	s3 =	simm.s32 $0x0  }
0x5: {  	s4 =	srdreg.scid;
	s9 =	simm.s32 $0x4000;
	s10 =	simm.s32 $0x8000  }
0x6: {  	s11 =	simm.s32 $0x1;
	s12 =	simm.s32 $0x100;
	s13 =	simm.s32 $0xC000  }
0x7: {  	s14 =	simm.s32 $0x180;
	s15 =	simm.s32 $0x10000;
	s16 =	simm.s32 $0x2  }
0x8: {  	s17 =	simm.s32 $0x3;
	s18 =	simm.s32 $0x4;
	s19 =	simm.s32 $0x0  }
0x9: {  	[smem:$0x7FF] =	sst s3;
	s6 =	sand.u32 $0x1, s4;
	s4 =	stileid.u32  }
0xa: {  	s7 =	sshll.u32 s6, $0xB;
	s6 =	ssub.s32 $0x2, s6;
	s8 =	sshll.u32 s4, $0xC  }
0xb: {  	_ =	strace $0x80000047;
	s5 =	sadd.s32 s7, s5;
	s31 =	sshrl.u32 s6, $0x1  }
0xc: {  	s7 =	simm.s32 $0x5;
	s6 =	ssub.s32 s6, s31;
	s5 =	sadd.s32 s8, s5  }
0xd: {  	s8 =	simm.s32 $0x80;
	s5 =	sadd.s32 $0x600, s5;
	s6 =	smax.u32 s6, $0x1  }
.LBB2_1:
0xe: {  	[tilespmem:s3], [sflag:$0x5] =	stream.linear.gather [hbm4b:s5+s3], $0x4000, $0x38;
	[tilespmem:$0x14000] =	vst v63  }
0xf: {  	_ =	swait.ge [sflag:s7], $0x4000  }
0x10: {  	[sflag:s7] =	ssyncset.done $0x0  }
0x11: {  	[sflag:s7] =	ssyncadd.s32 $0xFFFFC000  }
0x12: {  	[tilespmem:s9], [sflag:$0x1] =	stream.indirect.gather [hbm4b:s1+s8], $0x80, s3, s8, $0xb8;
	[tilespmem:$0x14000] =	vst v63  }
0x13: {  	_ = 	snop  }
0x14: {  	[tilespmem:s10], [sflag:$0x1] =	stream.indirect.gather [hbm4b:s1+s8], $0x80, s8, s8, $0xb8;
	[tilespmem:$0x14000] =	vst v63  }
0x15: {  	_ =	swait.ge [sflag:s11], $0x4000  }
0x16: {  	[sflag:s11] =	ssyncset.done $0x0  }
0x17: {  	[sflag:s11] =	ssyncadd.s32 $0xFFFFC000  }
0x18: {  	_ =	swait.ge [sflag:s11], $0x4000  }
0x19: {  	[sflag:s11] =	ssyncset.done $0x0  }
0x1a: {  	[sflag:s11] =	ssyncadd.s32 $0xFFFFC000  }
0x1b: {  	[hbm4b:s2+s8] =	stream.indirect.scatter [tilespmem:s9], [sflag:$0x3], $0x80, s3, s8, $0xb8;
	[tilespmem:$0x14000] =	vst v63  }
0x1c: {  	_ = 	snop  }
0x1d: {  	[hbm4b:s2+s8] =	stream.indirect.scatter [tilespmem:s10], [sflag:$0x3], $0x80, s8, s8, $0xb8;
	[tilespmem:$0x14000] =	vst v63  }
0x1e: {  	_ = 	snop  }
0x1f: {  	[tilespmem:s13], [sflag:$0x2] =	stream.indirect.gather [hbm4b:s1+s8], $0x80, s12, s8, $0xb8;
	[tilespmem:$0x14000] =	vst v63  }
0x20: {  	_ = 	snop  }
0x21: {  	[tilespmem:s15], [sflag:$0x2] =	stream.indirect.gather [hbm4b:s1+s8], $0x80, s14, s8, $0xb8;
	[tilespmem:$0x14000] =	vst v63  }
0x22: {  	_ =	swait.ge [sflag:s16], $0x4000  }
0x23: {  	[sflag:s16] =	ssyncset.done $0x0  }
0x24: {  	[sflag:s16] =	ssyncadd.s32 $0xFFFFC000  }
0x25: {  	_ =	swait.ge [sflag:s16], $0x4000  }
0x26: {  	[sflag:s16] =	ssyncset.done $0x0  }
0x27: {  	[sflag:s16] =	ssyncadd.s32 $0xFFFFC000  }
0x28: {  	[hbm4b:s2+s8] =	stream.indirect.scatter [tilespmem:s13], [sflag:$0x4], $0x80, s12, s8, $0xb8;
	[tilespmem:$0x14000] =	vst v63  }
0x29: {  	_ = 	snop  }
0x2a: {  	[hbm4b:s2+s8] =	stream.indirect.scatter [tilespmem:s15], [sflag:$0x4], $0x80, s14, s8, $0xb8;
	[tilespmem:$0x14000] =	vst v63  }
0x2b: {  	_ =	swait.ge [sflag:s17], $0x4000  }
0x2c: {  	[sflag:s17] =	ssyncset.done $0x0  }
0x2d: {  	[sflag:s17] =	ssyncadd.s32 $0xFFFFC000  }
0x2e: {  	_ =	swait.ge [sflag:s17], $0x4000  }
0x2f: {  	[sflag:s17] =	ssyncset.done $0x0  }
0x30: {  	s20 =	simm.s32 $0x200;
	[sflag:s17] =	ssyncadd.s32 $0xFFFFC000  }
0x31: {  	[tilespmem:s9], [sflag:$0x1] =	stream.indirect.gather [hbm4b:s1+s8], $0x80, s20, s8, $0xb8;
	[tilespmem:$0x14000] =	vst v63  }
0x32: {  	s21 =	simm.s32 $0x280  }
0x33: {  	[tilespmem:s10], [sflag:$0x1] =	stream.indirect.gather [hbm4b:s1+s8], $0x80, s21, s8, $0xb8;
	[tilespmem:$0x14000] =	vst v63  }
0x34: {  	_ =	swait.ge [sflag:s11], $0x4000  }
0x35: {  	[sflag:s11] =	ssyncset.done $0x0  }
0x36: {  	[sflag:s11] =	ssyncadd.s32 $0xFFFFC000  }
0x37: {  	_ =	swait.ge [sflag:s11], $0x4000  }
0x38: {  	[sflag:s11] =	ssyncset.done $0x0  }
0x39: {  	[sflag:s11] =	ssyncadd.s32 $0xFFFFC000  }
0x3a: {  	[hbm4b:s2+s8] =	stream.indirect.scatter [tilespmem:s9], [sflag:$0x3], $0x80, s20, s8, $0xb8;
	[tilespmem:$0x14000] =	vst v63  }
0x3b: {  	_ = 	snop  }
0x3c: {  	[hbm4b:s2+s8] =	stream.indirect.scatter [tilespmem:s10], [sflag:$0x3], $0x80, s21, s8, $0xb8;
	[tilespmem:$0x14000] =	vst v63  }
0x3d: {  	_ =	swait.ge [sflag:s18], $0x4000  }
0x3e: {  	[sflag:s18] =	ssyncset.done $0x0  }
0x3f: {  	[sflag:s18] =	ssyncadd.s32 $0xFFFFC000  }
0x40: {  	_ =	swait.ge [sflag:s18], $0x4000  }
0x41: {  	[sflag:s18] =	ssyncset.done $0x0  }
0x42: {  	s31 =	simm.s32 $0x300;
	[sflag:s18] =	ssyncadd.s32 $0xFFFFC000  }
0x43: {  	[tilespmem:s13], [sflag:$0x2] =	stream.indirect.gather [hbm4b:s1+s8], $0x80, s31, s8, $0xb8;
	[tilespmem:$0x14000] =	vst v63  }
0x44: {  	s21 =	simm.s32 $0x380  }
0x45: {  	[tilespmem:s15], [sflag:$0x2] =	stream.indirect.gather [hbm4b:s1+s8], $0x80, s21, s8, $0xb8;
	[tilespmem:$0x14000] =	vst v63  }
0x46: {  	_ =	swait.ge [sflag:s16], $0x4000  }
0x47: {  	[sflag:s16] =	ssyncset.done $0x0  }
0x48: {  	[sflag:s16] =	ssyncadd.s32 $0xFFFFC000  }
0x49: {  	_ =	swait.ge [sflag:s16], $0x4000  }
0x4a: {  	[sflag:s16] =	ssyncset.done $0x0  }
0x4b: {  	s20 =	simm.s32 $0xFFFF1000;
	[sflag:s16] =	ssyncadd.s32 $0xFFFFC000  }
0x4c: {  	[hbm4b:s2+s8] =	stream.indirect.scatter [tilespmem:s13], [sflag:$0x4], $0x80, s31, s8, $0xb8;
	[tilespmem:$0x14000] =	vst v63  }
.LBB2_2:
0x4d: {  	[hbm4b:s2+s8] =	stream.indirect.scatter [tilespmem:s15], [sflag:$0x4], $0x80, s21, s8, $0xb8;
	[tilespmem:$0x14000] =	vst v63  }
0x4e: {  	s21 =	smov.u32 s20  }
0x4f: {  	p0 =	sne.s32 s20, $0xFFFFF800;
	s20 =	sadd.s32 $0x800, s20;
	_ =	swait.ge [sflag:s17], $0x4000  }
0x50: {  	[sflag:s17] =	ssyncset.done $0x0  }
0x51: {  	[sflag:s17] =	ssyncadd.s32 $0xFFFFC000  }
0x52: {  	_ =	swait.ge [sflag:s17], $0x4000  }
0x53: {  	s21 =	sshra.s32 s21, $0x2;
	[sflag:s17] =	ssyncset.done $0x0  }
0x54: {  	s22 =	sadd.s32 $0x4000, s21;
	[sflag:s17] =	ssyncadd.s32 $0xFFFFC000  }
0x55: {  	[tilespmem:s9], [sflag:$0x1] =	stream.indirect.gather [hbm4b:s1+s8], $0x80, s22, s8, $0xb8;
	[tilespmem:$0x14000] =	vst v63  }
0x56: {  	s23 =	sadd.s32 $0x4080, s21  }
0x57: {  	[tilespmem:s10], [sflag:$0x1] =	stream.indirect.gather [hbm4b:s1+s8], $0x80, s23, s8, $0xb8;
	[tilespmem:$0x14000] =	vst v63  }
0x58: {  	_ =	swait.ge [sflag:s11], $0x4000  }
0x59: {  	[sflag:s11] =	ssyncset.done $0x0  }
0x5a: {  	[sflag:s11] =	ssyncadd.s32 $0xFFFFC000  }
0x5b: {  	_ =	swait.ge [sflag:s11], $0x4000  }
0x5c: {  	[sflag:s11] =	ssyncset.done $0x0  }
0x5d: {  	[sflag:s11] =	ssyncadd.s32 $0xFFFFC000  }
0x5e: {  	[hbm4b:s2+s8] =	stream.indirect.scatter [tilespmem:s9], [sflag:$0x3], $0x80, s22, s8, $0xb8;
	[tilespmem:$0x14000] =	vst v63  }
0x5f: {  	_ = 	snop  }
0x60: {  	[hbm4b:s2+s8] =	stream.indirect.scatter [tilespmem:s10], [sflag:$0x3], $0x80, s23, s8, $0xb8;
	[tilespmem:$0x14000] =	vst v63  }
0x61: {  	_ =	swait.ge [sflag:s18], $0x4000  }
0x62: {  	[sflag:s18] =	ssyncset.done $0x0  }
0x63: {  	[sflag:s18] =	ssyncadd.s32 $0xFFFFC000  }
0x64: {  	_ =	swait.ge [sflag:s18], $0x4000  }
0x65: {  	[sflag:s18] =	ssyncset.done $0x0  }
0x66: {  	s22 =	sadd.s32 $0x4100, s21;
	[sflag:s18] =	ssyncadd.s32 $0xFFFFC000  }
0x67: {  	[tilespmem:s13], [sflag:$0x2] =	stream.indirect.gather [hbm4b:s1+s8], $0x80, s22, s8, $0xb8;
	[tilespmem:$0x14000] =	vst v63  }
0x68: {  	s21 =	sadd.s32 $0x4180, s21  }
0x69: {  	[tilespmem:s15], [sflag:$0x2] =	stream.indirect.gather [hbm4b:s1+s8], $0x80, s21, s8, $0xb8;
	[tilespmem:$0x14000] =	vst v63  }
0x6a: {  	_ =	swait.ge [sflag:s16], $0x4000  }
0x6b: {  	[sflag:s16] =	ssyncset.done $0x0  }
.Ltmp0:
0x6c: {  	[sflag:s16] =	ssyncadd.s32 $0xFFFFC000;
	(pc) =	sbr.rel @p0 .LBB2_2-.Ltmp0, $4  }
0x6d: {  	_ =	swait.ge [sflag:s16], $0x4000  }
0x6e: {  	[sflag:s16] =	ssyncset.done $0x0  }
0x6f: {  	[sflag:s16] =	ssyncadd.s32 $0xFFFFC000  }
0x70: {  	[hbm4b:s2+s8] =	stream.indirect.scatter [tilespmem:s13], [sflag:$0x4], $0x80, s22, s8, $0xb8;
	[tilespmem:$0x14000] =	vst v63  }
0x71: {  	[hbm4b:s2+s8] =	stream.indirect.scatter [tilespmem:s15], [sflag:$0x4], $0x80, s21, s8, $0xb8;
	[tilespmem:$0x14000] =	vst v63  }
0x72: {  	_ =	swait.ge [sflag:s17], $0x4000  }
0x73: {  	[sflag:s17] =	ssyncset.done $0x0  }
0x74: {  	[sflag:s17] =	ssyncadd.s32 $0xFFFFC000  }
0x75: {  	_ =	swait.ge [sflag:s17], $0x4000  }
0x76: {  	[sflag:s17] =	ssyncset.done $0x0  }
0x77: {  	s19 =	sadd.s32 $0x1, s19;
	[sflag:s17] =	ssyncadd.s32 $0xFFFFC000  }
0x78: {  	p0 =	sne.s32 s19, s6;
	_ =	swait.ge [sflag:s18], $0x4000  }
.Ltmp1:
0x79: {  	[sflag:s18] =	ssyncset.done $0x0;
	(pc) =	sbr.rel @p0 .LBB2_1-.Ltmp1, $4  }
0x7a: {  	[sflag:s18] =	ssyncadd.s32 $0xFFFFC000  }
0x7b: {  	_ =	swait.ge [sflag:s18], $0x4000  }
0x7c: {  	[sflag:s18] =	ssyncset.done $0x0  }
0x7d: {  	[sflag:s18] =	ssyncadd.s32 $0xFFFFC000  }
0x7e: {  	_ =	sfence.sel $0x180000  }
0x7f: {  	[bflag:$0x0] =	sbarrier.arrive $0xFFFF  }
0x80: {  	p0 =	sne.s32 s4, $0x0;
	_ =	strace $0x90000047  }
0x81: {  	s0 =	sadd.s32 @!p0 $0x100000, s0;
	[bflag:$0x2] =	sbarrier.arrive $0xFFFF  }
0x82: {  	[sflag:s0] =	ssyncadd.tile.s32 @!p0 $0x1;
	_ =	shalt  }
.Lfunc_end2:
_tile_overlayer_lowered:
.L_overlay_start_2:
0x83: {  	(tag) =	ssettag $0x2  }
0x84: {  	s0 =	rddreg [dreg:$0x0];
	s2 =	stileid.u32  }
0x85: {  	s1 =	rddreg [dreg:$0x1];
	p0 =	sne.s32 s2, $0x0  }
0x86: {  	s3 =	rddreg [dreg:$0x2];
	[bflag:$0x3] =	sbarrier.arrive $0xFFFF;
	s2 =	simm.s32 @!p0 $0x1C05  }
0x87: {  	[timem:s3], [sflag:s2] =	dma.local @!p0 [hbm:s0], s1  }
0x88: {  	s0 =	simm.s32 @!p0 $0x5  }
0x89: {  	_ =	swait.ge @!p0 [sflag:s0], s1  }
0x8a: {  	s1 =	ssub.s32 @!p0 $0x0, s1;
	[sflag:s0] =	ssyncset.done @!p0 $0x0  }
0x8b: {  	[sflag:s0] =	ssyncadd.s32 @!p0 s1  }
0x8c: {  	[bflag:$0x3] =	sbarrier.arrive $0xFFFF  }
0x8d: {  	_ =	shalt  }

</sc_bundles>
